<compile_context>
chip_gen: v7x
topology: tpu7x:2x2x1
jax: 0.10.2.dev20260603
libtpu: 0.0.44.dev20260713+nightly
codegen_flags: <defaults>
</compile_context>

<pallas_src>
import dataclasses
import functools

import jax
import jax.numpy as jnp
from jax import lax
from jax.experimental import pallas as pl
from jax.experimental.pallas import tpu as pltpu
from jax.experimental.pallas import tpu_sc as plsc

NC = 2
NS = 16
L = 16
NW = NC * NS
CHA = 200
CHB = 400
CHC = 200


def _mesh():
    return plsc.VectorSubcoreMesh(core_axis_name="c", subcore_axis_name="s")


def _sc_params():
    cp = pltpu.CompilerParams()
    if "needs_layout_passes" in pltpu.CompilerParams.__dataclass_fields__:
        cp = dataclasses.replace(cp, needs_layout_passes=False)
    return cp


def _row_split(n):
    main = ((n // 8) // NS) * 8
    return main, n - main * NS


def _zero_rows(zbuf, dst_ref, start, rows, piece):
    for o0 in range(0, rows, piece):
        sz = min(piece, rows - o0)
        pltpu.sync_copy(zbuf.at[pl.ds(0, sz)],
                        dst_ref.at[pl.ds(start + o0, sz)])


def _copy_rows(src_ref, sstart, dst_ref, dstart, rows, piece=400):
    for o0 in range(0, rows, piece):
        sz = min(piece, rows - o0)
        pltpu.sync_copy(src_ref.at[pl.ds(sstart + o0, sz)],
                        dst_ref.at[pl.ds(dstart + o0, sz)])


def _sc_cnt(dst, et, n, e, r):
    epw = e // NW
    nch = epw // CHA
    main, extra = _row_split(n)

    @functools.partial(
        pl.kernel,
        out_type=jax.ShapeDtypeStruct((NC * n, 128), jnp.float32),
        mesh=_mesh(),
        compiler_params=_sc_params(),
        scratch_types=[
            pltpu.VMEM((CHA,), jnp.int32),
            pltpu.VMEM((CHA,), jnp.int32),
            pltpu.VMEM((CHA, 128), jnp.float32),
            pltpu.VMEM_SHARED((n, 128), jnp.float32),
        ],
    )
    def k(dst_hbm, et_hbm, cntp_hbm, dstv, etv, oh, cnt_sh):
        c = lax.axis_index("c")
        s = lax.axis_index("s")
        wid = s * NC + c
        iota = lax.broadcasted_iota(jnp.int32, (L,), 0)
        zero = jnp.zeros((L,), jnp.float32)
        one = jnp.ones((L,), jnp.float32)

        @pl.loop(0, CHA)
        def _(i):
            for q in range(128 // L):
                oh[i, pl.ds(q * L, L)] = zero

        _zero_rows(oh, cnt_sh, s * main, main, CHA)
        if extra:
            @pl.when(s == NS - 1)
            def _():
                _zero_rows(oh, cnt_sh, NS * main, extra, CHA)
        plsc.subcore_barrier()

        @pl.loop(0, nch)
        def _(j):
            off = wid * epw + j * CHA
            pltpu.sync_copy(dst_hbm.at[pl.ds(off, CHA)], dstv)
            pltpu.sync_copy(et_hbm.at[pl.ds(off, CHA)], etv)

            @pl.loop(0, CHA)
            def _(i):
                t16 = plsc.load_gather(etv, [jnp.full((L,), i, jnp.int32)])
                oh[i, pl.ds(0, L)] = jnp.where(iota == t16, one, zero)

            pltpu.sync_copy(oh, cnt_sh.at[dstv], add=True)

        plsc.subcore_barrier()
        _copy_rows(cnt_sh, s * main, cntp_hbm, c * n + s * main, main)
        if extra:
            @pl.when(s == NS - 1)
            def _():
                _copy_rows(cnt_sh, NS * main, cntp_hbm, c * n + NS * main,
                           extra)

    return k(dst, et)


def _merge_body(a_ref, b_ref, o_ref):
    o_ref[...] = a_ref[...] + b_ref[...]


def _merge(a, b, n):
    bn = 2000 if n % 2000 == 0 else n
    return pl.pallas_call(
        _merge_body,
        grid=(n // bn,),
        in_specs=[
            pl.BlockSpec((bn, 128), lambda i: (i, 0)),
            pl.BlockSpec((bn, 128), lambda i: (i, 0)),
        ],
        out_specs=pl.BlockSpec((bn, 128), lambda i: (i, 0)),
        out_shape=jax.ShapeDtypeStruct((n, 128), jnp.float32),
    )(a, b)


def _sc_wg(src, dst, et, cm, n, e, r):
    epw = e // NW
    nch = epw // CHB

    @functools.partial(
        pl.kernel,
        out_type=(jax.ShapeDtypeStruct((e,), jnp.float32),
                  jax.ShapeDtypeStruct((e,), jnp.int32)),
        mesh=_mesh(),
        compiler_params=_sc_params(),
        scratch_types=[
            pltpu.VMEM((CHB,), jnp.int32),
            pltpu.VMEM((CHB,), jnp.int32),
            pltpu.VMEM((CHB,), jnp.int32),
            pltpu.VMEM((CHB, 128), jnp.float32),
            pltpu.VMEM((CHB,), jnp.float32),
            pltpu.VMEM((CHB,), jnp.int32),
        ],
    )
    def k(src_hbm, dst_hbm, et_hbm, cm_hbm, w_hbm, g_hbm,
          srcv, dstv, etv, c0, wv, gv):
        c = lax.axis_index("c")
        s = lax.axis_index("s")
        wid = s * NC + c
        iota = lax.broadcasted_iota(jnp.int32, (L,), 0)

        @pl.loop(0, nch)
        def _(j):
            off = wid * epw + j * CHB
            pltpu.sync_copy(src_hbm.at[pl.ds(off, CHB)], srcv)
            pltpu.sync_copy(dst_hbm.at[pl.ds(off, CHB)], dstv)
            pltpu.sync_copy(et_hbm.at[pl.ds(off, CHB)], etv)
            pltpu.sync_copy(cm_hbm.at[dstv], c0)

            @pl.loop(0, CHB // L)
            def _(g):
                rowids = iota + g * L
                e16 = etv[pl.ds(g * L, L)]
                s16 = srcv[pl.ds(g * L, L)]
                v = plsc.load_gather(c0, [rowids, e16])
                wv[pl.ds(g * L, L)] = 1.0 / jnp.maximum(v, 1.0)
                gv[pl.ds(g * L, L)] = s16 * r + e16

            pltpu.sync_copy(wv, w_hbm.at[pl.ds(off, CHB)])
            pltpu.sync_copy(gv, g_hbm.at[pl.ds(off, CHB)])

    return k(src, dst, et, cm)


def _sc_agg(y, gidx, w, dst, n, d, e):
    epw = e // NW
    nch = epw // CHC
    main, extra = _row_split(n)

    @functools.partial(
        pl.kernel,
        out_type=jax.ShapeDtypeStruct((NC * n, d), jnp.float32),
        mesh=_mesh(),
        compiler_params=_sc_params(),
        scratch_types=[
            pltpu.VMEM((CHC,), jnp.int32),
            pltpu.VMEM((CHC,), jnp.float32),
            pltpu.VMEM((CHC,), jnp.int32),
            pltpu.VMEM((CHC, d), jnp.float32),
            pltpu.VMEM_SHARED((n, d), jnp.float32),
        ],
    )
    def k(y_hbm, g_hbm, w_hbm, dst_hbm, accp_hbm, gvv, wvv, dstv, rows, acc_sh):
        c = lax.axis_index("c")
        s = lax.axis_index("s")
        wid = s * NC + c
        zero = jnp.zeros((L,), jnp.float32)

        @pl.loop(0, CHC)
        def _(i):
            for q in range(d // L):
                rows[i, pl.ds(q * L, L)] = zero

        _zero_rows(rows, acc_sh, s * main, main, CHC)
        if extra:
            @pl.when(s == NS - 1)
            def _():
                _zero_rows(rows, acc_sh, NS * main, extra, CHC)
        plsc.subcore_barrier()

        @pl.loop(0, nch)
        def _(j):
            off = wid * epw + j * CHC
            pltpu.sync_copy(g_hbm.at[pl.ds(off, CHC)], gvv)
            pltpu.sync_copy(w_hbm.at[pl.ds(off, CHC)], wvv)
            pltpu.sync_copy(dst_hbm.at[pl.ds(off, CHC)], dstv)
            pltpu.sync_copy(y_hbm.at[gvv], rows)

            @pl.loop(0, CHC)
            def _(i):
                w16 = plsc.load_gather(wvv, [jnp.full((L,), i, jnp.int32)])
                for q in range(d // L):
                    rows[i, pl.ds(q * L, L)] = rows[i, pl.ds(q * L, L)] * w16

            pltpu.sync_copy(rows, acc_sh.at[dstv], add=True)

        plsc.subcore_barrier()
        _copy_rows(acc_sh, s * main, accp_hbm, c * n + s * main, main)
        if extra:
            @pl.when(s == NS - 1)
            def _():
                _copy_rows(acc_sh, NS * main, accp_hbm, c * n + NS * main,
                           extra)

    return k(y, gidx, w, dst)


def _wcat_body(comp_ref, bases_ref, w_ref, *, r, nb):
    for rr in range(r):
        acc = comp_ref[rr, 0] * bases_ref[0]
        for b in range(1, nb):
            acc += comp_ref[rr, b] * bases_ref[b]
        w_ref[:, rr, :] = acc


def _wcat(comp, bases, d, r, nb):
    w3 = pl.pallas_call(
        functools.partial(_wcat_body, r=r, nb=nb),
        grid=(1,),
        in_specs=[
            pl.BlockSpec((r, nb), lambda i: (0, 0), memory_space=pltpu.SMEM),
            pl.BlockSpec((nb, d, d), lambda i: (0, 0, 0)),
        ],
        out_specs=pl.BlockSpec((d, r, d), lambda i: (0, 0, 0)),
        out_shape=jax.ShapeDtypeStruct((d, r, d), jnp.float32),
    )(comp, bases)
    return w3.reshape(d, r * d)


def _y_body(h_ref, w_ref, y_ref):
    y_ref[...] = jnp.dot(h_ref[...], w_ref[...],
                         preferred_element_type=jnp.float32)


def _y_mm(h, wcat, n, d, r):
    bn = 1000 if n % 1000 == 0 else n
    y2 = pl.pallas_call(
        _y_body,
        grid=(n // bn,),
        in_specs=[
            pl.BlockSpec((bn, d), lambda i: (i, 0)),
            pl.BlockSpec((d, r * d), lambda i: (0, 0)),
        ],
        out_specs=pl.BlockSpec((bn, r * d), lambda i: (i, 0)),
        out_shape=jax.ShapeDtypeStruct((n, r * d), jnp.float32),
    )(h, wcat)
    return y2.reshape(n * r, d)


def _ep_body(h_ref, a0_ref, a1_ref, root_ref, g_ref, b_ref, rs_ref, out_ref,
             *, mode):
    h = h_ref[...]
    o = a0_ref[...] + a1_ref[...] + jnp.dot(h, root_ref[...],
                                            preferred_element_type=jnp.float32)
    mu = jnp.mean(o, axis=-1, keepdims=True)
    var = jnp.mean((o - mu) ** 2, axis=-1, keepdims=True)
    ln = (o - mu) / jnp.sqrt(var + 1e-5) * g_ref[...] + b_ref[...]
    if mode == "relu":
        out_ref[...] = jnp.maximum(ln, 0.0)
    else:
        out_ref[...] = ln + rs_ref[0, 0] * h


def _epilogue(h, a0, a1, root, gamma, beta, rs, n, d, mode):
    bn = 400 if n % 400 == 0 else n
    return pl.pallas_call(
        functools.partial(_ep_body, mode=mode),
        grid=(n // bn,),
        in_specs=[
            pl.BlockSpec((bn, d), lambda i: (i, 0)),
            pl.BlockSpec((bn, d), lambda i: (i, 0)),
            pl.BlockSpec((bn, d), lambda i: (i, 0)),
            pl.BlockSpec((d, d), lambda i: (0, 0)),
            pl.BlockSpec((1, d), lambda i: (0, 0)),
            pl.BlockSpec((1, d), lambda i: (0, 0)),
            pl.BlockSpec((1, 1), lambda i: (0, 0), memory_space=pltpu.SMEM),
        ],
        out_specs=pl.BlockSpec((bn, d), lambda i: (i, 0)),
        out_shape=jax.ShapeDtypeStruct((n, d), jnp.float32),
    )(h, a0, a1, root, gamma, beta, rs)


def _cnt_body_tc(dst_ref, et_ref, cnt_ref, *, ce, r):
    @pl.when(pl.program_id(0) == 0)
    def _():
        cnt_ref[...] = jnp.zeros_like(cnt_ref)

    iota_r = lax.broadcasted_iota(jnp.int32, (1, r), 1)

    def body(i, carry):
        t = dst_ref[0, 0, i]
        rel = et_ref[0, 0, i]
        onehot = (iota_r == rel).astype(jnp.float32)
        cnt_ref[pl.ds(t, 1), :] += onehot
        return carry

    lax.fori_loop(0, ce, body, 0)


def _acc_body_tc(src_ref, dst_ref, et_ref, comp_ref, x_ref, cnt_ref, acc_ref,
                 *, ce, r, nb):
    @pl.when(pl.program_id(0) == 0)
    def _():
        acc_ref[...] = jnp.zeros_like(acc_ref)

    iota_r = lax.broadcasted_iota(jnp.int32, (1, r), 1)

    def body(i, carry):
        s = src_ref[0, 0, i]
        t = dst_ref[0, 0, i]
        rel = et_ref[0, 0, i]
        cnt_row = cnt_ref[pl.ds(t, 1), :]
        onehot = (iota_r == rel).astype(jnp.float32)
        winv = jnp.sum(cnt_row * onehot, axis=1, keepdims=True)
        w = 1.0 / jnp.maximum(winv, 1.0)
        xrow = x_ref[pl.ds(s, 1), :]
        for b in range(nb):
            cb = comp_ref[rel, b] * w
            acc_ref[b, pl.ds(t, 1), :] += cb * xrow
        return carry

    lax.fori_loop(0, ce, body, 0)


def _dense_body_tc(h_ref, acc_ref, bases_ref, root_ref, g_ref, b_ref, rs_ref,
                   out_ref, *, nb, mode):
    h = h_ref[...]
    o = jnp.dot(h, root_ref[...], preferred_element_type=jnp.float32)
    for b in range(nb):
        o += jnp.dot(acc_ref[b], bases_ref[b],
                     preferred_element_type=jnp.float32)
    mu = jnp.mean(o, axis=-1, keepdims=True)
    var = jnp.mean((o - mu) ** 2, axis=-1, keepdims=True)
    ln = (o - mu) / jnp.sqrt(var + 1e-5) * g_ref[...] + b_ref[...]
    if mode == "relu":
        out_ref[...] = jnp.maximum(ln, 0.0)
    else:
        out_ref[...] = ln + rs_ref[0, 0] * h


def _chunk_tc(e):
    for ce in (8000, 6400, 4000, 2000, 1000):
        if e % ce == 0:
            return ce
    return e


def _tc_fallback(x, edge_index, edge_type, bases1, comp1, root1, g1, b1,
                 bases2, comp2, root2, g2, b2, rs):
    n, d = x.shape
    e = edge_index.shape[1]
    r, nb = comp1.shape
    ce = _chunk_tc(e)
    nch = e // ce
    src2 = edge_index[0].reshape(nch, 1, ce)
    dst2 = edge_index[1].reshape(nch, 1, ce)
    et2 = edge_type.reshape(nch, 1, ce)

    cnt = pl.pallas_call(
        functools.partial(_cnt_body_tc, ce=ce, r=r),
        grid=(nch,),
        in_specs=[
            pl.BlockSpec((1, 1, ce), lambda i: (i, 0, 0), memory_space=pltpu.SMEM),
            pl.BlockSpec((1, 1, ce), lambda i: (i, 0, 0), memory_space=pltpu.SMEM),
        ],
        out_specs=pl.BlockSpec((n, r), lambda i: (0, 0)),
        out_shape=jax.ShapeDtypeStruct((n, r), jnp.float32),
    )(dst2, et2)

    def conv(h, comp):
        return pl.pallas_call(
            functools.partial(_acc_body_tc, ce=ce, r=r, nb=nb),
            grid=(nch,),
            in_specs=[
                pl.BlockSpec((1, 1, ce), lambda i: (i, 0, 0), memory_space=pltpu.SMEM),
                pl.BlockSpec((1, 1, ce), lambda i: (i, 0, 0), memory_space=pltpu.SMEM),
                pl.BlockSpec((1, 1, ce), lambda i: (i, 0, 0), memory_space=pltpu.SMEM),
                pl.BlockSpec((r, nb), lambda i: (0, 0), memory_space=pltpu.SMEM),
                pl.BlockSpec((n, d), lambda i: (0, 0)),
                pl.BlockSpec((n, r), lambda i: (0, 0)),
            ],
            out_specs=pl.BlockSpec((nb, n, d), lambda i: (0, 0, 0)),
            out_shape=jax.ShapeDtypeStruct((nb, n, d), jnp.float32),
        )(src2, dst2, et2, comp, h, cnt)

    def dense(h, acc, bases, root, g, b, rs2, mode):
        bn = 400 if n % 400 == 0 else n
        return pl.pallas_call(
            functools.partial(_dense_body_tc, nb=nb, mode=mode),
            grid=(n // bn,),
            in_specs=[
                pl.BlockSpec((bn, d), lambda i: (i, 0)),
                pl.BlockSpec((nb, bn, d), lambda i: (0, i, 0)),
                pl.BlockSpec((nb, d, d), lambda i: (0, 0, 0)),
                pl.BlockSpec((d, d), lambda i: (0, 0)),
                pl.BlockSpec((1, d), lambda i: (0, 0)),
                pl.BlockSpec((1, d), lambda i: (0, 0)),
                pl.BlockSpec((1, 1), lambda i: (0, 0), memory_space=pltpu.SMEM),
            ],
            out_specs=pl.BlockSpec((bn, d), lambda i: (i, 0)),
            out_shape=jax.ShapeDtypeStruct((n, d), jnp.float32),
        )(h, acc, bases, root, g, b, rs2)

    rs2 = rs.reshape(1, 1)
    h = dense(x, conv(x, comp1), bases1, root1, g1.reshape(1, d),
              b1.reshape(1, d), rs2, "relu")
    return dense(h, conv(h, comp2), bases2, root2, g2.reshape(1, d),
                 b2.reshape(1, d), rs2, "res")


def kernel(x, edge_index, edge_type, bases1, comp1, root1, gamma1, beta1,
           bases2, comp2, root2, gamma2, beta2, res_scale):
    n, d = x.shape
    e = edge_index.shape[1]
    r, nb = comp1.shape

    epw0 = e // NW if e % NW == 0 else 0
    if (epw0 == 0 or epw0 % CHA != 0 or epw0 % CHB != 0 or epw0 % CHC != 0
            or n % 8 != 0 or d != 128 or r != L):
        return _tc_fallback(x, edge_index, edge_type, bases1, comp1, root1,
                            gamma1, beta1, bases2, comp2, root2, gamma2,
                            beta2, res_scale)

    src = edge_index[0]
    dst = edge_index[1]
    et = edge_type
    g1 = gamma1.reshape(1, d)
    b1 = beta1.reshape(1, d)
    g2 = gamma2.reshape(1, d)
    b2 = beta2.reshape(1, d)
    rs = res_scale.reshape(1, 1)

    cntp = _sc_cnt(dst, et, n, e, r)
    cm = _merge(cntp[:n], cntp[n:], n)
    w_e, gidx = _sc_wg(src, dst, et, cm, n, e, r)

    y1 = _y_mm(x, _wcat(comp1, bases1, d, r, nb), n, d, r)
    accp1 = _sc_agg(y1, gidx, w_e, dst, n, d, e)
    h = _epilogue(x, accp1[:n], accp1[n:], root1, g1, b1, rs, n, d, "relu")

    y2 = _y_mm(h, _wcat(comp2, bases2, d, r, nb), n, d, r)
    accp2 = _sc_agg(y2, gidx, w_e, dst, n, d, e)
    out = _epilogue(h, accp2[:n], accp2[n:], root2, g2, b2, rs, n, d, "res")
    return out

# --- scband reference (transcript-rebuilt; emitter-appended) ---
"""Pipeline reference for scband-rgcn-6055903887708 (READ-ONLY COPY).

The authoritative reference and input builder live on the scoring server;
editing this copy changes nothing except your own understanding.
"""

import jax, jax.numpy as jnp
import numpy as np

R = 16   # num_relations
NB = 4   # num_bases
D = 128  # hidden_dim (from config)
N = 10000
E = 320000


def layer_norm(x, gamma, beta, eps=1e-5):
    mu = jnp.mean(x, axis=-1, keepdims=True)
    var = jnp.var(x, axis=-1, keepdims=True)
    return (x - mu) / jnp.sqrt(var + eps) * gamma + beta


def rgcn_conv(x, edge_index, edge_type, bases, comp, root):
    # W_r = sum_b comp[r, b] * bases[b]  (basis decomposition)
    n = x.shape[0]
    d = x.shape[1]
    W = jnp.einsum('rb,bio->rio', comp, bases)
    src = edge_index[0]
    dst = edge_index[1]
    # mean aggregation per (relation, dst) pair, as in PyG RGCNConv (aggr='mean')
    seg = edge_type * n + dst
    msgs = jnp.take(x, src, axis=0)
    agg = jax.ops.segment_sum(msgs, seg, num_segments=R * n)
    cnt = jax.ops.segment_sum(jnp.ones((src.shape[0],), dtype=x.dtype), seg, num_segments=R * n)
    agg = agg.reshape(R, n, d)
    cnt = cnt.reshape(R, n, 1)
    agg = agg / jnp.clip(cnt, 1.0, None)
    # apply per-relation transform, then sum over relations; plus root transform
    out = jnp.einsum('rnd,rdo->no', agg, W) + x @ root
    return out


def setup_inputs(seed: int = 0):
    key = jax.random.key(seed)
    ks = jax.random.split(key, 16)
    s = 1.0 / np.sqrt(D)
    inp = {}
    inp['x'] = jax.random.normal(ks[0], (N, D), dtype=jnp.float32)
    inp['edge_index'] = jax.random.randint(ks[1], (2, E), 0, N, dtype=jnp.int32)
    inp['edge_type'] = jax.random.randint(ks[2], (E,), 0, R, dtype=jnp.int32)
    inp['bases1'] = jax.random.normal(ks[3], (NB, D, D), dtype=jnp.float32) * s
    inp['comp1'] = jax.random.normal(ks[4], (R, NB), dtype=jnp.float32) * (1.0 / np.sqrt(NB))
    inp['root1'] = jax.random.normal(ks[5], (D, D), dtype=jnp.float32) * s
    inp['gamma1'] = jnp.ones((D,), dtype=jnp.float32)
    inp['beta1'] = jnp.zeros((D,), dtype=jnp.float32)
    inp['bases2'] = jax.random.normal(ks[6], (NB, D, D), dtype=jnp.float32) * s
    inp['comp2'] = jax.random.normal(ks[7], (R, NB), dtype=jnp.float32) * (1.0 / np.sqrt(NB))
    inp['root2'] = jax.random.normal(ks[8], (D, D), dtype=jnp.float32) * s
    inp['gamma2'] = jnp.ones((D,), dtype=jnp.float32)
    inp['beta2'] = jnp.zeros((D,), dtype=jnp.float32)
    inp['res_scale'] = jnp.asarray(0.5, dtype=jnp.float32)
    return inp


def reference(x, edge_index, edge_type, bases1, comp1, root1, gamma1, beta1, bases2, comp2, root2, gamma2, beta2, res_scale):
    h = rgcn_conv(x, edge_index, edge_type, bases1, comp1, root1)
    h = layer_norm(h, gamma1, beta1)
    h = jax.nn.relu(h)
    # dropout is identity in eval mode
    h2 = rgcn_conv(h, edge_index, edge_type, bases2, comp2, root2)
    h2 = layer_norm(h2, gamma2, beta2)
    out = h2 + res_scale * h
    return out

if __name__ == "__main__":
    import jax
    _d = setup_inputs()
    print(jax.jit(kernel)(*tuple(_d.values())))

</pallas_src>

<mosaic_0001>
#map = affine_map<(d0, d1) -> (0)>
#map1 = affine_map<(d0, d1) -> (0, 0)>
module attributes {stable_mosaic.version = 14 : i64} {
  func.func @k(%arg0: i32, %arg1: i32, %arg2: memref<320000xi32, #tpu.memory_space<hbm>>, %arg3: memref<320000xi32, #tpu.memory_space<hbm>>, %arg4: memref<20000x128xf32, #tpu.memory_space<hbm>>, %arg5: memref<200xi32, #tpu.memory_space<vmem>>, %arg6: memref<200xi32, #tpu.memory_space<vmem>>, %arg7: memref<200x128xf32, #tpu.memory_space<vmem>>, %arg8: memref<10000x128xf32, #tpu.memory_space<vmem_shared>>) attributes {dimension_semantics = [#tpu.dimension_semantics<core_parallel>, #tpu.dimension_semantics<subcore_parallel>], iteration_bounds = array<i64: 2, 16>, scalar_prefetch = 0 : i64, scratch_operands = 4 : i64, tpu.core_type = #tpu.core_type<sc_vector_subcore>, window_params = [{transform_indices = #map}, {transform_indices = #map}, {transform_indices = #map1}]} {
    %mul3A = arith.constant 2 : i32
    %mul3A_0 = arith.muli %arg1, %mul3A : i32
    %add3A = arith.addi %mul3A_0, %arg0 : i32
    %iota3A = tpu.iota {dimensions = array<i32: 0>} : vector<16xi32>
    %broadcast_in_dim3A = arith.constant 0.000000e+00 : f32
    %broadcast_in_dim3A_1 = vector.broadcast %broadcast_in_dim3A : f32 to vector<16xf32>
    %broadcast_in_dim3A_2 = arith.constant 1.000000e+00 : f32
    %broadcast_in_dim3A_3 = vector.broadcast %broadcast_in_dim3A_2 : f32 to vector<16xf32>
    %scan3A = arith.constant 0 : i32
    %scan3A_4 = arith.constant 200 : i32
    %scan3A_5 = arith.addi %scan3A, %scan3A_4 : i32
    %scan3A_6 = arith.constant 1 : i32
    scf.for %scan3A_46 = %scan3A to %scan3A_5 step %scan3A_6  : i32 {
      %mul3A_47 = arith.constant 1 : i32
      %mul3A_48 = arith.muli %scan3A_46, %mul3A_47 : i32
      %add3A_49 = arith.constant 0 : i32
      %add3A_50 = arith.addi %add3A_49, %mul3A_48 : i32
      %swap3A = arith.index_cast %add3A_50 : i32 to index
      %swap3A_51 = arith.constant 0 : index
      %swap3A_52 = tpu.vector_load %arg7[%swap3A, %swap3A_51] {strides = array<i32>} : memref<200x128xf32, #tpu.memory_space<vmem>>, vector<16xf32>,
      tpu.vector_store %arg7[%swap3A, %swap3A_51], %broadcast_in_dim3A_1 {strides = array<i32>} : memref<200x128xf32, #tpu.memory_space<vmem>>, vector<16xf32>,
      %swap3A_53 = arith.index_cast %add3A_50 : i32 to index
      %swap3A_54 = arith.constant 16 : index
      %swap3A_55 = tpu.vector_load %arg7[%swap3A_53, %swap3A_54] {strides = array<i32>} : memref<200x128xf32, #tpu.memory_space<vmem>>, vector<16xf32>,
      tpu.vector_store %arg7[%swap3A_53, %swap3A_54], %broadcast_in_dim3A_1 {strides = array<i32>} : memref<200x128xf32, #tpu.memory_space<vmem>>, vector<16xf32>,
      %swap3A_56 = arith.index_cast %add3A_50 : i32 to index
      %swap3A_57 = arith.constant 32 : index
      %swap3A_58 = tpu.vector_load %arg7[%swap3A_56, %swap3A_57] {strides = array<i32>} : memref<200x128xf32, #tpu.memory_space<vmem>>, vector<16xf32>,
      tpu.vector_store %arg7[%swap3A_56, %swap3A_57], %broadcast_in_dim3A_1 {strides = array<i32>} : memref<200x128xf32, #tpu.memory_space<vmem>>, vector<16xf32>,
      %swap3A_59 = arith.index_cast %add3A_50 : i32 to index
      %swap3A_60 = arith.constant 48 : index
      %swap3A_61 = tpu.vector_load %arg7[%swap3A_59, %swap3A_60] {strides = array<i32>} : memref<200x128xf32, #tpu.memory_space<vmem>>, vector<16xf32>,
      tpu.vector_store %arg7[%swap3A_59, %swap3A_60], %broadcast_in_dim3A_1 {strides = array<i32>} : memref<200x128xf32, #tpu.memory_space<vmem>>, vector<16xf32>,
      %swap3A_62 = arith.index_cast %add3A_50 : i32 to index
      %swap3A_63 = arith.constant 64 : index
      %swap3A_64 = tpu.vector_load %arg7[%swap3A_62, %swap3A_63] {strides = array<i32>} : memref<200x128xf32, #tpu.memory_space<vmem>>, vector<16xf32>,
      tpu.vector_store %arg7[%swap3A_62, %swap3A_63], %broadcast_in_dim3A_1 {strides = array<i32>} : memref<200x128xf32, #tpu.memory_space<vmem>>, vector<16xf32>,
      %swap3A_65 = arith.index_cast %add3A_50 : i32 to index
      %swap3A_66 = arith.constant 80 : index
      %swap3A_67 = tpu.vector_load %arg7[%swap3A_65, %swap3A_66] {strides = array<i32>} : memref<200x128xf32, #tpu.memory_space<vmem>>, vector<16xf32>,
      tpu.vector_store %arg7[%swap3A_65, %swap3A_66], %broadcast_in_dim3A_1 {strides = array<i32>} : memref<200x128xf32, #tpu.memory_space<vmem>>, vector<16xf32>,
      %swap3A_68 = arith.index_cast %add3A_50 : i32 to index
      %swap3A_69 = arith.constant 96 : index
      %swap3A_70 = tpu.vector_load %arg7[%swap3A_68, %swap3A_69] {strides = array<i32>} : memref<200x128xf32, #tpu.memory_space<vmem>>, vector<16xf32>,
      tpu.vector_store %arg7[%swap3A_68, %swap3A_69], %broadcast_in_dim3A_1 {strides = array<i32>} : memref<200x128xf32, #tpu.memory_space<vmem>>, vector<16xf32>,
      %swap3A_71 = arith.index_cast %add3A_50 : i32 to index
      %swap3A_72 = arith.constant 112 : index
      %swap3A_73 = tpu.vector_load %arg7[%swap3A_71, %swap3A_72] {strides = array<i32>} : memref<200x128xf32, #tpu.memory_space<vmem>>, vector<16xf32>,
      tpu.vector_store %arg7[%swap3A_71, %swap3A_72], %broadcast_in_dim3A_1 {strides = array<i32>} : memref<200x128xf32, #tpu.memory_space<vmem>>, vector<16xf32>,
    }
    %scan3A_7 = arith.constant 200 : i32
    %mul3A_8 = arith.constant 624 : i32
    %mul3A_9 = arith.muli %arg1, %mul3A_8 : i32
    %add3A_10 = arith.constant 0 : i32
    %add3A_11 = arith.addi %mul3A_9, %add3A_10 : i32
    "tpu.region"() ({
      %run_scoped3A = tpu.sem_alloc : memref<!tpu.dma_semaphore, #tpu.memory_space<semaphore_mem>>
      %dma_start3A = arith.constant 0 : i32
      %dma_start3A_46 = arith.constant 0 : i32
      %dma_start3A_47 = tpu.memref_slice %arg7[%dma_start3A, %dma_start3A_46] : memref<200x128xf32, #tpu.memory_space<vmem>> -> memref<200x128xf32, #tpu.memory_space<vmem>>
      %dma_start3A_48 = arith.constant 0 : i32
      %dma_start3A_49 = tpu.memref_slice %arg8[%add3A_11, %dma_start3A_48] : memref<10000x128xf32, #tpu.memory_space<vmem_shared>> -> memref<200x128xf32, #tpu.memory_space<vmem_shared>>
      %dma_start3A_50 = arith.constant 0 : i32
      %dma_start3A_51 = tpu.memref_slice %arg8[%add3A_11, %dma_start3A_50] : memref<10000x128xf32, #tpu.memory_space<vmem_shared>> -> memref<200x128xf32, #tpu.memory_space<vmem_shared>>
      %dma_start3A_52 = arith.constant 0 : i32
      %dma_start3A_53 = arith.constant 0 : i32
      %dma_start3A_54 = tpu.memref_slice %arg7[%dma_start3A_52, %dma_start3A_53] : memref<200x128xf32, #tpu.memory_space<vmem>> -> memref<200x128xf32, #tpu.memory_space<vmem>>
      tpu.enqueue_dma source(%dma_start3A_54 : memref<200x128xf32, #tpu.memory_space<vmem>>) target(%dma_start3A_51 : memref<200x128xf32, #tpu.memory_space<vmem_shared>>) target_semaphore(%run_scoped3A : memref<!tpu.dma_semaphore, #tpu.memory_space<semaphore_mem>>)
      %dma_wait3A = arith.constant 0 : i32
      %dma_wait3A_55 = arith.constant 0 : i32
      %dma_wait3A_56 = tpu.memref_slice %arg7[%dma_wait3A, %dma_wait3A_55] : memref<200x128xf32, #tpu.memory_space<vmem>> -> memref<200x128xf32, #tpu.memory_space<vmem>>
      %dma_wait3A_57 = arith.constant 0 : i32
      %dma_wait3A_58 = tpu.memref_slice %arg8[%add3A_11, %dma_wait3A_57] : memref<10000x128xf32, #tpu.memory_space<vmem_shared>> -> memref<200x128xf32, #tpu.memory_space<vmem_shared>>
      %dma_wait3A_59 = arith.constant 0 : i32
      %dma_wait3A_60 = tpu.memref_slice %arg8[%add3A_11, %dma_wait3A_59] : memref<10000x128xf32, #tpu.memory_space<vmem_shared>> -> memref<200x128xf32, #tpu.memory_space<vmem_shared>>
      %dma_wait3A_61 = arith.constant 0 : i32
      %dma_wait3A_62 = arith.constant 0 : i32
      %dma_wait3A_63 = tpu.memref_slice %arg7[%dma_wait3A_61, %dma_wait3A_62] : memref<200x128xf32, #tpu.memory_space<vmem>> -> memref<200x128xf32, #tpu.memory_space<vmem>>
      tpu.wait_dma2 semaphore(%run_scoped3A : memref<!tpu.dma_semaphore, #tpu.memory_space<semaphore_mem>>) src(%dma_wait3A_63 : memref<200x128xf32, #tpu.memory_space<vmem>>) dst(%dma_wait3A_60 : memref<200x128xf32, #tpu.memory_space<vmem_shared>>)
      tpu.yield
    }) : () -> ()
    %add3A_12 = arith.constant 200 : i32
    %add3A_13 = arith.addi %mul3A_9, %add3A_12 : i32
    "tpu.region"() ({
      %run_scoped3A = tpu.sem_alloc : memref<!tpu.dma_semaphore, #tpu.memory_space<semaphore_mem>>
      %dma_start3A = arith.constant 0 : i32
      %dma_start3A_46 = arith.constant 0 : i32
      %dma_start3A_47 = tpu.memref_slice %arg7[%dma_start3A, %dma_start3A_46] : memref<200x128xf32, #tpu.memory_space<vmem>> -> memref<200x128xf32, #tpu.memory_space<vmem>>
      %dma_start3A_48 = arith.constant 0 : i32
      %dma_start3A_49 = tpu.memref_slice %arg8[%add3A_13, %dma_start3A_48] : memref<10000x128xf32, #tpu.memory_space<vmem_shared>> -> memref<200x128xf32, #tpu.memory_space<vmem_shared>>
      %dma_start3A_50 = arith.constant 0 : i32
      %dma_start3A_51 = tpu.memref_slice %arg8[%add3A_13, %dma_start3A_50] : memref<10000x128xf32, #tpu.memory_space<vmem_shared>> -> memref<200x128xf32, #tpu.memory_space<vmem_shared>>
      %dma_start3A_52 = arith.constant 0 : i32
      %dma_start3A_53 = arith.constant 0 : i32
      %dma_start3A_54 = tpu.memref_slice %arg7[%dma_start3A_52, %dma_start3A_53] : memref<200x128xf32, #tpu.memory_space<vmem>> -> memref<200x128xf32, #tpu.memory_space<vmem>>
      tpu.enqueue_dma source(%dma_start3A_54 : memref<200x128xf32, #tpu.memory_space<vmem>>) target(%dma_start3A_51 : memref<200x128xf32, #tpu.memory_space<vmem_shared>>) target_semaphore(%run_scoped3A : memref<!tpu.dma_semaphore, #tpu.memory_space<semaphore_mem>>)
      %dma_wait3A = arith.constant 0 : i32
      %dma_wait3A_55 = arith.constant 0 : i32
      %dma_wait3A_56 = tpu.memref_slice %arg7[%dma_wait3A, %dma_wait3A_55] : memref<200x128xf32, #tpu.memory_space<vmem>> -> memref<200x128xf32, #tpu.memory_space<vmem>>
      %dma_wait3A_57 = arith.constant 0 : i32
      %dma_wait3A_58 = tpu.memref_slice %arg8[%add3A_13, %dma_wait3A_57] : memref<10000x128xf32, #tpu.memory_space<vmem_shared>> -> memref<200x128xf32, #tpu.memory_space<vmem_shared>>
      %dma_wait3A_59 = arith.constant 0 : i32
      %dma_wait3A_60 = tpu.memref_slice %arg8[%add3A_13, %dma_wait3A_59] : memref<10000x128xf32, #tpu.memory_space<vmem_shared>> -> memref<200x128xf32, #tpu.memory_space<vmem_shared>>
      %dma_wait3A_61 = arith.constant 0 : i32
      %dma_wait3A_62 = arith.constant 0 : i32
      %dma_wait3A_63 = tpu.memref_slice %arg7[%dma_wait3A_61, %dma_wait3A_62] : memref<200x128xf32, #tpu.memory_space<vmem>> -> memref<200x128xf32, #tpu.memory_space<vmem>>
      tpu.wait_dma2 semaphore(%run_scoped3A : memref<!tpu.dma_semaphore, #tpu.memory_space<semaphore_mem>>) src(%dma_wait3A_63 : memref<200x128xf32, #tpu.memory_space<vmem>>) dst(%dma_wait3A_60 : memref<200x128xf32, #tpu.memory_space<vmem_shared>>)
      tpu.yield
    }) : () -> ()
    %add3A_14 = arith.constant 400 : i32
    %add3A_15 = arith.addi %mul3A_9, %add3A_14 : i32
    "tpu.region"() ({
      %run_scoped3A = tpu.sem_alloc : memref<!tpu.dma_semaphore, #tpu.memory_space<semaphore_mem>>
      %dma_start3A = arith.constant 0 : i32
      %dma_start3A_46 = arith.constant 0 : i32
      %dma_start3A_47 = tpu.memref_slice %arg7[%dma_start3A, %dma_start3A_46] : memref<200x128xf32, #tpu.memory_space<vmem>> -> memref<200x128xf32, #tpu.memory_space<vmem>>
      %dma_start3A_48 = arith.constant 0 : i32
      %dma_start3A_49 = tpu.memref_slice %arg8[%add3A_15, %dma_start3A_48] : memref<10000x128xf32, #tpu.memory_space<vmem_shared>> -> memref<200x128xf32, #tpu.memory_space<vmem_shared>>
      %dma_start3A_50 = arith.constant 0 : i32
      %dma_start3A_51 = tpu.memref_slice %arg8[%add3A_15, %dma_start3A_50] : memref<10000x128xf32, #tpu.memory_space<vmem_shared>> -> memref<200x128xf32, #tpu.memory_space<vmem_shared>>
      %dma_start3A_52 = arith.constant 0 : i32
      %dma_start3A_53 = arith.constant 0 : i32
      %dma_start3A_54 = tpu.memref_slice %arg7[%dma_start3A_52, %dma_start3A_53] : memref<200x128xf32, #tpu.memory_space<vmem>> -> memref<200x128xf32, #tpu.memory_space<vmem>>
      tpu.enqueue_dma source(%dma_start3A_54 : memref<200x128xf32, #tpu.memory_space<vmem>>) target(%dma_start3A_51 : memref<200x128xf32, #tpu.memory_space<vmem_shared>>) target_semaphore(%run_scoped3A : memref<!tpu.dma_semaphore, #tpu.memory_space<semaphore_mem>>)
      %dma_wait3A = arith.constant 0 : i32
      %dma_wait3A_55 = arith.constant 0 : i32
      %dma_wait3A_56 = tpu.memref_slice %arg7[%dma_wait3A, %dma_wait3A_55] : memref<200x128xf32, #tpu.memory_space<vmem>> -> memref<200x128xf32, #tpu.memory_space<vmem>>
      %dma_wait3A_57 = arith.constant 0 : i32
      %dma_wait3A_58 = tpu.memref_slice %arg8[%add3A_15, %dma_wait3A_57] : memref<10000x128xf32, #tpu.memory_space<vmem_shared>> -> memref<200x128xf32, #tpu.memory_space<vmem_shared>>
      %dma_wait3A_59 = arith.constant 0 : i32
      %dma_wait3A_60 = tpu.memref_slice %arg8[%add3A_15, %dma_wait3A_59] : memref<10000x128xf32, #tpu.memory_space<vmem_shared>> -> memref<200x128xf32, #tpu.memory_space<vmem_shared>>
      %dma_wait3A_61 = arith.constant 0 : i32
      %dma_wait3A_62 = arith.constant 0 : i32
      %dma_wait3A_63 = tpu.memref_slice %arg7[%dma_wait3A_61, %dma_wait3A_62] : memref<200x128xf32, #tpu.memory_space<vmem>> -> memref<200x128xf32, #tpu.memory_space<vmem>>
      tpu.wait_dma2 semaphore(%run_scoped3A : memref<!tpu.dma_semaphore, #tpu.memory_space<semaphore_mem>>) src(%dma_wait3A_63 : memref<200x128xf32, #tpu.memory_space<vmem>>) dst(%dma_wait3A_60 : memref<200x128xf32, #tpu.memory_space<vmem_shared>>)
      tpu.yield
    }) : () -> ()
    %add3A_16 = arith.constant 600 : i32
    %add3A_17 = arith.addi %mul3A_9, %add3A_16 : i32
    "tpu.region"() ({
      %run_scoped3A = tpu.sem_alloc : memref<!tpu.dma_semaphore, #tpu.memory_space<semaphore_mem>>
      %dma_start3A = arith.constant 0 : i32
      %dma_start3A_46 = arith.constant 0 : i32
      %dma_start3A_47 = tpu.memref_slice %arg7[%dma_start3A, %dma_start3A_46] : memref<200x128xf32, #tpu.memory_space<vmem>> -> memref<24x128xf32, #tpu.memory_space<vmem>>
      %dma_start3A_48 = arith.constant 0 : i32
      %dma_start3A_49 = tpu.memref_slice %arg8[%add3A_17, %dma_start3A_48] : memref<10000x128xf32, #tpu.memory_space<vmem_shared>> -> memref<24x128xf32, #tpu.memory_space<vmem_shared>>
      %dma_start3A_50 = arith.constant 0 : i32
      %dma_start3A_51 = tpu.memref_slice %arg8[%add3A_17, %dma_start3A_50] : memref<10000x128xf32, #tpu.memory_space<vmem_shared>> -> memref<24x128xf32, #tpu.memory_space<vmem_shared>>
      %dma_start3A_52 = arith.constant 0 : i32
      %dma_start3A_53 = arith.constant 0 : i32
      %dma_start3A_54 = tpu.memref_slice %arg7[%dma_start3A_52, %dma_start3A_53] : memref<200x128xf32, #tpu.memory_space<vmem>> -> memref<24x128xf32, #tpu.memory_space<vmem>>
      tpu.enqueue_dma source(%dma_start3A_54 : memref<24x128xf32, #tpu.memory_space<vmem>>) target(%dma_start3A_51 : memref<24x128xf32, #tpu.memory_space<vmem_shared>>) target_semaphore(%run_scoped3A : memref<!tpu.dma_semaphore, #tpu.memory_space<semaphore_mem>>)
      %dma_wait3A = arith.constant 0 : i32
      %dma_wait3A_55 = arith.constant 0 : i32
      %dma_wait3A_56 = tpu.memref_slice %arg7[%dma_wait3A, %dma_wait3A_55] : memref<200x128xf32, #tpu.memory_space<vmem>> -> memref<24x128xf32, #tpu.memory_space<vmem>>
      %dma_wait3A_57 = arith.constant 0 : i32
      %dma_wait3A_58 = tpu.memref_slice %arg8[%add3A_17, %dma_wait3A_57] : memref<10000x128xf32, #tpu.memory_space<vmem_shared>> -> memref<24x128xf32, #tpu.memory_space<vmem_shared>>
      %dma_wait3A_59 = arith.constant 0 : i32
      %dma_wait3A_60 = tpu.memref_slice %arg8[%add3A_17, %dma_wait3A_59] : memref<10000x128xf32, #tpu.memory_space<vmem_shared>> -> memref<24x128xf32, #tpu.memory_space<vmem_shared>>
      %dma_wait3A_61 = arith.constant 0 : i32
      %dma_wait3A_62 = arith.constant 0 : i32
      %dma_wait3A_63 = tpu.memref_slice %arg7[%dma_wait3A_61, %dma_wait3A_62] : memref<200x128xf32, #tpu.memory_space<vmem>> -> memref<24x128xf32, #tpu.memory_space<vmem>>
      tpu.wait_dma2 semaphore(%run_scoped3A : memref<!tpu.dma_semaphore, #tpu.memory_space<semaphore_mem>>) src(%dma_wait3A_63 : memref<24x128xf32, #tpu.memory_space<vmem>>) dst(%dma_wait3A_60 : memref<24x128xf32, #tpu.memory_space<vmem_shared>>)
      tpu.yield
    }) : () -> ()
    %eq3A = arith.constant 15 : i32
    %eq3A_18 = arith.cmpi eq, %arg1, %eq3A : i32
    %convert_element_type3A = arith.extui %eq3A_18 : i1 to i32
    %cond3A = arith.constant 0 : i32
    %cond3A_19 = arith.cmpi ne, %convert_element_type3A, %cond3A : i32
    scf.if %cond3A_19 {
      "tpu.region"() ({
        %run_scoped3A = tpu.sem_alloc : memref<!tpu.dma_semaphore, #tpu.memory_space<semaphore_mem>>
        %dma_start3A = arith.constant 0 : i32
        %dma_start3A_46 = arith.constant 0 : i32
        %dma_start3A_47 = tpu.memref_slice %arg7[%dma_start3A, %dma_start3A_46] : memref<200x128xf32, #tpu.memory_space<vmem>> -> memref<16x128xf32, #tpu.memory_space<vmem>>
        %dma_start3A_48 = arith.constant 9984 : i32
        %dma_start3A_49 = arith.constant 0 : i32
        %dma_start3A_50 = tpu.memref_slice %arg8[%dma_start3A_48, %dma_start3A_49] : memref<10000x128xf32, #tpu.memory_space<vmem_shared>> -> memref<16x128xf32, #tpu.memory_space<vmem_shared>>
        %dma_start3A_51 = arith.constant 9984 : i32
        %dma_start3A_52 = arith.constant 0 : i32
        %dma_start3A_53 = tpu.memref_slice %arg8[%dma_start3A_51, %dma_start3A_52] : memref<10000x128xf32, #tpu.memory_space<vmem_shared>> -> memref<16x128xf32, #tpu.memory_space<vmem_shared>>
        %dma_start3A_54 = arith.constant 0 : i32
        %dma_start3A_55 = arith.constant 0 : i32
        %dma_start3A_56 = tpu.memref_slice %arg7[%dma_start3A_54, %dma_start3A_55] : memref<200x128xf32, #tpu.memory_space<vmem>> -> memref<16x128xf32, #tpu.memory_space<vmem>>
        tpu.enqueue_dma source(%dma_start3A_56 : memref<16x128xf32, #tpu.memory_space<vmem>>) target(%dma_start3A_53 : memref<16x128xf32, #tpu.memory_space<vmem_shared>>) target_semaphore(%run_scoped3A : memref<!tpu.dma_semaphore, #tpu.memory_space<semaphore_mem>>)
        %dma_wait3A = arith.constant 0 : i32
        %dma_wait3A_57 = arith.constant 0 : i32
        %dma_wait3A_58 = tpu.memref_slice %arg7[%dma_wait3A, %dma_wait3A_57] : memref<200x128xf32, #tpu.memory_space<vmem>> -> memref<16x128xf32, #tpu.memory_space<vmem>>
        %dma_wait3A_59 = arith.constant 9984 : i32
        %dma_wait3A_60 = arith.constant 0 : i32
        %dma_wait3A_61 = tpu.memref_slice %arg8[%dma_wait3A_59, %dma_wait3A_60] : memref<10000x128xf32, #tpu.memory_space<vmem_shared>> -> memref<16x128xf32, #tpu.memory_space<vmem_shared>>
        %dma_wait3A_62 = arith.constant 9984 : i32
        %dma_wait3A_63 = arith.constant 0 : i32
        %dma_wait3A_64 = tpu.memref_slice %arg8[%dma_wait3A_62, %dma_wait3A_63] : memref<10000x128xf32, #tpu.memory_space<vmem_shared>> -> memref<16x128xf32, #tpu.memory_space<vmem_shared>>
        %dma_wait3A_65 = arith.constant 0 : i32
        %dma_wait3A_66 = arith.constant 0 : i32
        %dma_wait3A_67 = tpu.memref_slice %arg7[%dma_wait3A_65, %dma_wait3A_66] : memref<200x128xf32, #tpu.memory_space<vmem>> -> memref<16x128xf32, #tpu.memory_space<vmem>>
        tpu.wait_dma2 semaphore(%run_scoped3A : memref<!tpu.dma_semaphore, #tpu.memory_space<semaphore_mem>>) src(%dma_wait3A_67 : memref<16x128xf32, #tpu.memory_space<vmem>>) dst(%dma_wait3A_64 : memref<16x128xf32, #tpu.memory_space<vmem_shared>>)
        tpu.yield
      }) : () -> ()
    } else {
    }
    %barrier3A = arith.constant 0 : index
    tpu.barrier barrier_id(%barrier3A)
    %scan3A_20 = arith.constant 0 : i32
    %scan3A_21 = arith.constant 50 : i32
    %scan3A_22 = arith.addi %scan3A_20, %scan3A_21 : i32
    %scan3A_23 = arith.constant 1 : i32
    scf.for %scan3A_46 = %scan3A_20 to %scan3A_22 step %scan3A_23  : i32 {
      %mul3A_47 = arith.constant 1 : i32
      %mul3A_48 = arith.muli %scan3A_46, %mul3A_47 : i32
      %add3A_49 = arith.constant 0 : i32
      %add3A_50 = arith.addi %add3A_49, %mul3A_48 : i32
      %mul3A_51 = arith.constant 10000 : i32
      %mul3A_52 = arith.muli %add3A, %mul3A_51 : i32
      %mul3A_53 = arith.constant 200 : i32
      %mul3A_54 = arith.muli %add3A_50, %mul3A_53 : i32
      %add3A_55 = arith.addi %mul3A_52, %mul3A_54 : i32
      "tpu.region"() ({
        %run_scoped3A = tpu.sem_alloc : memref<!tpu.dma_semaphore, #tpu.memory_space<semaphore_mem>>
        %dma_start3A = tpu.memref_slice %arg2[%add3A_55] : memref<320000xi32, #tpu.memory_space<hbm>> -> memref<200xi32, #tpu.memory_space<hbm>>
        %dma_start3A_61 = tpu.memref_slice %arg2[%add3A_55] : memref<320000xi32, #tpu.memory_space<hbm>> -> memref<200xi32, #tpu.memory_space<hbm>>
        tpu.enqueue_dma source(%dma_start3A_61 : memref<200xi32, #tpu.memory_space<hbm>>) target(%arg5 : memref<200xi32, #tpu.memory_space<vmem>>) target_semaphore(%run_scoped3A : memref<!tpu.dma_semaphore, #tpu.memory_space<semaphore_mem>>)
        %dma_wait3A = tpu.memref_slice %arg2[%add3A_55] : memref<320000xi32, #tpu.memory_space<hbm>> -> memref<200xi32, #tpu.memory_space<hbm>>
        %dma_wait3A_62 = tpu.memref_slice %arg2[%add3A_55] : memref<320000xi32, #tpu.memory_space<hbm>> -> memref<200xi32, #tpu.memory_space<hbm>>
        tpu.wait_dma2 semaphore(%run_scoped3A : memref<!tpu.dma_semaphore, #tpu.memory_space<semaphore_mem>>) src(%dma_wait3A_62 : memref<200xi32, #tpu.memory_space<hbm>>) dst(%arg5 : memref<200xi32, #tpu.memory_space<vmem>>)
        tpu.yield
      }) : () -> ()
      "tpu.region"() ({
        %run_scoped3A = tpu.sem_alloc : memref<!tpu.dma_semaphore, #tpu.memory_space<semaphore_mem>>
        %dma_start3A = tpu.memref_slice %arg3[%add3A_55] : memref<320000xi32, #tpu.memory_space<hbm>> -> memref<200xi32, #tpu.memory_space<hbm>>
        %dma_start3A_61 = tpu.memref_slice %arg3[%add3A_55] : memref<320000xi32, #tpu.memory_space<hbm>> -> memref<200xi32, #tpu.memory_space<hbm>>
        tpu.enqueue_dma source(%dma_start3A_61 : memref<200xi32, #tpu.memory_space<hbm>>) target(%arg6 : memref<200xi32, #tpu.memory_space<vmem>>) target_semaphore(%run_scoped3A : memref<!tpu.dma_semaphore, #tpu.memory_space<semaphore_mem>>)
        %dma_wait3A = tpu.memref_slice %arg3[%add3A_55] : memref<320000xi32, #tpu.memory_space<hbm>> -> memref<200xi32, #tpu.memory_space<hbm>>
        %dma_wait3A_62 = tpu.memref_slice %arg3[%add3A_55] : memref<320000xi32, #tpu.memory_space<hbm>> -> memref<200xi32, #tpu.memory_space<hbm>>
        tpu.wait_dma2 semaphore(%run_scoped3A : memref<!tpu.dma_semaphore, #tpu.memory_space<semaphore_mem>>) src(%dma_wait3A_62 : memref<200xi32, #tpu.memory_space<hbm>>) dst(%arg6 : memref<200xi32, #tpu.memory_space<vmem>>)
        tpu.yield
      }) : () -> ()
      %scan3A_56 = arith.constant 0 : i32
      %scan3A_57 = arith.constant 200 : i32
      %scan3A_58 = arith.addi %scan3A_56, %scan3A_57 : i32
      %scan3A_59 = arith.constant 1 : i32
      scf.for %scan3A_61 = %scan3A_56 to %scan3A_58 step %scan3A_59  : i32 {
        %mul3A_62 = arith.constant 1 : i32
        %mul3A_63 = arith.muli %scan3A_61, %mul3A_62 : i32
        %add3A_64 = arith.constant 0 : i32
        %add3A_65 = arith.addi %add3A_64, %mul3A_63 : i32
        %broadcast_in_dim3A_66 = vector.broadcast %add3A_65 : i32 to vector<16xi32>
        %gather3A = tpu.vector_load_idx %arg6[%broadcast_in_dim3A_66] : memref<200xi32, #tpu.memory_space<vmem>>[vector<16xi32>], vector<16xi32>,
        %eq3A_67 = arith.cmpi eq, %iota3A, %gather3A : vector<16xi32>
        %select_n3A = arith.select %eq3A_67, %broadcast_in_dim3A_3, %broadcast_in_dim3A_1 : vector<16xi1>, vector<16xf32>
        %swap3A = arith.index_cast %add3A_65 : i32 to index
        %swap3A_68 = arith.constant 0 : index
        %swap3A_69 = tpu.vector_load %arg7[%swap3A, %swap3A_68] {strides = array<i32>} : memref<200x128xf32, #tpu.memory_space<vmem>>, vector<16xf32>,
        tpu.vector_store %arg7[%swap3A, %swap3A_68], %select_n3A {strides = array<i32>} : memref<200x128xf32, #tpu.memory_space<vmem>>, vector<16xf32>,
      }
      %scan3A_60 = arith.constant 200 : i32
      "tpu.region"() ({
        %run_scoped3A = tpu.sem_alloc : memref<!tpu.dma_semaphore, #tpu.memory_space<semaphore_mem>>
        %dma_start3A = arith.constant 0 : i32
        %dma_start3A_61 = arith.constant 0 : i32
        %dma_start3A_62 = tpu.memref_slice %arg8[%dma_start3A, %dma_start3A_61] : memref<10000x128xf32, #tpu.memory_space<vmem_shared>> -> memref<10000x128xf32, #tpu.memory_space<vmem_shared>>
        tpu.enqueue_indirect_dma source(%arg7 : memref<200x128xf32, #tpu.memory_space<vmem>>) target(%dma_start3A_62 : memref<10000x128xf32, #tpu.memory_space<vmem_shared>>) offsets(%arg5 : memref<200xi32, #tpu.memory_space<vmem>>) semaphore(%run_scoped3A : memref<!tpu.dma_semaphore, #tpu.memory_space<semaphore_mem>>) {add = true}
        %dma_wait3A = arith.constant 0 : i32
        %dma_wait3A_63 = arith.constant 0 : i32
        %dma_wait3A_64 = tpu.memref_slice %arg8[%dma_wait3A, %dma_wait3A_63] : memref<10000x128xf32, #tpu.memory_space<vmem_shared>> -> memref<10000x128xf32, #tpu.memory_space<vmem_shared>>
        tpu.wait_indirect_dma semaphore(%run_scoped3A : memref<!tpu.dma_semaphore, #tpu.memory_space<semaphore_mem>>) src(%arg7 : memref<200x128xf32, #tpu.memory_space<vmem>>) dst(%dma_wait3A_64 : memref<10000x128xf32, #tpu.memory_space<vmem_shared>>)
        tpu.yield
      }) : () -> ()
    }
    %scan3A_24 = arith.constant 50 : i32
    %barrier3A_25 = arith.constant 0 : index
    tpu.barrier barrier_id(%barrier3A_25)
    %mul3A_26 = arith.constant 624 : i32
    %mul3A_27 = arith.muli %arg1, %mul3A_26 : i32
    %mul3A_28 = arith.constant 10000 : i32
    %mul3A_29 = arith.muli %arg0, %mul3A_28 : i32
    %mul3A_30 = arith.constant 624 : i32
    %mul3A_31 = arith.muli %arg1, %mul3A_30 : i32
    %add3A_32 = arith.addi %mul3A_29, %mul3A_31 : i32
    %add3A_33 = arith.constant 0 : i32
    %add3A_34 = arith.addi %mul3A_27, %add3A_33 : i32
    %add3A_35 = arith.constant 0 : i32
    %add3A_36 = arith.addi %add3A_32, %add3A_35 : i32
    "tpu.region"() ({
      %run_scoped3A = tpu.sem_alloc : memref<!tpu.dma_semaphore, #tpu.memory_space<semaphore_mem>>
      %dma_start3A = arith.constant 0 : i32
      %dma_start3A_46 = tpu.memref_slice %arg4[%add3A_36, %dma_start3A] : memref<20000x128xf32, #tpu.memory_space<hbm>> -> memref<400x128xf32, #tpu.memory_space<hbm>>
      %dma_start3A_47 = arith.constant 0 : i32
      %dma_start3A_48 = tpu.memref_slice %arg8[%add3A_34, %dma_start3A_47] : memref<10000x128xf32, #tpu.memory_space<vmem_shared>> -> memref<400x128xf32, #tpu.memory_space<vmem_shared>>
      tpu.enqueue_dma source(%dma_start3A_48 : memref<400x128xf32, #tpu.memory_space<vmem_shared>>) target(%dma_start3A_46 : memref<400x128xf32, #tpu.memory_space<hbm>>) target_semaphore(%run_scoped3A : memref<!tpu.dma_semaphore, #tpu.memory_space<semaphore_mem>>)
      %dma_wait3A = arith.constant 0 : i32
      %dma_wait3A_49 = tpu.memref_slice %arg4[%add3A_36, %dma_wait3A] : memref<20000x128xf32, #tpu.memory_space<hbm>> -> memref<400x128xf32, #tpu.memory_space<hbm>>
      %dma_wait3A_50 = arith.constant 0 : i32
      %dma_wait3A_51 = tpu.memref_slice %arg8[%add3A_34, %dma_wait3A_50] : memref<10000x128xf32, #tpu.memory_space<vmem_shared>> -> memref<400x128xf32, #tpu.memory_space<vmem_shared>>
      tpu.wait_dma2 semaphore(%run_scoped3A : memref<!tpu.dma_semaphore, #tpu.memory_space<semaphore_mem>>) src(%dma_wait3A_51 : memref<400x128xf32, #tpu.memory_space<vmem_shared>>) dst(%dma_wait3A_49 : memref<400x128xf32, #tpu.memory_space<hbm>>)
      tpu.yield
    }) : () -> ()
    %add3A_37 = arith.constant 400 : i32
    %add3A_38 = arith.addi %mul3A_27, %add3A_37 : i32
    %add3A_39 = arith.constant 400 : i32
    %add3A_40 = arith.addi %add3A_32, %add3A_39 : i32
    "tpu.region"() ({
      %run_scoped3A = tpu.sem_alloc : memref<!tpu.dma_semaphore, #tpu.memory_space<semaphore_mem>>
      %dma_start3A = arith.constant 0 : i32
      %dma_start3A_46 = tpu.memref_slice %arg4[%add3A_40, %dma_start3A] : memref<20000x128xf32, #tpu.memory_space<hbm>> -> memref<224x128xf32, #tpu.memory_space<hbm>>
      %dma_start3A_47 = arith.constant 0 : i32
      %dma_start3A_48 = tpu.memref_slice %arg8[%add3A_38, %dma_start3A_47] : memref<10000x128xf32, #tpu.memory_space<vmem_shared>> -> memref<224x128xf32, #tpu.memory_space<vmem_shared>>
      tpu.enqueue_dma source(%dma_start3A_48 : memref<224x128xf32, #tpu.memory_space<vmem_shared>>) target(%dma_start3A_46 : memref<224x128xf32, #tpu.memory_space<hbm>>) target_semaphore(%run_scoped3A : memref<!tpu.dma_semaphore, #tpu.memory_space<semaphore_mem>>)
      %dma_wait3A = arith.constant 0 : i32
      %dma_wait3A_49 = tpu.memref_slice %arg4[%add3A_40, %dma_wait3A] : memref<20000x128xf32, #tpu.memory_space<hbm>> -> memref<224x128xf32, #tpu.memory_space<hbm>>
      %dma_wait3A_50 = arith.constant 0 : i32
      %dma_wait3A_51 = tpu.memref_slice %arg8[%add3A_38, %dma_wait3A_50] : memref<10000x128xf32, #tpu.memory_space<vmem_shared>> -> memref<224x128xf32, #tpu.memory_space<vmem_shared>>
      tpu.wait_dma2 semaphore(%run_scoped3A : memref<!tpu.dma_semaphore, #tpu.memory_space<semaphore_mem>>) src(%dma_wait3A_51 : memref<224x128xf32, #tpu.memory_space<vmem_shared>>) dst(%dma_wait3A_49 : memref<224x128xf32, #tpu.memory_space<hbm>>)
      tpu.yield
    }) : () -> ()
    %eq3A_41 = arith.constant 15 : i32
    %eq3A_42 = arith.cmpi eq, %arg1, %eq3A_41 : i32
    %convert_element_type3A_43 = arith.extui %eq3A_42 : i1 to i32
    %cond3A_44 = arith.constant 0 : i32
    %cond3A_45 = arith.cmpi ne, %convert_element_type3A_43, %cond3A_44 : i32
    scf.if %cond3A_45 {
      %mul3A_46 = arith.constant 10000 : i32
      %mul3A_47 = arith.muli %arg0, %mul3A_46 : i32
      %add3A_48 = arith.constant 9984 : i32
      %add3A_49 = arith.addi %mul3A_47, %add3A_48 : i32
      %add3A_50 = arith.constant 0 : i32
      %add3A_51 = arith.addi %add3A_49, %add3A_50 : i32
      "tpu.region"() ({
        %run_scoped3A = tpu.sem_alloc : memref<!tpu.dma_semaphore, #tpu.memory_space<semaphore_mem>>
        %dma_start3A = arith.constant 0 : i32
        %dma_start3A_52 = tpu.memref_slice %arg4[%add3A_51, %dma_start3A] : memref<20000x128xf32, #tpu.memory_space<hbm>> -> memref<16x128xf32, #tpu.memory_space<hbm>>
        %dma_start3A_53 = arith.constant 9984 : i32
        %dma_start3A_54 = arith.constant 0 : i32
        %dma_start3A_55 = tpu.memref_slice %arg8[%dma_start3A_53, %dma_start3A_54] : memref<10000x128xf32, #tpu.memory_space<vmem_shared>> -> memref<16x128xf32, #tpu.memory_space<vmem_shared>>
        tpu.enqueue_dma source(%dma_start3A_55 : memref<16x128xf32, #tpu.memory_space<vmem_shared>>) target(%dma_start3A_52 : memref<16x128xf32, #tpu.memory_space<hbm>>) target_semaphore(%run_scoped3A : memref<!tpu.dma_semaphore, #tpu.memory_space<semaphore_mem>>)
        %dma_wait3A = arith.constant 0 : i32
        %dma_wait3A_56 = tpu.memref_slice %arg4[%add3A_51, %dma_wait3A] : memref<20000x128xf32, #tpu.memory_space<hbm>> -> memref<16x128xf32, #tpu.memory_space<hbm>>
        %dma_wait3A_57 = arith.constant 9984 : i32
        %dma_wait3A_58 = arith.constant 0 : i32
        %dma_wait3A_59 = tpu.memref_slice %arg8[%dma_wait3A_57, %dma_wait3A_58] : memref<10000x128xf32, #tpu.memory_space<vmem_shared>> -> memref<16x128xf32, #tpu.memory_space<vmem_shared>>
        tpu.wait_dma2 semaphore(%run_scoped3A : memref<!tpu.dma_semaphore, #tpu.memory_space<semaphore_mem>>) src(%dma_wait3A_59 : memref<16x128xf32, #tpu.memory_space<vmem_shared>>) dst(%dma_wait3A_56 : memref<16x128xf32, #tpu.memory_space<hbm>>)
        tpu.yield
      }) : () -> ()
    } else {
    }
    return
  }
}

#map = affine_map<(d0, d1) -> (0, 0)>
#map1 = affine_map<(d0, d1) -> (0)>
module attributes {stable_mosaic.version = 14 : i64} {
  func.func @k(%arg0: i32, %arg1: i32, %arg2: memref<160000x128xf32, #tpu.memory_space<hbm>>, %arg3: memref<320000xi32, #tpu.memory_space<hbm>>, %arg4: memref<320000xf32, #tpu.memory_space<hbm>>, %arg5: memref<320000xi32, #tpu.memory_space<hbm>>, %arg6: memref<20000x128xf32, #tpu.memory_space<hbm>>, %arg7: memref<200xi32, #tpu.memory_space<vmem>>, %arg8: memref<200xf32, #tpu.memory_space<vmem>>, %arg9: memref<200xi32, #tpu.memory_space<vmem>>, %arg10: memref<200x128xf32, #tpu.memory_space<vmem>>, %arg11: memref<10000x128xf32, #tpu.memory_space<vmem_shared>>) attributes {dimension_semantics = [#tpu.dimension_semantics<core_parallel>, #tpu.dimension_semantics<subcore_parallel>], iteration_bounds = array<i64: 2, 16>, scalar_prefetch = 0 : i64, scratch_operands = 5 : i64, tpu.core_type = #tpu.core_type<sc_vector_subcore>, window_params = [{transform_indices = #map}, {transform_indices = #map1}, {transform_indices = #map1}, {transform_indices = #map1}, {transform_indices = #map}]} {
    %mul3A = arith.constant 2 : i32
    %mul3A_0 = arith.muli %arg1, %mul3A : i32
    %add3A = arith.addi %mul3A_0, %arg0 : i32
    %broadcast_in_dim3A = arith.constant 0.000000e+00 : f32
    %broadcast_in_dim3A_1 = vector.broadcast %broadcast_in_dim3A : f32 to vector<16xf32>
    %scan3A = arith.constant 0 : i32
    %scan3A_2 = arith.constant 200 : i32
    %scan3A_3 = arith.addi %scan3A, %scan3A_2 : i32
    %scan3A_4 = arith.constant 1 : i32
    scf.for %scan3A_44 = %scan3A to %scan3A_3 step %scan3A_4  : i32 {
      %mul3A_45 = arith.constant 1 : i32
      %mul3A_46 = arith.muli %scan3A_44, %mul3A_45 : i32
      %add3A_47 = arith.constant 0 : i32
      %add3A_48 = arith.addi %add3A_47, %mul3A_46 : i32
      %swap3A = arith.index_cast %add3A_48 : i32 to index
      %swap3A_49 = arith.constant 0 : index
      %swap3A_50 = tpu.vector_load %arg10[%swap3A, %swap3A_49] {strides = array<i32>} : memref<200x128xf32, #tpu.memory_space<vmem>>, vector<16xf32>,
      tpu.vector_store %arg10[%swap3A, %swap3A_49], %broadcast_in_dim3A_1 {strides = array<i32>} : memref<200x128xf32, #tpu.memory_space<vmem>>, vector<16xf32>,
      %swap3A_51 = arith.index_cast %add3A_48 : i32 to index
      %swap3A_52 = arith.constant 16 : index
      %swap3A_53 = tpu.vector_load %arg10[%swap3A_51, %swap3A_52] {strides = array<i32>} : memref<200x128xf32, #tpu.memory_space<vmem>>, vector<16xf32>,
      tpu.vector_store %arg10[%swap3A_51, %swap3A_52], %broadcast_in_dim3A_1 {strides = array<i32>} : memref<200x128xf32, #tpu.memory_space<vmem>>, vector<16xf32>,
      %swap3A_54 = arith.index_cast %add3A_48 : i32 to index
      %swap3A_55 = arith.constant 32 : index
      %swap3A_56 = tpu.vector_load %arg10[%swap3A_54, %swap3A_55] {strides = array<i32>} : memref<200x128xf32, #tpu.memory_space<vmem>>, vector<16xf32>,
      tpu.vector_store %arg10[%swap3A_54, %swap3A_55], %broadcast_in_dim3A_1 {strides = array<i32>} : memref<200x128xf32, #tpu.memory_space<vmem>>, vector<16xf32>,
      %swap3A_57 = arith.index_cast %add3A_48 : i32 to index
      %swap3A_58 = arith.constant 48 : index
      %swap3A_59 = tpu.vector_load %arg10[%swap3A_57, %swap3A_58] {strides = array<i32>} : memref<200x128xf32, #tpu.memory_space<vmem>>, vector<16xf32>,
      tpu.vector_store %arg10[%swap3A_57, %swap3A_58], %broadcast_in_dim3A_1 {strides = array<i32>} : memref<200x128xf32, #tpu.memory_space<vmem>>, vector<16xf32>,
      %swap3A_60 = arith.index_cast %add3A_48 : i32 to index
      %swap3A_61 = arith.constant 64 : index
      %swap3A_62 = tpu.vector_load %arg10[%swap3A_60, %swap3A_61] {strides = array<i32>} : memref<200x128xf32, #tpu.memory_space<vmem>>, vector<16xf32>,
      tpu.vector_store %arg10[%swap3A_60, %swap3A_61], %broadcast_in_dim3A_1 {strides = array<i32>} : memref<200x128xf32, #tpu.memory_space<vmem>>, vector<16xf32>,
      %swap3A_63 = arith.index_cast %add3A_48 : i32 to index
      %swap3A_64 = arith.constant 80 : index
      %swap3A_65 = tpu.vector_load %arg10[%swap3A_63, %swap3A_64] {strides = array<i32>} : memref<200x128xf32, #tpu.memory_space<vmem>>, vector<16xf32>,
      tpu.vector_store %arg10[%swap3A_63, %swap3A_64], %broadcast_in_dim3A_1 {strides = array<i32>} : memref<200x128xf32, #tpu.memory_space<vmem>>, vector<16xf32>,
      %swap3A_66 = arith.index_cast %add3A_48 : i32 to index
      %swap3A_67 = arith.constant 96 : index
      %swap3A_68 = tpu.vector_load %arg10[%swap3A_66, %swap3A_67] {strides = array<i32>} : memref<200x128xf32, #tpu.memory_space<vmem>>, vector<16xf32>,
      tpu.vector_store %arg10[%swap3A_66, %swap3A_67], %broadcast_in_dim3A_1 {strides = array<i32>} : memref<200x128xf32, #tpu.memory_space<vmem>>, vector<16xf32>,
      %swap3A_69 = arith.index_cast %add3A_48 : i32 to index
      %swap3A_70 = arith.constant 112 : index
      %swap3A_71 = tpu.vector_load %arg10[%swap3A_69, %swap3A_70] {strides = array<i32>} : memref<200x128xf32, #tpu.memory_space<vmem>>, vector<16xf32>,
      tpu.vector_store %arg10[%swap3A_69, %swap3A_70], %broadcast_in_dim3A_1 {strides = array<i32>} : memref<200x128xf32, #tpu.memory_space<vmem>>, vector<16xf32>,
    }
    %scan3A_5 = arith.constant 200 : i32
    %mul3A_6 = arith.constant 624 : i32
    %mul3A_7 = arith.muli %arg1, %mul3A_6 : i32
    %add3A_8 = arith.constant 0 : i32
    %add3A_9 = arith.addi %mul3A_7, %add3A_8 : i32
    "tpu.region"() ({
      %run_scoped3A = tpu.sem_alloc : memref<!tpu.dma_semaphore, #tpu.memory_space<semaphore_mem>>
      %dma_start3A = arith.constant 0 : i32
      %dma_start3A_44 = arith.constant 0 : i32
      %dma_start3A_45 = tpu.memref_slice %arg10[%dma_start3A, %dma_start3A_44] : memref<200x128xf32, #tpu.memory_space<vmem>> -> memref<200x128xf32, #tpu.memory_space<vmem>>
      %dma_start3A_46 = arith.constant 0 : i32
      %dma_start3A_47 = tpu.memref_slice %arg11[%add3A_9, %dma_start3A_46] : memref<10000x128xf32, #tpu.memory_space<vmem_shared>> -> memref<200x128xf32, #tpu.memory_space<vmem_shared>>
      %dma_start3A_48 = arith.constant 0 : i32
      %dma_start3A_49 = tpu.memref_slice %arg11[%add3A_9, %dma_start3A_48] : memref<10000x128xf32, #tpu.memory_space<vmem_shared>> -> memref<200x128xf32, #tpu.memory_space<vmem_shared>>
      %dma_start3A_50 = arith.constant 0 : i32
      %dma_start3A_51 = arith.constant 0 : i32
      %dma_start3A_52 = tpu.memref_slice %arg10[%dma_start3A_50, %dma_start3A_51] : memref<200x128xf32, #tpu.memory_space<vmem>> -> memref<200x128xf32, #tpu.memory_space<vmem>>
      tpu.enqueue_dma source(%dma_start3A_52 : memref<200x128xf32, #tpu.memory_space<vmem>>) target(%dma_start3A_49 : memref<200x128xf32, #tpu.memory_space<vmem_shared>>) target_semaphore(%run_scoped3A : memref<!tpu.dma_semaphore, #tpu.memory_space<semaphore_mem>>)
      %dma_wait3A = arith.constant 0 : i32
      %dma_wait3A_53 = arith.constant 0 : i32
      %dma_wait3A_54 = tpu.memref_slice %arg10[%dma_wait3A, %dma_wait3A_53] : memref<200x128xf32, #tpu.memory_space<vmem>> -> memref<200x128xf32, #tpu.memory_space<vmem>>
      %dma_wait3A_55 = arith.constant 0 : i32
      %dma_wait3A_56 = tpu.memref_slice %arg11[%add3A_9, %dma_wait3A_55] : memref<10000x128xf32, #tpu.memory_space<vmem_shared>> -> memref<200x128xf32, #tpu.memory_space<vmem_shared>>
      %dma_wait3A_57 = arith.constant 0 : i32
      %dma_wait3A_58 = tpu.memref_slice %arg11[%add3A_9, %dma_wait3A_57] : memref<10000x128xf32, #tpu.memory_space<vmem_shared>> -> memref<200x128xf32, #tpu.memory_space<vmem_shared>>
      %dma_wait3A_59 = arith.constant 0 : i32
      %dma_wait3A_60 = arith.constant 0 : i32
      %dma_wait3A_61 = tpu.memref_slice %arg10[%dma_wait3A_59, %dma_wait3A_60] : memref<200x128xf32, #tpu.memory_space<vmem>> -> memref<200x128xf32, #tpu.memory_space<vmem>>
      tpu.wait_dma2 semaphore(%run_scoped3A : memref<!tpu.dma_semaphore, #tpu.memory_space<semaphore_mem>>) src(%dma_wait3A_61 : memref<200x128xf32, #tpu.memory_space<vmem>>) dst(%dma_wait3A_58 : memref<200x128xf32, #tpu.memory_space<vmem_shared>>)
      tpu.yield
    }) : () -> ()
    %add3A_10 = arith.constant 200 : i32
    %add3A_11 = arith.addi %mul3A_7, %add3A_10 : i32
    "tpu.region"() ({
      %run_scoped3A = tpu.sem_alloc : memref<!tpu.dma_semaphore, #tpu.memory_space<semaphore_mem>>
      %dma_start3A = arith.constant 0 : i32
      %dma_start3A_44 = arith.constant 0 : i32
      %dma_start3A_45 = tpu.memref_slice %arg10[%dma_start3A, %dma_start3A_44] : memref<200x128xf32, #tpu.memory_space<vmem>> -> memref<200x128xf32, #tpu.memory_space<vmem>>
      %dma_start3A_46 = arith.constant 0 : i32
      %dma_start3A_47 = tpu.memref_slice %arg11[%add3A_11, %dma_start3A_46] : memref<10000x128xf32, #tpu.memory_space<vmem_shared>> -> memref<200x128xf32, #tpu.memory_space<vmem_shared>>
      %dma_start3A_48 = arith.constant 0 : i32
      %dma_start3A_49 = tpu.memref_slice %arg11[%add3A_11, %dma_start3A_48] : memref<10000x128xf32, #tpu.memory_space<vmem_shared>> -> memref<200x128xf32, #tpu.memory_space<vmem_shared>>
      %dma_start3A_50 = arith.constant 0 : i32
      %dma_start3A_51 = arith.constant 0 : i32
      %dma_start3A_52 = tpu.memref_slice %arg10[%dma_start3A_50, %dma_start3A_51] : memref<200x128xf32, #tpu.memory_space<vmem>> -> memref<200x128xf32, #tpu.memory_space<vmem>>
      tpu.enqueue_dma source(%dma_start3A_52 : memref<200x128xf32, #tpu.memory_space<vmem>>) target(%dma_start3A_49 : memref<200x128xf32, #tpu.memory_space<vmem_shared>>) target_semaphore(%run_scoped3A : memref<!tpu.dma_semaphore, #tpu.memory_space<semaphore_mem>>)
      %dma_wait3A = arith.constant 0 : i32
      %dma_wait3A_53 = arith.constant 0 : i32
      %dma_wait3A_54 = tpu.memref_slice %arg10[%dma_wait3A, %dma_wait3A_53] : memref<200x128xf32, #tpu.memory_space<vmem>> -> memref<200x128xf32, #tpu.memory_space<vmem>>
      %dma_wait3A_55 = arith.constant 0 : i32
      %dma_wait3A_56 = tpu.memref_slice %arg11[%add3A_11, %dma_wait3A_55] : memref<10000x128xf32, #tpu.memory_space<vmem_shared>> -> memref<200x128xf32, #tpu.memory_space<vmem_shared>>
      %dma_wait3A_57 = arith.constant 0 : i32
      %dma_wait3A_58 = tpu.memref_slice %arg11[%add3A_11, %dma_wait3A_57] : memref<10000x128xf32, #tpu.memory_space<vmem_shared>> -> memref<200x128xf32, #tpu.memory_space<vmem_shared>>
      %dma_wait3A_59 = arith.constant 0 : i32
      %dma_wait3A_60 = arith.constant 0 : i32
      %dma_wait3A_61 = tpu.memref_slice %arg10[%dma_wait3A_59, %dma_wait3A_60] : memref<200x128xf32, #tpu.memory_space<vmem>> -> memref<200x128xf32, #tpu.memory_space<vmem>>
      tpu.wait_dma2 semaphore(%run_scoped3A : memref<!tpu.dma_semaphore, #tpu.memory_space<semaphore_mem>>) src(%dma_wait3A_61 : memref<200x128xf32, #tpu.memory_space<vmem>>) dst(%dma_wait3A_58 : memref<200x128xf32, #tpu.memory_space<vmem_shared>>)
      tpu.yield
    }) : () -> ()
    %add3A_12 = arith.constant 400 : i32
    %add3A_13 = arith.addi %mul3A_7, %add3A_12 : i32
    "tpu.region"() ({
      %run_scoped3A = tpu.sem_alloc : memref<!tpu.dma_semaphore, #tpu.memory_space<semaphore_mem>>
      %dma_start3A = arith.constant 0 : i32
      %dma_start3A_44 = arith.constant 0 : i32
      %dma_start3A_45 = tpu.memref_slice %arg10[%dma_start3A, %dma_start3A_44] : memref<200x128xf32, #tpu.memory_space<vmem>> -> memref<200x128xf32, #tpu.memory_space<vmem>>
      %dma_start3A_46 = arith.constant 0 : i32
      %dma_start3A_47 = tpu.memref_slice %arg11[%add3A_13, %dma_start3A_46] : memref<10000x128xf32, #tpu.memory_space<vmem_shared>> -> memref<200x128xf32, #tpu.memory_space<vmem_shared>>
      %dma_start3A_48 = arith.constant 0 : i32
      %dma_start3A_49 = tpu.memref_slice %arg11[%add3A_13, %dma_start3A_48] : memref<10000x128xf32, #tpu.memory_space<vmem_shared>> -> memref<200x128xf32, #tpu.memory_space<vmem_shared>>
      %dma_start3A_50 = arith.constant 0 : i32
      %dma_start3A_51 = arith.constant 0 : i32
      %dma_start3A_52 = tpu.memref_slice %arg10[%dma_start3A_50, %dma_start3A_51] : memref<200x128xf32, #tpu.memory_space<vmem>> -> memref<200x128xf32, #tpu.memory_space<vmem>>
      tpu.enqueue_dma source(%dma_start3A_52 : memref<200x128xf32, #tpu.memory_space<vmem>>) target(%dma_start3A_49 : memref<200x128xf32, #tpu.memory_space<vmem_shared>>) target_semaphore(%run_scoped3A : memref<!tpu.dma_semaphore, #tpu.memory_space<semaphore_mem>>)
      %dma_wait3A = arith.constant 0 : i32
      %dma_wait3A_53 = arith.constant 0 : i32
      %dma_wait3A_54 = tpu.memref_slice %arg10[%dma_wait3A, %dma_wait3A_53] : memref<200x128xf32, #tpu.memory_space<vmem>> -> memref<200x128xf32, #tpu.memory_space<vmem>>
      %dma_wait3A_55 = arith.constant 0 : i32
      %dma_wait3A_56 = tpu.memref_slice %arg11[%add3A_13, %dma_wait3A_55] : memref<10000x128xf32, #tpu.memory_space<vmem_shared>> -> memref<200x128xf32, #tpu.memory_space<vmem_shared>>
      %dma_wait3A_57 = arith.constant 0 : i32
      %dma_wait3A_58 = tpu.memref_slice %arg11[%add3A_13, %dma_wait3A_57] : memref<10000x128xf32, #tpu.memory_space<vmem_shared>> -> memref<200x128xf32, #tpu.memory_space<vmem_shared>>
      %dma_wait3A_59 = arith.constant 0 : i32
      %dma_wait3A_60 = arith.constant 0 : i32
      %dma_wait3A_61 = tpu.memref_slice %arg10[%dma_wait3A_59, %dma_wait3A_60] : memref<200x128xf32, #tpu.memory_space<vmem>> -> memref<200x128xf32, #tpu.memory_space<vmem>>
      tpu.wait_dma2 semaphore(%run_scoped3A : memref<!tpu.dma_semaphore, #tpu.memory_space<semaphore_mem>>) src(%dma_wait3A_61 : memref<200x128xf32, #tpu.memory_space<vmem>>) dst(%dma_wait3A_58 : memref<200x128xf32, #tpu.memory_space<vmem_shared>>)
      tpu.yield
    }) : () -> ()
    %add3A_14 = arith.constant 600 : i32
    %add3A_15 = arith.addi %mul3A_7, %add3A_14 : i32
    "tpu.region"() ({
      %run_scoped3A = tpu.sem_alloc : memref<!tpu.dma_semaphore, #tpu.memory_space<semaphore_mem>>
      %dma_start3A = arith.constant 0 : i32
      %dma_start3A_44 = arith.constant 0 : i32
      %dma_start3A_45 = tpu.memref_slice %arg10[%dma_start3A, %dma_start3A_44] : memref<200x128xf32, #tpu.memory_space<vmem>> -> memref<24x128xf32, #tpu.memory_space<vmem>>
      %dma_start3A_46 = arith.constant 0 : i32
      %dma_start3A_47 = tpu.memref_slice %arg11[%add3A_15, %dma_start3A_46] : memref<10000x128xf32, #tpu.memory_space<vmem_shared>> -> memref<24x128xf32, #tpu.memory_space<vmem_shared>>
      %dma_start3A_48 = arith.constant 0 : i32
      %dma_start3A_49 = tpu.memref_slice %arg11[%add3A_15, %dma_start3A_48] : memref<10000x128xf32, #tpu.memory_space<vmem_shared>> -> memref<24x128xf32, #tpu.memory_space<vmem_shared>>
      %dma_start3A_50 = arith.constant 0 : i32
      %dma_start3A_51 = arith.constant 0 : i32
      %dma_start3A_52 = tpu.memref_slice %arg10[%dma_start3A_50, %dma_start3A_51] : memref<200x128xf32, #tpu.memory_space<vmem>> -> memref<24x128xf32, #tpu.memory_space<vmem>>
      tpu.enqueue_dma source(%dma_start3A_52 : memref<24x128xf32, #tpu.memory_space<vmem>>) target(%dma_start3A_49 : memref<24x128xf32, #tpu.memory_space<vmem_shared>>) target_semaphore(%run_scoped3A : memref<!tpu.dma_semaphore, #tpu.memory_space<semaphore_mem>>)
      %dma_wait3A = arith.constant 0 : i32
      %dma_wait3A_53 = arith.constant 0 : i32
      %dma_wait3A_54 = tpu.memref_slice %arg10[%dma_wait3A, %dma_wait3A_53] : memref<200x128xf32, #tpu.memory_space<vmem>> -> memref<24x128xf32, #tpu.memory_space<vmem>>
      %dma_wait3A_55 = arith.constant 0 : i32
      %dma_wait3A_56 = tpu.memref_slice %arg11[%add3A_15, %dma_wait3A_55] : memref<10000x128xf32, #tpu.memory_space<vmem_shared>> -> memref<24x128xf32, #tpu.memory_space<vmem_shared>>
      %dma_wait3A_57 = arith.constant 0 : i32
      %dma_wait3A_58 = tpu.memref_slice %arg11[%add3A_15, %dma_wait3A_57] : memref<10000x128xf32, #tpu.memory_space<vmem_shared>> -> memref<24x128xf32, #tpu.memory_space<vmem_shared>>
      %dma_wait3A_59 = arith.constant 0 : i32
      %dma_wait3A_60 = arith.constant 0 : i32
      %dma_wait3A_61 = tpu.memref_slice %arg10[%dma_wait3A_59, %dma_wait3A_60] : memref<200x128xf32, #tpu.memory_space<vmem>> -> memref<24x128xf32, #tpu.memory_space<vmem>>
      tpu.wait_dma2 semaphore(%run_scoped3A : memref<!tpu.dma_semaphore, #tpu.memory_space<semaphore_mem>>) src(%dma_wait3A_61 : memref<24x128xf32, #tpu.memory_space<vmem>>) dst(%dma_wait3A_58 : memref<24x128xf32, #tpu.memory_space<vmem_shared>>)
      tpu.yield
    }) : () -> ()
    %eq3A = arith.constant 15 : i32
    %eq3A_16 = arith.cmpi eq, %arg1, %eq3A : i32
    %convert_element_type3A = arith.extui %eq3A_16 : i1 to i32
    %cond3A = arith.constant 0 : i32
    %cond3A_17 = arith.cmpi ne, %convert_element_type3A, %cond3A : i32
    scf.if %cond3A_17 {
      "tpu.region"() ({
        %run_scoped3A = tpu.sem_alloc : memref<!tpu.dma_semaphore, #tpu.memory_space<semaphore_mem>>
        %dma_start3A = arith.constant 0 : i32
        %dma_start3A_44 = arith.constant 0 : i32
        %dma_start3A_45 = tpu.memref_slice %arg10[%dma_start3A, %dma_start3A_44] : memref<200x128xf32, #tpu.memory_space<vmem>> -> memref<16x128xf32, #tpu.memory_space<vmem>>
        %dma_start3A_46 = arith.constant 9984 : i32
        %dma_start3A_47 = arith.constant 0 : i32
        %dma_start3A_48 = tpu.memref_slice %arg11[%dma_start3A_46, %dma_start3A_47] : memref<10000x128xf32, #tpu.memory_space<vmem_shared>> -> memref<16x128xf32, #tpu.memory_space<vmem_shared>>
        %dma_start3A_49 = arith.constant 9984 : i32
        %dma_start3A_50 = arith.constant 0 : i32
        %dma_start3A_51 = tpu.memref_slice %arg11[%dma_start3A_49, %dma_start3A_50] : memref<10000x128xf32, #tpu.memory_space<vmem_shared>> -> memref<16x128xf32, #tpu.memory_space<vmem_shared>>
        %dma_start3A_52 = arith.constant 0 : i32
        %dma_start3A_53 = arith.constant 0 : i32
        %dma_start3A_54 = tpu.memref_slice %arg10[%dma_start3A_52, %dma_start3A_53] : memref<200x128xf32, #tpu.memory_space<vmem>> -> memref<16x128xf32, #tpu.memory_space<vmem>>
        tpu.enqueue_dma source(%dma_start3A_54 : memref<16x128xf32, #tpu.memory_space<vmem>>) target(%dma_start3A_51 : memref<16x128xf32, #tpu.memory_space<vmem_shared>>) target_semaphore(%run_scoped3A : memref<!tpu.dma_semaphore, #tpu.memory_space<semaphore_mem>>)
        %dma_wait3A = arith.constant 0 : i32
        %dma_wait3A_55 = arith.constant 0 : i32
        %dma_wait3A_56 = tpu.memref_slice %arg10[%dma_wait3A, %dma_wait3A_55] : memref<200x128xf32, #tpu.memory_space<vmem>> -> memref<16x128xf32, #tpu.memory_space<vmem>>
        %dma_wait3A_57 = arith.constant 9984 : i32
        %dma_wait3A_58 = arith.constant 0 : i32
        %dma_wait3A_59 = tpu.memref_slice %arg11[%dma_wait3A_57, %dma_wait3A_58] : memref<10000x128xf32, #tpu.memory_space<vmem_shared>> -> memref<16x128xf32, #tpu.memory_space<vmem_shared>>
        %dma_wait3A_60 = arith.constant 9984 : i32
        %dma_wait3A_61 = arith.constant 0 : i32
        %dma_wait3A_62 = tpu.memref_slice %arg11[%dma_wait3A_60, %dma_wait3A_61] : memref<10000x128xf32, #tpu.memory_space<vmem_shared>> -> memref<16x128xf32, #tpu.memory_space<vmem_shared>>
        %dma_wait3A_63 = arith.constant 0 : i32
        %dma_wait3A_64 = arith.constant 0 : i32
        %dma_wait3A_65 = tpu.memref_slice %arg10[%dma_wait3A_63, %dma_wait3A_64] : memref<200x128xf32, #tpu.memory_space<vmem>> -> memref<16x128xf32, #tpu.memory_space<vmem>>
        tpu.wait_dma2 semaphore(%run_scoped3A : memref<!tpu.dma_semaphore, #tpu.memory_space<semaphore_mem>>) src(%dma_wait3A_65 : memref<16x128xf32, #tpu.memory_space<vmem>>) dst(%dma_wait3A_62 : memref<16x128xf32, #tpu.memory_space<vmem_shared>>)
        tpu.yield
      }) : () -> ()
    } else {
    }
    %barrier3A = arith.constant 0 : index
    tpu.barrier barrier_id(%barrier3A)
    %scan3A_18 = arith.constant 0 : i32
    %scan3A_19 = arith.constant 50 : i32
    %scan3A_20 = arith.addi %scan3A_18, %scan3A_19 : i32
    %scan3A_21 = arith.constant 1 : i32
    scf.for %scan3A_44 = %scan3A_18 to %scan3A_20 step %scan3A_21  : i32 {
      %mul3A_45 = arith.constant 1 : i32
      %mul3A_46 = arith.muli %scan3A_44, %mul3A_45 : i32
      %add3A_47 = arith.constant 0 : i32
      %add3A_48 = arith.addi %add3A_47, %mul3A_46 : i32
      %mul3A_49 = arith.constant 10000 : i32
      %mul3A_50 = arith.muli %add3A, %mul3A_49 : i32
      %mul3A_51 = arith.constant 200 : i32
      %mul3A_52 = arith.muli %add3A_48, %mul3A_51 : i32
      %add3A_53 = arith.addi %mul3A_50, %mul3A_52 : i32
      "tpu.region"() ({
        %run_scoped3A = tpu.sem_alloc : memref<!tpu.dma_semaphore, #tpu.memory_space<semaphore_mem>>
        %dma_start3A = tpu.memref_slice %arg3[%add3A_53] : memref<320000xi32, #tpu.memory_space<hbm>> -> memref<200xi32, #tpu.memory_space<hbm>>
        %dma_start3A_59 = tpu.memref_slice %arg3[%add3A_53] : memref<320000xi32, #tpu.memory_space<hbm>> -> memref<200xi32, #tpu.memory_space<hbm>>
        tpu.enqueue_dma source(%dma_start3A_59 : memref<200xi32, #tpu.memory_space<hbm>>) target(%arg7 : memref<200xi32, #tpu.memory_space<vmem>>) target_semaphore(%run_scoped3A : memref<!tpu.dma_semaphore, #tpu.memory_space<semaphore_mem>>)
        %dma_wait3A = tpu.memref_slice %arg3[%add3A_53] : memref<320000xi32, #tpu.memory_space<hbm>> -> memref<200xi32, #tpu.memory_space<hbm>>
        %dma_wait3A_60 = tpu.memref_slice %arg3[%add3A_53] : memref<320000xi32, #tpu.memory_space<hbm>> -> memref<200xi32, #tpu.memory_space<hbm>>
        tpu.wait_dma2 semaphore(%run_scoped3A : memref<!tpu.dma_semaphore, #tpu.memory_space<semaphore_mem>>) src(%dma_wait3A_60 : memref<200xi32, #tpu.memory_space<hbm>>) dst(%arg7 : memref<200xi32, #tpu.memory_space<vmem>>)
        tpu.yield
      }) : () -> ()
      "tpu.region"() ({
        %run_scoped3A = tpu.sem_alloc : memref<!tpu.dma_semaphore, #tpu.memory_space<semaphore_mem>>
        %dma_start3A = tpu.memref_slice %arg4[%add3A_53] : memref<320000xf32, #tpu.memory_space<hbm>> -> memref<200xf32, #tpu.memory_space<hbm>>
        %dma_start3A_59 = tpu.memref_slice %arg4[%add3A_53] : memref<320000xf32, #tpu.memory_space<hbm>> -> memref<200xf32, #tpu.memory_space<hbm>>
        tpu.enqueue_dma source(%dma_start3A_59 : memref<200xf32, #tpu.memory_space<hbm>>) target(%arg8 : memref<200xf32, #tpu.memory_space<vmem>>) target_semaphore(%run_scoped3A : memref<!tpu.dma_semaphore, #tpu.memory_space<semaphore_mem>>)
        %dma_wait3A = tpu.memref_slice %arg4[%add3A_53] : memref<320000xf32, #tpu.memory_space<hbm>> -> memref<200xf32, #tpu.memory_space<hbm>>
        %dma_wait3A_60 = tpu.memref_slice %arg4[%add3A_53] : memref<320000xf32, #tpu.memory_space<hbm>> -> memref<200xf32, #tpu.memory_space<hbm>>
        tpu.wait_dma2 semaphore(%run_scoped3A : memref<!tpu.dma_semaphore, #tpu.memory_space<semaphore_mem>>) src(%dma_wait3A_60 : memref<200xf32, #tpu.memory_space<hbm>>) dst(%arg8 : memref<200xf32, #tpu.memory_space<vmem>>)
        tpu.yield
      }) : () -> ()
      "tpu.region"() ({
        %run_scoped3A = tpu.sem_alloc : memref<!tpu.dma_semaphore, #tpu.memory_space<semaphore_mem>>
        %dma_start3A = tpu.memref_slice %arg5[%add3A_53] : memref<320000xi32, #tpu.memory_space<hbm>> -> memref<200xi32, #tpu.memory_space<hbm>>
        %dma_start3A_59 = tpu.memref_slice %arg5[%add3A_53] : memref<320000xi32, #tpu.memory_space<hbm>> -> memref<200xi32, #tpu.memory_space<hbm>>
        tpu.enqueue_dma source(%dma_start3A_59 : memref<200xi32, #tpu.memory_space<hbm>>) target(%arg9 : memref<200xi32, #tpu.memory_space<vmem>>) target_semaphore(%run_scoped3A : memref<!tpu.dma_semaphore, #tpu.memory_space<semaphore_mem>>)
        %dma_wait3A = tpu.memref_slice %arg5[%add3A_53] : memref<320000xi32, #tpu.memory_space<hbm>> -> memref<200xi32, #tpu.memory_space<hbm>>
        %dma_wait3A_60 = tpu.memref_slice %arg5[%add3A_53] : memref<320000xi32, #tpu.memory_space<hbm>> -> memref<200xi32, #tpu.memory_space<hbm>>
        tpu.wait_dma2 semaphore(%run_scoped3A : memref<!tpu.dma_semaphore, #tpu.memory_space<semaphore_mem>>) src(%dma_wait3A_60 : memref<200xi32, #tpu.memory_space<hbm>>) dst(%arg9 : memref<200xi32, #tpu.memory_space<vmem>>)
        tpu.yield
      }) : () -> ()
      "tpu.region"() ({
        %run_scoped3A = tpu.sem_alloc : memref<!tpu.dma_semaphore, #tpu.memory_space<semaphore_mem>>
        %dma_start3A = arith.constant 0 : i32
        %dma_start3A_59 = arith.constant 0 : i32
        %dma_start3A_60 = tpu.memref_slice %arg2[%dma_start3A, %dma_start3A_59] : memref<160000x128xf32, #tpu.memory_space<hbm>> -> memref<160000x128xf32, #tpu.memory_space<hbm>>
        tpu.enqueue_indirect_dma source(%dma_start3A_60 : memref<160000x128xf32, #tpu.memory_space<hbm>>) target(%arg10 : memref<200x128xf32, #tpu.memory_space<vmem>>) offsets(%arg7 : memref<200xi32, #tpu.memory_space<vmem>>) semaphore(%run_scoped3A : memref<!tpu.dma_semaphore, #tpu.memory_space<semaphore_mem>>)
        %dma_wait3A = arith.constant 0 : i32
        %dma_wait3A_61 = arith.constant 0 : i32
        %dma_wait3A_62 = tpu.memref_slice %arg2[%dma_wait3A, %dma_wait3A_61] : memref<160000x128xf32, #tpu.memory_space<hbm>> -> memref<160000x128xf32, #tpu.memory_space<hbm>>
        tpu.wait_indirect_dma semaphore(%run_scoped3A : memref<!tpu.dma_semaphore, #tpu.memory_space<semaphore_mem>>) src(%dma_wait3A_62 : memref<160000x128xf32, #tpu.memory_space<hbm>>) dst(%arg10 : memref<200x128xf32, #tpu.memory_space<vmem>>)
        tpu.yield
      }) : () -> ()
      %scan3A_54 = arith.constant 0 : i32
      %scan3A_55 = arith.constant 200 : i32
      %scan3A_56 = arith.addi %scan3A_54, %scan3A_55 : i32
      %scan3A_57 = arith.constant 1 : i32
      scf.for %scan3A_59 = %scan3A_54 to %scan3A_56 step %scan3A_57  : i32 {
        %mul3A_60 = arith.constant 1 : i32
        %mul3A_61 = arith.muli %scan3A_59, %mul3A_60 : i32
        %add3A_62 = arith.constant 0 : i32
        %add3A_63 = arith.addi %add3A_62, %mul3A_61 : i32
        %broadcast_in_dim3A_64 = vector.broadcast %add3A_63 : i32 to vector<16xi32>
        %gather3A = tpu.vector_load_idx %arg8[%broadcast_in_dim3A_64] : memref<200xf32, #tpu.memory_space<vmem>>[vector<16xi32>], vector<16xf32>,
        %get3A = arith.index_cast %add3A_63 : i32 to index
        %get3A_65 = arith.constant 0 : index
        %get3A_66 = tpu.vector_load %arg10[%get3A, %get3A_65] {strides = array<i32>} : memref<200x128xf32, #tpu.memory_space<vmem>>, vector<16xf32>,
        %mul3A_67 = arith.mulf %get3A_66, %gather3A : vector<16xf32>
        %swap3A = arith.index_cast %add3A_63 : i32 to index
        %swap3A_68 = arith.constant 0 : index
        %swap3A_69 = tpu.vector_load %arg10[%swap3A, %swap3A_68] {strides = array<i32>} : memref<200x128xf32, #tpu.memory_space<vmem>>, vector<16xf32>,
        tpu.vector_store %arg10[%swap3A, %swap3A_68], %mul3A_67 {strides = array<i32>} : memref<200x128xf32, #tpu.memory_space<vmem>>, vector<16xf32>,
        %get3A_70 = arith.index_cast %add3A_63 : i32 to index
        %get3A_71 = arith.constant 16 : index
        %get3A_72 = tpu.vector_load %arg10[%get3A_70, %get3A_71] {strides = array<i32>} : memref<200x128xf32, #tpu.memory_space<vmem>>, vector<16xf32>,
        %mul3A_73 = arith.mulf %get3A_72, %gather3A : vector<16xf32>
        %swap3A_74 = arith.index_cast %add3A_63 : i32 to index
        %swap3A_75 = arith.constant 16 : index
        %swap3A_76 = tpu.vector_load %arg10[%swap3A_74, %swap3A_75] {strides = array<i32>} : memref<200x128xf32, #tpu.memory_space<vmem>>, vector<16xf32>,
        tpu.vector_store %arg10[%swap3A_74, %swap3A_75], %mul3A_73 {strides = array<i32>} : memref<200x128xf32, #tpu.memory_space<vmem>>, vector<16xf32>,
        %get3A_77 = arith.index_cast %add3A_63 : i32 to index
        %get3A_78 = arith.constant 32 : index
        %get3A_79 = tpu.vector_load %arg10[%get3A_77, %get3A_78] {strides = array<i32>} : memref<200x128xf32, #tpu.memory_space<vmem>>, vector<16xf32>,
        %mul3A_80 = arith.mulf %get3A_79, %gather3A : vector<16xf32>
        %swap3A_81 = arith.index_cast %add3A_63 : i32 to index
        %swap3A_82 = arith.constant 32 : index
        %swap3A_83 = tpu.vector_load %arg10[%swap3A_81, %swap3A_82] {strides = array<i32>} : memref<200x128xf32, #tpu.memory_space<vmem>>, vector<16xf32>,
        tpu.vector_store %arg10[%swap3A_81, %swap3A_82], %mul3A_80 {strides = array<i32>} : memref<200x128xf32, #tpu.memory_space<vmem>>, vector<16xf32>,
        %get3A_84 = arith.index_cast %add3A_63 : i32 to index
        %get3A_85 = arith.constant 48 : index
        %get3A_86 = tpu.vector_load %arg10[%get3A_84, %get3A_85] {strides = array<i32>} : memref<200x128xf32, #tpu.memory_space<vmem>>, vector<16xf32>,
        %mul3A_87 = arith.mulf %get3A_86, %gather3A : vector<16xf32>
        %swap3A_88 = arith.index_cast %add3A_63 : i32 to index
        %swap3A_89 = arith.constant 48 : index
        %swap3A_90 = tpu.vector_load %arg10[%swap3A_88, %swap3A_89] {strides = array<i32>} : memref<200x128xf32, #tpu.memory_space<vmem>>, vector<16xf32>,
        tpu.vector_store %arg10[%swap3A_88, %swap3A_89], %mul3A_87 {strides = array<i32>} : memref<200x128xf32, #tpu.memory_space<vmem>>, vector<16xf32>,
        %get3A_91 = arith.index_cast %add3A_63 : i32 to index
        %get3A_92 = arith.constant 64 : index
        %get3A_93 = tpu.vector_load %arg10[%get3A_91, %get3A_92] {strides = array<i32>} : memref<200x128xf32, #tpu.memory_space<vmem>>, vector<16xf32>,
        %mul3A_94 = arith.mulf %get3A_93, %gather3A : vector<16xf32>
        %swap3A_95 = arith.index_cast %add3A_63 : i32 to index
        %swap3A_96 = arith.constant 64 : index
        %swap3A_97 = tpu.vector_load %arg10[%swap3A_95, %swap3A_96] {strides = array<i32>} : memref<200x128xf32, #tpu.memory_space<vmem>>, vector<16xf32>,
        tpu.vector_store %arg10[%swap3A_95, %swap3A_96], %mul3A_94 {strides = array<i32>} : memref<200x128xf32, #tpu.memory_space<vmem>>, vector<16xf32>,
        %get3A_98 = arith.index_cast %add3A_63 : i32 to index
        %get3A_99 = arith.constant 80 : index
        %get3A_100 = tpu.vector_load %arg10[%get3A_98, %get3A_99] {strides = array<i32>} : memref<200x128xf32, #tpu.memory_space<vmem>>, vector<16xf32>,
        %mul3A_101 = arith.mulf %get3A_100, %gather3A : vector<16xf32>
        %swap3A_102 = arith.index_cast %add3A_63 : i32 to index
        %swap3A_103 = arith.constant 80 : index
        %swap3A_104 = tpu.vector_load %arg10[%swap3A_102, %swap3A_103] {strides = array<i32>} : memref<200x128xf32, #tpu.memory_space<vmem>>, vector<16xf32>,
        tpu.vector_store %arg10[%swap3A_102, %swap3A_103], %mul3A_101 {strides = array<i32>} : memref<200x128xf32, #tpu.memory_space<vmem>>, vector<16xf32>,
        %get3A_105 = arith.index_cast %add3A_63 : i32 to index
        %get3A_106 = arith.constant 96 : index
        %get3A_107 = tpu.vector_load %arg10[%get3A_105, %get3A_106] {strides = array<i32>} : memref<200x128xf32, #tpu.memory_space<vmem>>, vector<16xf32>,
        %mul3A_108 = arith.mulf %get3A_107, %gather3A : vector<16xf32>
        %swap3A_109 = arith.index_cast %add3A_63 : i32 to index
        %swap3A_110 = arith.constant 96 : index
        %swap3A_111 = tpu.vector_load %arg10[%swap3A_109, %swap3A_110] {strides = array<i32>} : memref<200x128xf32, #tpu.memory_space<vmem>>, vector<16xf32>,
        tpu.vector_store %arg10[%swap3A_109, %swap3A_110], %mul3A_108 {strides = array<i32>} : memref<200x128xf32, #tpu.memory_space<vmem>>, vector<16xf32>,
        %get3A_112 = arith.index_cast %add3A_63 : i32 to index
        %get3A_113 = arith.constant 112 : index
        %get3A_114 = tpu.vector_load %arg10[%get3A_112, %get3A_113] {strides = array<i32>} : memref<200x128xf32, #tpu.memory_space<vmem>>, vector<16xf32>,
        %mul3A_115 = arith.mulf %get3A_114, %gather3A : vector<16xf32>
        %swap3A_116 = arith.index_cast %add3A_63 : i32 to index
        %swap3A_117 = arith.constant 112 : index
        %swap3A_118 = tpu.vector_load %arg10[%swap3A_116, %swap3A_117] {strides = array<i32>} : memref<200x128xf32, #tpu.memory_space<vmem>>, vector<16xf32>,
        tpu.vector_store %arg10[%swap3A_116, %swap3A_117], %mul3A_115 {strides = array<i32>} : memref<200x128xf32, #tpu.memory_space<vmem>>, vector<16xf32>,
      }
      %scan3A_58 = arith.constant 200 : i32
      "tpu.region"() ({
        %run_scoped3A = tpu.sem_alloc : memref<!tpu.dma_semaphore, #tpu.memory_space<semaphore_mem>>
        %dma_start3A = arith.constant 0 : i32
        %dma_start3A_59 = arith.constant 0 : i32
        %dma_start3A_60 = tpu.memref_slice %arg11[%dma_start3A, %dma_start3A_59] : memref<10000x128xf32, #tpu.memory_space<vmem_shared>> -> memref<10000x128xf32, #tpu.memory_space<vmem_shared>>
        tpu.enqueue_indirect_dma source(%arg10 : memref<200x128xf32, #tpu.memory_space<vmem>>) target(%dma_start3A_60 : memref<10000x128xf32, #tpu.memory_space<vmem_shared>>) offsets(%arg9 : memref<200xi32, #tpu.memory_space<vmem>>) semaphore(%run_scoped3A : memref<!tpu.dma_semaphore, #tpu.memory_space<semaphore_mem>>) {add = true}
        %dma_wait3A = arith.constant 0 : i32
        %dma_wait3A_61 = arith.constant 0 : i32
        %dma_wait3A_62 = tpu.memref_slice %arg11[%dma_wait3A, %dma_wait3A_61] : memref<10000x128xf32, #tpu.memory_space<vmem_shared>> -> memref<10000x128xf32, #tpu.memory_space<vmem_shared>>
        tpu.wait_indirect_dma semaphore(%run_scoped3A : memref<!tpu.dma_semaphore, #tpu.memory_space<semaphore_mem>>) src(%arg10 : memref<200x128xf32, #tpu.memory_space<vmem>>) dst(%dma_wait3A_62 : memref<10000x128xf32, #tpu.memory_space<vmem_shared>>)
        tpu.yield
      }) : () -> ()
    }
    %scan3A_22 = arith.constant 50 : i32
    %barrier3A_23 = arith.constant 0 : index
    tpu.barrier barrier_id(%barrier3A_23)
    %mul3A_24 = arith.constant 624 : i32
    %mul3A_25 = arith.muli %arg1, %mul3A_24 : i32
    %mul3A_26 = arith.constant 10000 : i32
    %mul3A_27 = arith.muli %arg0, %mul3A_26 : i32
    %mul3A_28 = arith.constant 624 : i32
    %mul3A_29 = arith.muli %arg1, %mul3A_28 : i32
    %add3A_30 = arith.addi %mul3A_27, %mul3A_29 : i32
    %add3A_31 = arith.constant 0 : i32
    %add3A_32 = arith.addi %mul3A_25, %add3A_31 : i32
    %add3A_33 = arith.constant 0 : i32
    %add3A_34 = arith.addi %add3A_30, %add3A_33 : i32
    "tpu.region"() ({
      %run_scoped3A = tpu.sem_alloc : memref<!tpu.dma_semaphore, #tpu.memory_space<semaphore_mem>>
      %dma_start3A = arith.constant 0 : i32
      %dma_start3A_44 = tpu.memref_slice %arg6[%add3A_34, %dma_start3A] : memref<20000x128xf32, #tpu.memory_space<hbm>> -> memref<400x128xf32, #tpu.memory_space<hbm>>
      %dma_start3A_45 = arith.constant 0 : i32
      %dma_start3A_46 = tpu.memref_slice %arg11[%add3A_32, %dma_start3A_45] : memref<10000x128xf32, #tpu.memory_space<vmem_shared>> -> memref<400x128xf32, #tpu.memory_space<vmem_shared>>
      tpu.enqueue_dma source(%dma_start3A_46 : memref<400x128xf32, #tpu.memory_space<vmem_shared>>) target(%dma_start3A_44 : memref<400x128xf32, #tpu.memory_space<hbm>>) target_semaphore(%run_scoped3A : memref<!tpu.dma_semaphore, #tpu.memory_space<semaphore_mem>>)
      %dma_wait3A = arith.constant 0 : i32
      %dma_wait3A_47 = tpu.memref_slice %arg6[%add3A_34, %dma_wait3A] : memref<20000x128xf32, #tpu.memory_space<hbm>> -> memref<400x128xf32, #tpu.memory_space<hbm>>
      %dma_wait3A_48 = arith.constant 0 : i32
      %dma_wait3A_49 = tpu.memref_slice %arg11[%add3A_32, %dma_wait3A_48] : memref<10000x128xf32, #tpu.memory_space<vmem_shared>> -> memref<400x128xf32, #tpu.memory_space<vmem_shared>>
      tpu.wait_dma2 semaphore(%run_scoped3A : memref<!tpu.dma_semaphore, #tpu.memory_space<semaphore_mem>>) src(%dma_wait3A_49 : memref<400x128xf32, #tpu.memory_space<vmem_shared>>) dst(%dma_wait3A_47 : memref<400x128xf32, #tpu.memory_space<hbm>>)
      tpu.yield
    }) : () -> ()
    %add3A_35 = arith.constant 400 : i32
    %add3A_36 = arith.addi %mul3A_25, %add3A_35 : i32
    %add3A_37 = arith.constant 400 : i32
    %add3A_38 = arith.addi %add3A_30, %add3A_37 : i32
    "tpu.region"() ({
      %run_scoped3A = tpu.sem_alloc : memref<!tpu.dma_semaphore, #tpu.memory_space<semaphore_mem>>
      %dma_start3A = arith.constant 0 : i32
      %dma_start3A_44 = tpu.memref_slice %arg6[%add3A_38, %dma_start3A] : memref<20000x128xf32, #tpu.memory_space<hbm>> -> memref<224x128xf32, #tpu.memory_space<hbm>>
      %dma_start3A_45 = arith.constant 0 : i32
      %dma_start3A_46 = tpu.memref_slice %arg11[%add3A_36, %dma_start3A_45] : memref<10000x128xf32, #tpu.memory_space<vmem_shared>> -> memref<224x128xf32, #tpu.memory_space<vmem_shared>>
      tpu.enqueue_dma source(%dma_start3A_46 : memref<224x128xf32, #tpu.memory_space<vmem_shared>>) target(%dma_start3A_44 : memref<224x128xf32, #tpu.memory_space<hbm>>) target_semaphore(%run_scoped3A : memref<!tpu.dma_semaphore, #tpu.memory_space<semaphore_mem>>)
      %dma_wait3A = arith.constant 0 : i32
      %dma_wait3A_47 = tpu.memref_slice %arg6[%add3A_38, %dma_wait3A] : memref<20000x128xf32, #tpu.memory_space<hbm>> -> memref<224x128xf32, #tpu.memory_space<hbm>>
      %dma_wait3A_48 = arith.constant 0 : i32
      %dma_wait3A_49 = tpu.memref_slice %arg11[%add3A_36, %dma_wait3A_48] : memref<10000x128xf32, #tpu.memory_space<vmem_shared>> -> memref<224x128xf32, #tpu.memory_space<vmem_shared>>
      tpu.wait_dma2 semaphore(%run_scoped3A : memref<!tpu.dma_semaphore, #tpu.memory_space<semaphore_mem>>) src(%dma_wait3A_49 : memref<224x128xf32, #tpu.memory_space<vmem_shared>>) dst(%dma_wait3A_47 : memref<224x128xf32, #tpu.memory_space<hbm>>)
      tpu.yield
    }) : () -> ()
    %eq3A_39 = arith.constant 15 : i32
    %eq3A_40 = arith.cmpi eq, %arg1, %eq3A_39 : i32
    %convert_element_type3A_41 = arith.extui %eq3A_40 : i1 to i32
    %cond3A_42 = arith.constant 0 : i32
    %cond3A_43 = arith.cmpi ne, %convert_element_type3A_41, %cond3A_42 : i32
    scf.if %cond3A_43 {
      %mul3A_44 = arith.constant 10000 : i32
      %mul3A_45 = arith.muli %arg0, %mul3A_44 : i32
      %add3A_46 = arith.constant 9984 : i32
      %add3A_47 = arith.addi %mul3A_45, %add3A_46 : i32
      %add3A_48 = arith.constant 0 : i32
      %add3A_49 = arith.addi %add3A_47, %add3A_48 : i32
      "tpu.region"() ({
        %run_scoped3A = tpu.sem_alloc : memref<!tpu.dma_semaphore, #tpu.memory_space<semaphore_mem>>
        %dma_start3A = arith.constant 0 : i32
        %dma_start3A_50 = tpu.memref_slice %arg6[%add3A_49, %dma_start3A] : memref<20000x128xf32, #tpu.memory_space<hbm>> -> memref<16x128xf32, #tpu.memory_space<hbm>>
        %dma_start3A_51 = arith.constant 9984 : i32
        %dma_start3A_52 = arith.constant 0 : i32
        %dma_start3A_53 = tpu.memref_slice %arg11[%dma_start3A_51, %dma_start3A_52] : memref<10000x128xf32, #tpu.memory_space<vmem_shared>> -> memref<16x128xf32, #tpu.memory_space<vmem_shared>>
        tpu.enqueue_dma source(%dma_start3A_53 : memref<16x128xf32, #tpu.memory_space<vmem_shared>>) target(%dma_start3A_50 : memref<16x128xf32, #tpu.memory_space<hbm>>) target_semaphore(%run_scoped3A : memref<!tpu.dma_semaphore, #tpu.memory_space<semaphore_mem>>)
        %dma_wait3A = arith.constant 0 : i32
        %dma_wait3A_54 = tpu.memref_slice %arg6[%add3A_49, %dma_wait3A] : memref<20000x128xf32, #tpu.memory_space<hbm>> -> memref<16x128xf32, #tpu.memory_space<hbm>>
        %dma_wait3A_55 = arith.constant 9984 : i32
        %dma_wait3A_56 = arith.constant 0 : i32
        %dma_wait3A_57 = tpu.memref_slice %arg11[%dma_wait3A_55, %dma_wait3A_56] : memref<10000x128xf32, #tpu.memory_space<vmem_shared>> -> memref<16x128xf32, #tpu.memory_space<vmem_shared>>
        tpu.wait_dma2 semaphore(%run_scoped3A : memref<!tpu.dma_semaphore, #tpu.memory_space<semaphore_mem>>) src(%dma_wait3A_57 : memref<16x128xf32, #tpu.memory_space<vmem_shared>>) dst(%dma_wait3A_54 : memref<16x128xf32, #tpu.memory_space<hbm>>)
        tpu.yield
      }) : () -> ()
    } else {
    }
    return
  }
}

#map = affine_map<(d0, d1) -> (0)>
#map1 = affine_map<(d0, d1) -> (0, 0)>
module attributes {stable_mosaic.version = 14 : i64} {
  func.func @k(%arg0: i32, %arg1: i32, %arg2: memref<320000xi32, #tpu.memory_space<hbm>>, %arg3: memref<320000xi32, #tpu.memory_space<hbm>>, %arg4: memref<320000xi32, #tpu.memory_space<hbm>>, %arg5: memref<10000x128xf32, #tpu.memory_space<hbm>>, %arg6: memref<320000xf32, #tpu.memory_space<hbm>>, %arg7: memref<320000xi32, #tpu.memory_space<hbm>>, %arg8: memref<400xi32, #tpu.memory_space<vmem>>, %arg9: memref<400xi32, #tpu.memory_space<vmem>>, %arg10: memref<400xi32, #tpu.memory_space<vmem>>, %arg11: memref<400x128xf32, #tpu.memory_space<vmem>>, %arg12: memref<400xf32, #tpu.memory_space<vmem>>, %arg13: memref<400xi32, #tpu.memory_space<vmem>>) attributes {dimension_semantics = [#tpu.dimension_semantics<core_parallel>, #tpu.dimension_semantics<subcore_parallel>], iteration_bounds = array<i64: 2, 16>, scalar_prefetch = 0 : i64, scratch_operands = 6 : i64, tpu.core_type = #tpu.core_type<sc_vector_subcore>, window_params = [{transform_indices = #map}, {transform_indices = #map}, {transform_indices = #map}, {transform_indices = #map1}, {transform_indices = #map}, {transform_indices = #map}]} {
    %mul3A = arith.constant 2 : i32
    %mul3A_0 = arith.muli %arg1, %mul3A : i32
    %add3A = arith.addi %mul3A_0, %arg0 : i32
    %iota3A = tpu.iota {dimensions = array<i32: 0>} : vector<16xi32>
    %scan3A = arith.constant 0 : i32
    %scan3A_1 = arith.constant 25 : i32
    %scan3A_2 = arith.addi %scan3A, %scan3A_1 : i32
    %scan3A_3 = arith.constant 1 : i32
    scf.for %scan3A_5 = %scan3A to %scan3A_2 step %scan3A_3  : i32 {
      %mul3A_6 = arith.constant 1 : i32
      %mul3A_7 = arith.muli %scan3A_5, %mul3A_6 : i32
      %add3A_8 = arith.constant 0 : i32
      %add3A_9 = arith.addi %add3A_8, %mul3A_7 : i32
      %mul3A_10 = arith.constant 10000 : i32
      %mul3A_11 = arith.muli %add3A, %mul3A_10 : i32
      %mul3A_12 = arith.constant 400 : i32
      %mul3A_13 = arith.muli %add3A_9, %mul3A_12 : i32
      %add3A_14 = arith.addi %mul3A_11, %mul3A_13 : i32
      "tpu.region"() ({
        %run_scoped3A = tpu.sem_alloc : memref<!tpu.dma_semaphore, #tpu.memory_space<semaphore_mem>>
        %dma_start3A = tpu.memref_slice %arg2[%add3A_14] : memref<320000xi32, #tpu.memory_space<hbm>> -> memref<400xi32, #tpu.memory_space<hbm>>
        %dma_start3A_20 = tpu.memref_slice %arg2[%add3A_14] : memref<320000xi32, #tpu.memory_space<hbm>> -> memref<400xi32, #tpu.memory_space<hbm>>
        tpu.enqueue_dma source(%dma_start3A_20 : memref<400xi32, #tpu.memory_space<hbm>>) target(%arg8 : memref<400xi32, #tpu.memory_space<vmem>>) target_semaphore(%run_scoped3A : memref<!tpu.dma_semaphore, #tpu.memory_space<semaphore_mem>>)
        %dma_wait3A = tpu.memref_slice %arg2[%add3A_14] : memref<320000xi32, #tpu.memory_space<hbm>> -> memref<400xi32, #tpu.memory_space<hbm>>
        %dma_wait3A_21 = tpu.memref_slice %arg2[%add3A_14] : memref<320000xi32, #tpu.memory_space<hbm>> -> memref<400xi32, #tpu.memory_space<hbm>>
        tpu.wait_dma2 semaphore(%run_scoped3A : memref<!tpu.dma_semaphore, #tpu.memory_space<semaphore_mem>>) src(%dma_wait3A_21 : memref<400xi32, #tpu.memory_space<hbm>>) dst(%arg8 : memref<400xi32, #tpu.memory_space<vmem>>)
        tpu.yield
      }) : () -> ()
      "tpu.region"() ({
        %run_scoped3A = tpu.sem_alloc : memref<!tpu.dma_semaphore, #tpu.memory_space<semaphore_mem>>
        %dma_start3A = tpu.memref_slice %arg3[%add3A_14] : memref<320000xi32, #tpu.memory_space<hbm>> -> memref<400xi32, #tpu.memory_space<hbm>>
        %dma_start3A_20 = tpu.memref_slice %arg3[%add3A_14] : memref<320000xi32, #tpu.memory_space<hbm>> -> memref<400xi32, #tpu.memory_space<hbm>>
        tpu.enqueue_dma source(%dma_start3A_20 : memref<400xi32, #tpu.memory_space<hbm>>) target(%arg9 : memref<400xi32, #tpu.memory_space<vmem>>) target_semaphore(%run_scoped3A : memref<!tpu.dma_semaphore, #tpu.memory_space<semaphore_mem>>)
        %dma_wait3A = tpu.memref_slice %arg3[%add3A_14] : memref<320000xi32, #tpu.memory_space<hbm>> -> memref<400xi32, #tpu.memory_space<hbm>>
        %dma_wait3A_21 = tpu.memref_slice %arg3[%add3A_14] : memref<320000xi32, #tpu.memory_space<hbm>> -> memref<400xi32, #tpu.memory_space<hbm>>
        tpu.wait_dma2 semaphore(%run_scoped3A : memref<!tpu.dma_semaphore, #tpu.memory_space<semaphore_mem>>) src(%dma_wait3A_21 : memref<400xi32, #tpu.memory_space<hbm>>) dst(%arg9 : memref<400xi32, #tpu.memory_space<vmem>>)
        tpu.yield
      }) : () -> ()
      "tpu.region"() ({
        %run_scoped3A = tpu.sem_alloc : memref<!tpu.dma_semaphore, #tpu.memory_space<semaphore_mem>>
        %dma_start3A = tpu.memref_slice %arg4[%add3A_14] : memref<320000xi32, #tpu.memory_space<hbm>> -> memref<400xi32, #tpu.memory_space<hbm>>
        %dma_start3A_20 = tpu.memref_slice %arg4[%add3A_14] : memref<320000xi32, #tpu.memory_space<hbm>> -> memref<400xi32, #tpu.memory_space<hbm>>
        tpu.enqueue_dma source(%dma_start3A_20 : memref<400xi32, #tpu.memory_space<hbm>>) target(%arg10 : memref<400xi32, #tpu.memory_space<vmem>>) target_semaphore(%run_scoped3A : memref<!tpu.dma_semaphore, #tpu.memory_space<semaphore_mem>>)
        %dma_wait3A = tpu.memref_slice %arg4[%add3A_14] : memref<320000xi32, #tpu.memory_space<hbm>> -> memref<400xi32, #tpu.memory_space<hbm>>
        %dma_wait3A_21 = tpu.memref_slice %arg4[%add3A_14] : memref<320000xi32, #tpu.memory_space<hbm>> -> memref<400xi32, #tpu.memory_space<hbm>>
        tpu.wait_dma2 semaphore(%run_scoped3A : memref<!tpu.dma_semaphore, #tpu.memory_space<semaphore_mem>>) src(%dma_wait3A_21 : memref<400xi32, #tpu.memory_space<hbm>>) dst(%arg10 : memref<400xi32, #tpu.memory_space<vmem>>)
        tpu.yield
      }) : () -> ()
      "tpu.region"() ({
        %run_scoped3A = tpu.sem_alloc : memref<!tpu.dma_semaphore, #tpu.memory_space<semaphore_mem>>
        %dma_start3A = arith.constant 0 : i32
        %dma_start3A_20 = arith.constant 0 : i32
        %dma_start3A_21 = tpu.memref_slice %arg5[%dma_start3A, %dma_start3A_20] : memref<10000x128xf32, #tpu.memory_space<hbm>> -> memref<10000x128xf32, #tpu.memory_space<hbm>>
        tpu.enqueue_indirect_dma source(%dma_start3A_21 : memref<10000x128xf32, #tpu.memory_space<hbm>>) target(%arg11 : memref<400x128xf32, #tpu.memory_space<vmem>>) offsets(%arg9 : memref<400xi32, #tpu.memory_space<vmem>>) semaphore(%run_scoped3A : memref<!tpu.dma_semaphore, #tpu.memory_space<semaphore_mem>>)
        %dma_wait3A = arith.constant 0 : i32
        %dma_wait3A_22 = arith.constant 0 : i32
        %dma_wait3A_23 = tpu.memref_slice %arg5[%dma_wait3A, %dma_wait3A_22] : memref<10000x128xf32, #tpu.memory_space<hbm>> -> memref<10000x128xf32, #tpu.memory_space<hbm>>
        tpu.wait_indirect_dma semaphore(%run_scoped3A : memref<!tpu.dma_semaphore, #tpu.memory_space<semaphore_mem>>) src(%dma_wait3A_23 : memref<10000x128xf32, #tpu.memory_space<hbm>>) dst(%arg11 : memref<400x128xf32, #tpu.memory_space<vmem>>)
        tpu.yield
      }) : () -> ()
      %scan3A_15 = arith.constant 0 : i32
      %scan3A_16 = arith.constant 25 : i32
      %scan3A_17 = arith.addi %scan3A_15, %scan3A_16 : i32
      %scan3A_18 = arith.constant 1 : i32
      scf.for %scan3A_20 = %scan3A_15 to %scan3A_17 step %scan3A_18  : i32 {
        %mul3A_21 = arith.constant 1 : i32
        %mul3A_22 = arith.muli %scan3A_20, %mul3A_21 : i32
        %add3A_23 = arith.constant 0 : i32
        %add3A_24 = arith.addi %add3A_23, %mul3A_22 : i32
        %mul3A_25 = arith.constant 16 : i32
        %mul3A_26 = arith.muli %add3A_24, %mul3A_25 : i32
        %add3A_27 = vector.broadcast %mul3A_26 : i32 to vector<16xi32>
        %add3A_28 = arith.addi %iota3A, %add3A_27 : vector<16xi32>
        %mul3A_29 = arith.constant 16 : i32
        %mul3A_30 = arith.muli %add3A_24, %mul3A_29 : i32
        %get3A = arith.index_cast %mul3A_30 : i32 to index
        %get3A_31 = tpu.vector_load %arg10[%get3A] {strides = array<i32>} : memref<400xi32, #tpu.memory_space<vmem>>, vector<16xi32>,
        %mul3A_32 = arith.constant 16 : i32
        %mul3A_33 = arith.muli %add3A_24, %mul3A_32 : i32
        %get3A_34 = arith.index_cast %mul3A_33 : i32 to index
        %get3A_35 = tpu.vector_load %arg8[%get3A_34] {strides = array<i32>} : memref<400xi32, #tpu.memory_space<vmem>>, vector<16xi32>,
        %gather3A = tpu.vector_load_idx %arg11[%add3A_28, %get3A_31] : memref<400x128xf32, #tpu.memory_space<vmem>>[vector<16xi32>, vector<16xi32>], vector<16xf32>,
        %max3A = arith.constant 1.000000e+00 : f32
        %max3A_36 = vector.broadcast %max3A : f32 to vector<16xf32>
        %max3A_37 = arith.maximumf %gather3A, %max3A_36 : vector<16xf32>
        %div3A = arith.constant 1.000000e+00 : f32
        %div3A_38 = vector.broadcast %div3A : f32 to vector<16xf32>
        %div3A_39 = arith.divf %div3A_38, %max3A_37 : vector<16xf32>
        %mul3A_40 = arith.constant 16 : i32
        %mul3A_41 = arith.muli %add3A_24, %mul3A_40 : i32
        %swap3A = arith.index_cast %mul3A_41 : i32 to index
        %swap3A_42 = tpu.vector_load %arg12[%swap3A] {strides = array<i32>} : memref<400xf32, #tpu.memory_space<vmem>>, vector<16xf32>,
        tpu.vector_store %arg12[%swap3A], %div3A_39 {strides = array<i32>} : memref<400xf32, #tpu.memory_space<vmem>>, vector<16xf32>,
        %mul3A_43 = arith.constant 16 : i32
        %mul3A_44 = vector.broadcast %mul3A_43 : i32 to vector<16xi32>
        %mul3A_45 = arith.muli %get3A_35, %mul3A_44 : vector<16xi32>
        %add3A_46 = arith.addi %mul3A_45, %get3A_31 : vector<16xi32>
        %mul3A_47 = arith.constant 16 : i32
        %mul3A_48 = arith.muli %add3A_24, %mul3A_47 : i32
        %swap3A_49 = arith.index_cast %mul3A_48 : i32 to index
        %swap3A_50 = tpu.vector_load %arg13[%swap3A_49] {strides = array<i32>} : memref<400xi32, #tpu.memory_space<vmem>>, vector<16xi32>,
        tpu.vector_store %arg13[%swap3A_49], %add3A_46 {strides = array<i32>} : memref<400xi32, #tpu.memory_space<vmem>>, vector<16xi32>,
      }
      %scan3A_19 = arith.constant 25 : i32
      "tpu.region"() ({
        %run_scoped3A = tpu.sem_alloc : memref<!tpu.dma_semaphore, #tpu.memory_space<semaphore_mem>>
        %dma_start3A = tpu.memref_slice %arg6[%add3A_14] : memref<320000xf32, #tpu.memory_space<hbm>> -> memref<400xf32, #tpu.memory_space<hbm>>
        %dma_start3A_20 = tpu.memref_slice %arg6[%add3A_14] : memref<320000xf32, #tpu.memory_space<hbm>> -> memref<400xf32, #tpu.memory_space<hbm>>
        tpu.enqueue_dma source(%arg12 : memref<400xf32, #tpu.memory_space<vmem>>) target(%dma_start3A_20 : memref<400xf32, #tpu.memory_space<hbm>>) target_semaphore(%run_scoped3A : memref<!tpu.dma_semaphore, #tpu.memory_space<semaphore_mem>>)
        %dma_wait3A = tpu.memref_slice %arg6[%add3A_14] : memref<320000xf32, #tpu.memory_space<hbm>> -> memref<400xf32, #tpu.memory_space<hbm>>
        %dma_wait3A_21 = tpu.memref_slice %arg6[%add3A_14] : memref<320000xf32, #tpu.memory_space<hbm>> -> memref<400xf32, #tpu.memory_space<hbm>>
        tpu.wait_dma2 semaphore(%run_scoped3A : memref<!tpu.dma_semaphore, #tpu.memory_space<semaphore_mem>>) src(%arg12 : memref<400xf32, #tpu.memory_space<vmem>>) dst(%dma_wait3A_21 : memref<400xf32, #tpu.memory_space<hbm>>)
        tpu.yield
      }) : () -> ()
      "tpu.region"() ({
        %run_scoped3A = tpu.sem_alloc : memref<!tpu.dma_semaphore, #tpu.memory_space<semaphore_mem>>
        %dma_start3A = tpu.memref_slice %arg7[%add3A_14] : memref<320000xi32, #tpu.memory_space<hbm>> -> memref<400xi32, #tpu.memory_space<hbm>>
        %dma_start3A_20 = tpu.memref_slice %arg7[%add3A_14] : memref<320000xi32, #tpu.memory_space<hbm>> -> memref<400xi32, #tpu.memory_space<hbm>>
        tpu.enqueue_dma source(%arg13 : memref<400xi32, #tpu.memory_space<vmem>>) target(%dma_start3A_20 : memref<400xi32, #tpu.memory_space<hbm>>) target_semaphore(%run_scoped3A : memref<!tpu.dma_semaphore, #tpu.memory_space<semaphore_mem>>)
        %dma_wait3A = tpu.memref_slice %arg7[%add3A_14] : memref<320000xi32, #tpu.memory_space<hbm>> -> memref<400xi32, #tpu.memory_space<hbm>>
        %dma_wait3A_21 = tpu.memref_slice %arg7[%add3A_14] : memref<320000xi32, #tpu.memory_space<hbm>> -> memref<400xi32, #tpu.memory_space<hbm>>
        tpu.wait_dma2 semaphore(%run_scoped3A : memref<!tpu.dma_semaphore, #tpu.memory_space<semaphore_mem>>) src(%arg13 : memref<400xi32, #tpu.memory_space<vmem>>) dst(%dma_wait3A_21 : memref<400xi32, #tpu.memory_space<hbm>>)
        tpu.yield
      }) : () -> ()
    }
    %scan3A_4 = arith.constant 25 : i32
    return
  }
}

#map = affine_map<(d0, d1) -> (0, 0)>
#map1 = affine_map<(d0, d1) -> (0)>
module attributes {stable_mosaic.version = 14 : i64} {
  func.func @k(%arg0: i32, %arg1: i32, %arg2: memref<160000x128xf32, #tpu.memory_space<hbm>>, %arg3: memref<320000xi32, #tpu.memory_space<hbm>>, %arg4: memref<320000xf32, #tpu.memory_space<hbm>>, %arg5: memref<320000xi32, #tpu.memory_space<hbm>>, %arg6: memref<20000x128xf32, #tpu.memory_space<hbm>>, %arg7: memref<200xi32, #tpu.memory_space<vmem>>, %arg8: memref<200xf32, #tpu.memory_space<vmem>>, %arg9: memref<200xi32, #tpu.memory_space<vmem>>, %arg10: memref<200x128xf32, #tpu.memory_space<vmem>>, %arg11: memref<10000x128xf32, #tpu.memory_space<vmem_shared>>) attributes {dimension_semantics = [#tpu.dimension_semantics<core_parallel>, #tpu.dimension_semantics<subcore_parallel>], iteration_bounds = array<i64: 2, 16>, scalar_prefetch = 0 : i64, scratch_operands = 5 : i64, tpu.core_type = #tpu.core_type<sc_vector_subcore>, window_params = [{transform_indices = #map}, {transform_indices = #map1}, {transform_indices = #map1}, {transform_indices = #map1}, {transform_indices = #map}]} {
    %mul3A = arith.constant 2 : i32
    %mul3A_0 = arith.muli %arg1, %mul3A : i32
    %add3A = arith.addi %mul3A_0, %arg0 : i32
    %broadcast_in_dim3A = arith.constant 0.000000e+00 : f32
    %broadcast_in_dim3A_1 = vector.broadcast %broadcast_in_dim3A : f32 to vector<16xf32>
    %scan3A = arith.constant 0 : i32
    %scan3A_2 = arith.constant 200 : i32
    %scan3A_3 = arith.addi %scan3A, %scan3A_2 : i32
    %scan3A_4 = arith.constant 1 : i32
    scf.for %scan3A_44 = %scan3A to %scan3A_3 step %scan3A_4  : i32 {
      %mul3A_45 = arith.constant 1 : i32
      %mul3A_46 = arith.muli %scan3A_44, %mul3A_45 : i32
      %add3A_47 = arith.constant 0 : i32
      %add3A_48 = arith.addi %add3A_47, %mul3A_46 : i32
      %swap3A = arith.index_cast %add3A_48 : i32 to index
      %swap3A_49 = arith.constant 0 : index
      %swap3A_50 = tpu.vector_load %arg10[%swap3A, %swap3A_49] {strides = array<i32>} : memref<200x128xf32, #tpu.memory_space<vmem>>, vector<16xf32>,
      tpu.vector_store %arg10[%swap3A, %swap3A_49], %broadcast_in_dim3A_1 {strides = array<i32>} : memref<200x128xf32, #tpu.memory_space<vmem>>, vector<16xf32>,
      %swap3A_51 = arith.index_cast %add3A_48 : i32 to index
      %swap3A_52 = arith.constant 16 : index
      %swap3A_53 = tpu.vector_load %arg10[%swap3A_51, %swap3A_52] {strides = array<i32>} : memref<200x128xf32, #tpu.memory_space<vmem>>, vector<16xf32>,
      tpu.vector_store %arg10[%swap3A_51, %swap3A_52], %broadcast_in_dim3A_1 {strides = array<i32>} : memref<200x128xf32, #tpu.memory_space<vmem>>, vector<16xf32>,
      %swap3A_54 = arith.index_cast %add3A_48 : i32 to index
      %swap3A_55 = arith.constant 32 : index
      %swap3A_56 = tpu.vector_load %arg10[%swap3A_54, %swap3A_55] {strides = array<i32>} : memref<200x128xf32, #tpu.memory_space<vmem>>, vector<16xf32>,
      tpu.vector_store %arg10[%swap3A_54, %swap3A_55], %broadcast_in_dim3A_1 {strides = array<i32>} : memref<200x128xf32, #tpu.memory_space<vmem>>, vector<16xf32>,
      %swap3A_57 = arith.index_cast %add3A_48 : i32 to index
      %swap3A_58 = arith.constant 48 : index
      %swap3A_59 = tpu.vector_load %arg10[%swap3A_57, %swap3A_58] {strides = array<i32>} : memref<200x128xf32, #tpu.memory_space<vmem>>, vector<16xf32>,
      tpu.vector_store %arg10[%swap3A_57, %swap3A_58], %broadcast_in_dim3A_1 {strides = array<i32>} : memref<200x128xf32, #tpu.memory_space<vmem>>, vector<16xf32>,
      %swap3A_60 = arith.index_cast %add3A_48 : i32 to index
      %swap3A_61 = arith.constant 64 : index
      %swap3A_62 = tpu.vector_load %arg10[%swap3A_60, %swap3A_61] {strides = array<i32>} : memref<200x128xf32, #tpu.memory_space<vmem>>, vector<16xf32>,
      tpu.vector_store %arg10[%swap3A_60, %swap3A_61], %broadcast_in_dim3A_1 {strides = array<i32>} : memref<200x128xf32, #tpu.memory_space<vmem>>, vector<16xf32>,
      %swap3A_63 = arith.index_cast %add3A_48 : i32 to index
      %swap3A_64 = arith.constant 80 : index
      %swap3A_65 = tpu.vector_load %arg10[%swap3A_63, %swap3A_64] {strides = array<i32>} : memref<200x128xf32, #tpu.memory_space<vmem>>, vector<16xf32>,
      tpu.vector_store %arg10[%swap3A_63, %swap3A_64], %broadcast_in_dim3A_1 {strides = array<i32>} : memref<200x128xf32, #tpu.memory_space<vmem>>, vector<16xf32>,
      %swap3A_66 = arith.index_cast %add3A_48 : i32 to index
      %swap3A_67 = arith.constant 96 : index
      %swap3A_68 = tpu.vector_load %arg10[%swap3A_66, %swap3A_67] {strides = array<i32>} : memref<200x128xf32, #tpu.memory_space<vmem>>, vector<16xf32>,
      tpu.vector_store %arg10[%swap3A_66, %swap3A_67], %broadcast_in_dim3A_1 {strides = array<i32>} : memref<200x128xf32, #tpu.memory_space<vmem>>, vector<16xf32>,
      %swap3A_69 = arith.index_cast %add3A_48 : i32 to index
      %swap3A_70 = arith.constant 112 : index
      %swap3A_71 = tpu.vector_load %arg10[%swap3A_69, %swap3A_70] {strides = array<i32>} : memref<200x128xf32, #tpu.memory_space<vmem>>, vector<16xf32>,
      tpu.vector_store %arg10[%swap3A_69, %swap3A_70], %broadcast_in_dim3A_1 {strides = array<i32>} : memref<200x128xf32, #tpu.memory_space<vmem>>, vector<16xf32>,
    }
    %scan3A_5 = arith.constant 200 : i32
    %mul3A_6 = arith.constant 624 : i32
    %mul3A_7 = arith.muli %arg1, %mul3A_6 : i32
    %add3A_8 = arith.constant 0 : i32
    %add3A_9 = arith.addi %mul3A_7, %add3A_8 : i32
    "tpu.region"() ({
      %run_scoped3A = tpu.sem_alloc : memref<!tpu.dma_semaphore, #tpu.memory_space<semaphore_mem>>
      %dma_start3A = arith.constant 0 : i32
      %dma_start3A_44 = arith.constant 0 : i32
      %dma_start3A_45 = tpu.memref_slice %arg10[%dma_start3A, %dma_start3A_44] : memref<200x128xf32, #tpu.memory_space<vmem>> -> memref<200x128xf32, #tpu.memory_space<vmem>>
      %dma_start3A_46 = arith.constant 0 : i32
      %dma_start3A_47 = tpu.memref_slice %arg11[%add3A_9, %dma_start3A_46] : memref<10000x128xf32, #tpu.memory_space<vmem_shared>> -> memref<200x128xf32, #tpu.memory_space<vmem_shared>>
      %dma_start3A_48 = arith.constant 0 : i32
      %dma_start3A_49 = tpu.memref_slice %arg11[%add3A_9, %dma_start3A_48] : memref<10000x128xf32, #tpu.memory_space<vmem_shared>> -> memref<200x128xf32, #tpu.memory_space<vmem_shared>>
      %dma_start3A_50 = arith.constant 0 : i32
      %dma_start3A_51 = arith.constant 0 : i32
      %dma_start3A_52 = tpu.memref_slice %arg10[%dma_start3A_50, %dma_start3A_51] : memref<200x128xf32, #tpu.memory_space<vmem>> -> memref<200x128xf32, #tpu.memory_space<vmem>>
      tpu.enqueue_dma source(%dma_start3A_52 : memref<200x128xf32, #tpu.memory_space<vmem>>) target(%dma_start3A_49 : memref<200x128xf32, #tpu.memory_space<vmem_shared>>) target_semaphore(%run_scoped3A : memref<!tpu.dma_semaphore, #tpu.memory_space<semaphore_mem>>)
      %dma_wait3A = arith.constant 0 : i32
      %dma_wait3A_53 = arith.constant 0 : i32
      %dma_wait3A_54 = tpu.memref_slice %arg10[%dma_wait3A, %dma_wait3A_53] : memref<200x128xf32, #tpu.memory_space<vmem>> -> memref<200x128xf32, #tpu.memory_space<vmem>>
      %dma_wait3A_55 = arith.constant 0 : i32
      %dma_wait3A_56 = tpu.memref_slice %arg11[%add3A_9, %dma_wait3A_55] : memref<10000x128xf32, #tpu.memory_space<vmem_shared>> -> memref<200x128xf32, #tpu.memory_space<vmem_shared>>
      %dma_wait3A_57 = arith.constant 0 : i32
      %dma_wait3A_58 = tpu.memref_slice %arg11[%add3A_9, %dma_wait3A_57] : memref<10000x128xf32, #tpu.memory_space<vmem_shared>> -> memref<200x128xf32, #tpu.memory_space<vmem_shared>>
      %dma_wait3A_59 = arith.constant 0 : i32
      %dma_wait3A_60 = arith.constant 0 : i32
      %dma_wait3A_61 = tpu.memref_slice %arg10[%dma_wait3A_59, %dma_wait3A_60] : memref<200x128xf32, #tpu.memory_space<vmem>> -> memref<200x128xf32, #tpu.memory_space<vmem>>
      tpu.wait_dma2 semaphore(%run_scoped3A : memref<!tpu.dma_semaphore, #tpu.memory_space<semaphore_mem>>) src(%dma_wait3A_61 : memref<200x128xf32, #tpu.memory_space<vmem>>) dst(%dma_wait3A_58 : memref<200x128xf32, #tpu.memory_space<vmem_shared>>)
      tpu.yield
    }) : () -> ()
    %add3A_10 = arith.constant 200 : i32
    %add3A_11 = arith.addi %mul3A_7, %add3A_10 : i32
    "tpu.region"() ({
      %run_scoped3A = tpu.sem_alloc : memref<!tpu.dma_semaphore, #tpu.memory_space<semaphore_mem>>
      %dma_start3A = arith.constant 0 : i32
      %dma_start3A_44 = arith.constant 0 : i32
      %dma_start3A_45 = tpu.memref_slice %arg10[%dma_start3A, %dma_start3A_44] : memref<200x128xf32, #tpu.memory_space<vmem>> -> memref<200x128xf32, #tpu.memory_space<vmem>>
      %dma_start3A_46 = arith.constant 0 : i32
      %dma_start3A_47 = tpu.memref_slice %arg11[%add3A_11, %dma_start3A_46] : memref<10000x128xf32, #tpu.memory_space<vmem_shared>> -> memref<200x128xf32, #tpu.memory_space<vmem_shared>>
      %dma_start3A_48 = arith.constant 0 : i32
      %dma_start3A_49 = tpu.memref_slice %arg11[%add3A_11, %dma_start3A_48] : memref<10000x128xf32, #tpu.memory_space<vmem_shared>> -> memref<200x128xf32, #tpu.memory_space<vmem_shared>>
      %dma_start3A_50 = arith.constant 0 : i32
      %dma_start3A_51 = arith.constant 0 : i32
      %dma_start3A_52 = tpu.memref_slice %arg10[%dma_start3A_50, %dma_start3A_51] : memref<200x128xf32, #tpu.memory_space<vmem>> -> memref<200x128xf32, #tpu.memory_space<vmem>>
      tpu.enqueue_dma source(%dma_start3A_52 : memref<200x128xf32, #tpu.memory_space<vmem>>) target(%dma_start3A_49 : memref<200x128xf32, #tpu.memory_space<vmem_shared>>) target_semaphore(%run_scoped3A : memref<!tpu.dma_semaphore, #tpu.memory_space<semaphore_mem>>)
      %dma_wait3A = arith.constant 0 : i32
      %dma_wait3A_53 = arith.constant 0 : i32
      %dma_wait3A_54 = tpu.memref_slice %arg10[%dma_wait3A, %dma_wait3A_53] : memref<200x128xf32, #tpu.memory_space<vmem>> -> memref<200x128xf32, #tpu.memory_space<vmem>>
      %dma_wait3A_55 = arith.constant 0 : i32
      %dma_wait3A_56 = tpu.memref_slice %arg11[%add3A_11, %dma_wait3A_55] : memref<10000x128xf32, #tpu.memory_space<vmem_shared>> -> memref<200x128xf32, #tpu.memory_space<vmem_shared>>
      %dma_wait3A_57 = arith.constant 0 : i32
      %dma_wait3A_58 = tpu.memref_slice %arg11[%add3A_11, %dma_wait3A_57] : memref<10000x128xf32, #tpu.memory_space<vmem_shared>> -> memref<200x128xf32, #tpu.memory_space<vmem_shared>>
      %dma_wait3A_59 = arith.constant 0 : i32
      %dma_wait3A_60 = arith.constant 0 : i32
      %dma_wait3A_61 = tpu.memref_slice %arg10[%dma_wait3A_59, %dma_wait3A_60] : memref<200x128xf32, #tpu.memory_space<vmem>> -> memref<200x128xf32, #tpu.memory_space<vmem>>
      tpu.wait_dma2 semaphore(%run_scoped3A : memref<!tpu.dma_semaphore, #tpu.memory_space<semaphore_mem>>) src(%dma_wait3A_61 : memref<200x128xf32, #tpu.memory_space<vmem>>) dst(%dma_wait3A_58 : memref<200x128xf32, #tpu.memory_space<vmem_shared>>)
      tpu.yield
    }) : () -> ()
    %add3A_12 = arith.constant 400 : i32
    %add3A_13 = arith.addi %mul3A_7, %add3A_12 : i32
    "tpu.region"() ({
      %run_scoped3A = tpu.sem_alloc : memref<!tpu.dma_semaphore, #tpu.memory_space<semaphore_mem>>
      %dma_start3A = arith.constant 0 : i32
      %dma_start3A_44 = arith.constant 0 : i32
      %dma_start3A_45 = tpu.memref_slice %arg10[%dma_start3A, %dma_start3A_44] : memref<200x128xf32, #tpu.memory_space<vmem>> -> memref<200x128xf32, #tpu.memory_space<vmem>>
      %dma_start3A_46 = arith.constant 0 : i32
      %dma_start3A_47 = tpu.memref_slice %arg11[%add3A_13, %dma_start3A_46] : memref<10000x128xf32, #tpu.memory_space<vmem_shared>> -> memref<200x128xf32, #tpu.memory_space<vmem_shared>>
      %dma_start3A_48 = arith.constant 0 : i32
      %dma_start3A_49 = tpu.memref_slice %arg11[%add3A_13, %dma_start3A_48] : memref<10000x128xf32, #tpu.memory_space<vmem_shared>> -> memref<200x128xf32, #tpu.memory_space<vmem_shared>>
      %dma_start3A_50 = arith.constant 0 : i32
      %dma_start3A_51 = arith.constant 0 : i32
      %dma_start3A_52 = tpu.memref_slice %arg10[%dma_start3A_50, %dma_start3A_51] : memref<200x128xf32, #tpu.memory_space<vmem>> -> memref<200x128xf32, #tpu.memory_space<vmem>>
      tpu.enqueue_dma source(%dma_start3A_52 : memref<200x128xf32, #tpu.memory_space<vmem>>) target(%dma_start3A_49 : memref<200x128xf32, #tpu.memory_space<vmem_shared>>) target_semaphore(%run_scoped3A : memref<!tpu.dma_semaphore, #tpu.memory_space<semaphore_mem>>)
      %dma_wait3A = arith.constant 0 : i32
      %dma_wait3A_53 = arith.constant 0 : i32
      %dma_wait3A_54 = tpu.memref_slice %arg10[%dma_wait3A, %dma_wait3A_53] : memref<200x128xf32, #tpu.memory_space<vmem>> -> memref<200x128xf32, #tpu.memory_space<vmem>>
      %dma_wait3A_55 = arith.constant 0 : i32
      %dma_wait3A_56 = tpu.memref_slice %arg11[%add3A_13, %dma_wait3A_55] : memref<10000x128xf32, #tpu.memory_space<vmem_shared>> -> memref<200x128xf32, #tpu.memory_space<vmem_shared>>
      %dma_wait3A_57 = arith.constant 0 : i32
      %dma_wait3A_58 = tpu.memref_slice %arg11[%add3A_13, %dma_wait3A_57] : memref<10000x128xf32, #tpu.memory_space<vmem_shared>> -> memref<200x128xf32, #tpu.memory_space<vmem_shared>>
      %dma_wait3A_59 = arith.constant 0 : i32
      %dma_wait3A_60 = arith.constant 0 : i32
      %dma_wait3A_61 = tpu.memref_slice %arg10[%dma_wait3A_59, %dma_wait3A_60] : memref<200x128xf32, #tpu.memory_space<vmem>> -> memref<200x128xf32, #tpu.memory_space<vmem>>
      tpu.wait_dma2 semaphore(%run_scoped3A : memref<!tpu.dma_semaphore, #tpu.memory_space<semaphore_mem>>) src(%dma_wait3A_61 : memref<200x128xf32, #tpu.memory_space<vmem>>) dst(%dma_wait3A_58 : memref<200x128xf32, #tpu.memory_space<vmem_shared>>)
      tpu.yield
    }) : () -> ()
    %add3A_14 = arith.constant 600 : i32
    %add3A_15 = arith.addi %mul3A_7, %add3A_14 : i32
    "tpu.region"() ({
      %run_scoped3A = tpu.sem_alloc : memref<!tpu.dma_semaphore, #tpu.memory_space<semaphore_mem>>
      %dma_start3A = arith.constant 0 : i32
      %dma_start3A_44 = arith.constant 0 : i32
      %dma_start3A_45 = tpu.memref_slice %arg10[%dma_start3A, %dma_start3A_44] : memref<200x128xf32, #tpu.memory_space<vmem>> -> memref<24x128xf32, #tpu.memory_space<vmem>>
      %dma_start3A_46 = arith.constant 0 : i32
      %dma_start3A_47 = tpu.memref_slice %arg11[%add3A_15, %dma_start3A_46] : memref<10000x128xf32, #tpu.memory_space<vmem_shared>> -> memref<24x128xf32, #tpu.memory_space<vmem_shared>>
      %dma_start3A_48 = arith.constant 0 : i32
      %dma_start3A_49 = tpu.memref_slice %arg11[%add3A_15, %dma_start3A_48] : memref<10000x128xf32, #tpu.memory_space<vmem_shared>> -> memref<24x128xf32, #tpu.memory_space<vmem_shared>>
      %dma_start3A_50 = arith.constant 0 : i32
      %dma_start3A_51 = arith.constant 0 : i32
      %dma_start3A_52 = tpu.memref_slice %arg10[%dma_start3A_50, %dma_start3A_51] : memref<200x128xf32, #tpu.memory_space<vmem>> -> memref<24x128xf32, #tpu.memory_space<vmem>>
      tpu.enqueue_dma source(%dma_start3A_52 : memref<24x128xf32, #tpu.memory_space<vmem>>) target(%dma_start3A_49 : memref<24x128xf32, #tpu.memory_space<vmem_shared>>) target_semaphore(%run_scoped3A : memref<!tpu.dma_semaphore, #tpu.memory_space<semaphore_mem>>)
      %dma_wait3A = arith.constant 0 : i32
      %dma_wait3A_53 = arith.constant 0 : i32
      %dma_wait3A_54 = tpu.memref_slice %arg10[%dma_wait3A, %dma_wait3A_53] : memref<200x128xf32, #tpu.memory_space<vmem>> -> memref<24x128xf32, #tpu.memory_space<vmem>>
      %dma_wait3A_55 = arith.constant 0 : i32
      %dma_wait3A_56 = tpu.memref_slice %arg11[%add3A_15, %dma_wait3A_55] : memref<10000x128xf32, #tpu.memory_space<vmem_shared>> -> memref<24x128xf32, #tpu.memory_space<vmem_shared>>
      %dma_wait3A_57 = arith.constant 0 : i32
      %dma_wait3A_58 = tpu.memref_slice %arg11[%add3A_15, %dma_wait3A_57] : memref<10000x128xf32, #tpu.memory_space<vmem_shared>> -> memref<24x128xf32, #tpu.memory_space<vmem_shared>>
      %dma_wait3A_59 = arith.constant 0 : i32
      %dma_wait3A_60 = arith.constant 0 : i32
      %dma_wait3A_61 = tpu.memref_slice %arg10[%dma_wait3A_59, %dma_wait3A_60] : memref<200x128xf32, #tpu.memory_space<vmem>> -> memref<24x128xf32, #tpu.memory_space<vmem>>
      tpu.wait_dma2 semaphore(%run_scoped3A : memref<!tpu.dma_semaphore, #tpu.memory_space<semaphore_mem>>) src(%dma_wait3A_61 : memref<24x128xf32, #tpu.memory_space<vmem>>) dst(%dma_wait3A_58 : memref<24x128xf32, #tpu.memory_space<vmem_shared>>)
      tpu.yield
    }) : () -> ()
    %eq3A = arith.constant 15 : i32
    %eq3A_16 = arith.cmpi eq, %arg1, %eq3A : i32
    %convert_element_type3A = arith.extui %eq3A_16 : i1 to i32
    %cond3A = arith.constant 0 : i32
    %cond3A_17 = arith.cmpi ne, %convert_element_type3A, %cond3A : i32
    scf.if %cond3A_17 {
      "tpu.region"() ({
        %run_scoped3A = tpu.sem_alloc : memref<!tpu.dma_semaphore, #tpu.memory_space<semaphore_mem>>
        %dma_start3A = arith.constant 0 : i32
        %dma_start3A_44 = arith.constant 0 : i32
        %dma_start3A_45 = tpu.memref_slice %arg10[%dma_start3A, %dma_start3A_44] : memref<200x128xf32, #tpu.memory_space<vmem>> -> memref<16x128xf32, #tpu.memory_space<vmem>>
        %dma_start3A_46 = arith.constant 9984 : i32
        %dma_start3A_47 = arith.constant 0 : i32
        %dma_start3A_48 = tpu.memref_slice %arg11[%dma_start3A_46, %dma_start3A_47] : memref<10000x128xf32, #tpu.memory_space<vmem_shared>> -> memref<16x128xf32, #tpu.memory_space<vmem_shared>>
        %dma_start3A_49 = arith.constant 9984 : i32
        %dma_start3A_50 = arith.constant 0 : i32
        %dma_start3A_51 = tpu.memref_slice %arg11[%dma_start3A_49, %dma_start3A_50] : memref<10000x128xf32, #tpu.memory_space<vmem_shared>> -> memref<16x128xf32, #tpu.memory_space<vmem_shared>>
        %dma_start3A_52 = arith.constant 0 : i32
        %dma_start3A_53 = arith.constant 0 : i32
        %dma_start3A_54 = tpu.memref_slice %arg10[%dma_start3A_52, %dma_start3A_53] : memref<200x128xf32, #tpu.memory_space<vmem>> -> memref<16x128xf32, #tpu.memory_space<vmem>>
        tpu.enqueue_dma source(%dma_start3A_54 : memref<16x128xf32, #tpu.memory_space<vmem>>) target(%dma_start3A_51 : memref<16x128xf32, #tpu.memory_space<vmem_shared>>) target_semaphore(%run_scoped3A : memref<!tpu.dma_semaphore, #tpu.memory_space<semaphore_mem>>)
        %dma_wait3A = arith.constant 0 : i32
        %dma_wait3A_55 = arith.constant 0 : i32
        %dma_wait3A_56 = tpu.memref_slice %arg10[%dma_wait3A, %dma_wait3A_55] : memref<200x128xf32, #tpu.memory_space<vmem>> -> memref<16x128xf32, #tpu.memory_space<vmem>>
        %dma_wait3A_57 = arith.constant 9984 : i32
        %dma_wait3A_58 = arith.constant 0 : i32
        %dma_wait3A_59 = tpu.memref_slice %arg11[%dma_wait3A_57, %dma_wait3A_58] : memref<10000x128xf32, #tpu.memory_space<vmem_shared>> -> memref<16x128xf32, #tpu.memory_space<vmem_shared>>
        %dma_wait3A_60 = arith.constant 9984 : i32
        %dma_wait3A_61 = arith.constant 0 : i32
        %dma_wait3A_62 = tpu.memref_slice %arg11[%dma_wait3A_60, %dma_wait3A_61] : memref<10000x128xf32, #tpu.memory_space<vmem_shared>> -> memref<16x128xf32, #tpu.memory_space<vmem_shared>>
        %dma_wait3A_63 = arith.constant 0 : i32
        %dma_wait3A_64 = arith.constant 0 : i32
        %dma_wait3A_65 = tpu.memref_slice %arg10[%dma_wait3A_63, %dma_wait3A_64] : memref<200x128xf32, #tpu.memory_space<vmem>> -> memref<16x128xf32, #tpu.memory_space<vmem>>
        tpu.wait_dma2 semaphore(%run_scoped3A : memref<!tpu.dma_semaphore, #tpu.memory_space<semaphore_mem>>) src(%dma_wait3A_65 : memref<16x128xf32, #tpu.memory_space<vmem>>) dst(%dma_wait3A_62 : memref<16x128xf32, #tpu.memory_space<vmem_shared>>)
        tpu.yield
      }) : () -> ()
    } else {
    }
    %barrier3A = arith.constant 0 : index
    tpu.barrier barrier_id(%barrier3A)
    %scan3A_18 = arith.constant 0 : i32
    %scan3A_19 = arith.constant 50 : i32
    %scan3A_20 = arith.addi %scan3A_18, %scan3A_19 : i32
    %scan3A_21 = arith.constant 1 : i32
    scf.for %scan3A_44 = %scan3A_18 to %scan3A_20 step %scan3A_21  : i32 {
      %mul3A_45 = arith.constant 1 : i32
      %mul3A_46 = arith.muli %scan3A_44, %mul3A_45 : i32
      %add3A_47 = arith.constant 0 : i32
      %add3A_48 = arith.addi %add3A_47, %mul3A_46 : i32
      %mul3A_49 = arith.constant 10000 : i32
      %mul3A_50 = arith.muli %add3A, %mul3A_49 : i32
      %mul3A_51 = arith.constant 200 : i32
      %mul3A_52 = arith.muli %add3A_48, %mul3A_51 : i32
      %add3A_53 = arith.addi %mul3A_50, %mul3A_52 : i32
      "tpu.region"() ({
        %run_scoped3A = tpu.sem_alloc : memref<!tpu.dma_semaphore, #tpu.memory_space<semaphore_mem>>
        %dma_start3A = tpu.memref_slice %arg3[%add3A_53] : memref<320000xi32, #tpu.memory_space<hbm>> -> memref<200xi32, #tpu.memory_space<hbm>>
        %dma_start3A_59 = tpu.memref_slice %arg3[%add3A_53] : memref<320000xi32, #tpu.memory_space<hbm>> -> memref<200xi32, #tpu.memory_space<hbm>>
        tpu.enqueue_dma source(%dma_start3A_59 : memref<200xi32, #tpu.memory_space<hbm>>) target(%arg7 : memref<200xi32, #tpu.memory_space<vmem>>) target_semaphore(%run_scoped3A : memref<!tpu.dma_semaphore, #tpu.memory_space<semaphore_mem>>)
        %dma_wait3A = tpu.memref_slice %arg3[%add3A_53] : memref<320000xi32, #tpu.memory_space<hbm>> -> memref<200xi32, #tpu.memory_space<hbm>>
        %dma_wait3A_60 = tpu.memref_slice %arg3[%add3A_53] : memref<320000xi32, #tpu.memory_space<hbm>> -> memref<200xi32, #tpu.memory_space<hbm>>
        tpu.wait_dma2 semaphore(%run_scoped3A : memref<!tpu.dma_semaphore, #tpu.memory_space<semaphore_mem>>) src(%dma_wait3A_60 : memref<200xi32, #tpu.memory_space<hbm>>) dst(%arg7 : memref<200xi32, #tpu.memory_space<vmem>>)
        tpu.yield
      }) : () -> ()
      "tpu.region"() ({
        %run_scoped3A = tpu.sem_alloc : memref<!tpu.dma_semaphore, #tpu.memory_space<semaphore_mem>>
        %dma_start3A = tpu.memref_slice %arg4[%add3A_53] : memref<320000xf32, #tpu.memory_space<hbm>> -> memref<200xf32, #tpu.memory_space<hbm>>
        %dma_start3A_59 = tpu.memref_slice %arg4[%add3A_53] : memref<320000xf32, #tpu.memory_space<hbm>> -> memref<200xf32, #tpu.memory_space<hbm>>
        tpu.enqueue_dma source(%dma_start3A_59 : memref<200xf32, #tpu.memory_space<hbm>>) target(%arg8 : memref<200xf32, #tpu.memory_space<vmem>>) target_semaphore(%run_scoped3A : memref<!tpu.dma_semaphore, #tpu.memory_space<semaphore_mem>>)
        %dma_wait3A = tpu.memref_slice %arg4[%add3A_53] : memref<320000xf32, #tpu.memory_space<hbm>> -> memref<200xf32, #tpu.memory_space<hbm>>
        %dma_wait3A_60 = tpu.memref_slice %arg4[%add3A_53] : memref<320000xf32, #tpu.memory_space<hbm>> -> memref<200xf32, #tpu.memory_space<hbm>>
        tpu.wait_dma2 semaphore(%run_scoped3A : memref<!tpu.dma_semaphore, #tpu.memory_space<semaphore_mem>>) src(%dma_wait3A_60 : memref<200xf32, #tpu.memory_space<hbm>>) dst(%arg8 : memref<200xf32, #tpu.memory_space<vmem>>)
        tpu.yield
      }) : () -> ()
      "tpu.region"() ({
        %run_scoped3A = tpu.sem_alloc : memref<!tpu.dma_semaphore, #tpu.memory_space<semaphore_mem>>
        %dma_start3A = tpu.memref_slice %arg5[%add3A_53] : memref<320000xi32, #tpu.memory_space<hbm>> -> memref<200xi32, #tpu.memory_space<hbm>>
        %dma_start3A_59 = tpu.memref_slice %arg5[%add3A_53] : memref<320000xi32, #tpu.memory_space<hbm>> -> memref<200xi32, #tpu.memory_space<hbm>>
        tpu.enqueue_dma source(%dma_start3A_59 : memref<200xi32, #tpu.memory_space<hbm>>) target(%arg9 : memref<200xi32, #tpu.memory_space<vmem>>) target_semaphore(%run_scoped3A : memref<!tpu.dma_semaphore, #tpu.memory_space<semaphore_mem>>)
        %dma_wait3A = tpu.memref_slice %arg5[%add3A_53] : memref<320000xi32, #tpu.memory_space<hbm>> -> memref<200xi32, #tpu.memory_space<hbm>>
        %dma_wait3A_60 = tpu.memref_slice %arg5[%add3A_53] : memref<320000xi32, #tpu.memory_space<hbm>> -> memref<200xi32, #tpu.memory_space<hbm>>
        tpu.wait_dma2 semaphore(%run_scoped3A : memref<!tpu.dma_semaphore, #tpu.memory_space<semaphore_mem>>) src(%dma_wait3A_60 : memref<200xi32, #tpu.memory_space<hbm>>) dst(%arg9 : memref<200xi32, #tpu.memory_space<vmem>>)
        tpu.yield
      }) : () -> ()
      "tpu.region"() ({
        %run_scoped3A = tpu.sem_alloc : memref<!tpu.dma_semaphore, #tpu.memory_space<semaphore_mem>>
        %dma_start3A = arith.constant 0 : i32
        %dma_start3A_59 = arith.constant 0 : i32
        %dma_start3A_60 = tpu.memref_slice %arg2[%dma_start3A, %dma_start3A_59] : memref<160000x128xf32, #tpu.memory_space<hbm>> -> memref<160000x128xf32, #tpu.memory_space<hbm>>
        tpu.enqueue_indirect_dma source(%dma_start3A_60 : memref<160000x128xf32, #tpu.memory_space<hbm>>) target(%arg10 : memref<200x128xf32, #tpu.memory_space<vmem>>) offsets(%arg7 : memref<200xi32, #tpu.memory_space<vmem>>) semaphore(%run_scoped3A : memref<!tpu.dma_semaphore, #tpu.memory_space<semaphore_mem>>)
        %dma_wait3A = arith.constant 0 : i32
        %dma_wait3A_61 = arith.constant 0 : i32
        %dma_wait3A_62 = tpu.memref_slice %arg2[%dma_wait3A, %dma_wait3A_61] : memref<160000x128xf32, #tpu.memory_space<hbm>> -> memref<160000x128xf32, #tpu.memory_space<hbm>>
        tpu.wait_indirect_dma semaphore(%run_scoped3A : memref<!tpu.dma_semaphore, #tpu.memory_space<semaphore_mem>>) src(%dma_wait3A_62 : memref<160000x128xf32, #tpu.memory_space<hbm>>) dst(%arg10 : memref<200x128xf32, #tpu.memory_space<vmem>>)
        tpu.yield
      }) : () -> ()
      %scan3A_54 = arith.constant 0 : i32
      %scan3A_55 = arith.constant 200 : i32
      %scan3A_56 = arith.addi %scan3A_54, %scan3A_55 : i32
      %scan3A_57 = arith.constant 1 : i32
      scf.for %scan3A_59 = %scan3A_54 to %scan3A_56 step %scan3A_57  : i32 {
        %mul3A_60 = arith.constant 1 : i32
        %mul3A_61 = arith.muli %scan3A_59, %mul3A_60 : i32
        %add3A_62 = arith.constant 0 : i32
        %add3A_63 = arith.addi %add3A_62, %mul3A_61 : i32
        %broadcast_in_dim3A_64 = vector.broadcast %add3A_63 : i32 to vector<16xi32>
        %gather3A = tpu.vector_load_idx %arg8[%broadcast_in_dim3A_64] : memref<200xf32, #tpu.memory_space<vmem>>[vector<16xi32>], vector<16xf32>,
        %get3A = arith.index_cast %add3A_63 : i32 to index
        %get3A_65 = arith.constant 0 : index
        %get3A_66 = tpu.vector_load %arg10[%get3A, %get3A_65] {strides = array<i32>} : memref<200x128xf32, #tpu.memory_space<vmem>>, vector<16xf32>,
        %mul3A_67 = arith.mulf %get3A_66, %gather3A : vector<16xf32>
        %swap3A = arith.index_cast %add3A_63 : i32 to index
        %swap3A_68 = arith.constant 0 : index
        %swap3A_69 = tpu.vector_load %arg10[%swap3A, %swap3A_68] {strides = array<i32>} : memref<200x128xf32, #tpu.memory_space<vmem>>, vector<16xf32>,
        tpu.vector_store %arg10[%swap3A, %swap3A_68], %mul3A_67 {strides = array<i32>} : memref<200x128xf32, #tpu.memory_space<vmem>>, vector<16xf32>,
        %get3A_70 = arith.index_cast %add3A_63 : i32 to index
        %get3A_71 = arith.constant 16 : index
        %get3A_72 = tpu.vector_load %arg10[%get3A_70, %get3A_71] {strides = array<i32>} : memref<200x128xf32, #tpu.memory_space<vmem>>, vector<16xf32>,
        %mul3A_73 = arith.mulf %get3A_72, %gather3A : vector<16xf32>
        %swap3A_74 = arith.index_cast %add3A_63 : i32 to index
        %swap3A_75 = arith.constant 16 : index
        %swap3A_76 = tpu.vector_load %arg10[%swap3A_74, %swap3A_75] {strides = array<i32>} : memref<200x128xf32, #tpu.memory_space<vmem>>, vector<16xf32>,
        tpu.vector_store %arg10[%swap3A_74, %swap3A_75], %mul3A_73 {strides = array<i32>} : memref<200x128xf32, #tpu.memory_space<vmem>>, vector<16xf32>,
        %get3A_77 = arith.index_cast %add3A_63 : i32 to index
        %get3A_78 = arith.constant 32 : index
        %get3A_79 = tpu.vector_load %arg10[%get3A_77, %get3A_78] {strides = array<i32>} : memref<200x128xf32, #tpu.memory_space<vmem>>, vector<16xf32>,
        %mul3A_80 = arith.mulf %get3A_79, %gather3A : vector<16xf32>
        %swap3A_81 = arith.index_cast %add3A_63 : i32 to index
        %swap3A_82 = arith.constant 32 : index
        %swap3A_83 = tpu.vector_load %arg10[%swap3A_81, %swap3A_82] {strides = array<i32>} : memref<200x128xf32, #tpu.memory_space<vmem>>, vector<16xf32>,
        tpu.vector_store %arg10[%swap3A_81, %swap3A_82], %mul3A_80 {strides = array<i32>} : memref<200x128xf32, #tpu.memory_space<vmem>>, vector<16xf32>,
        %get3A_84 = arith.index_cast %add3A_63 : i32 to index
        %get3A_85 = arith.constant 48 : index
        %get3A_86 = tpu.vector_load %arg10[%get3A_84, %get3A_85] {strides = array<i32>} : memref<200x128xf32, #tpu.memory_space<vmem>>, vector<16xf32>,
        %mul3A_87 = arith.mulf %get3A_86, %gather3A : vector<16xf32>
        %swap3A_88 = arith.index_cast %add3A_63 : i32 to index
        %swap3A_89 = arith.constant 48 : index
        %swap3A_90 = tpu.vector_load %arg10[%swap3A_88, %swap3A_89] {strides = array<i32>} : memref<200x128xf32, #tpu.memory_space<vmem>>, vector<16xf32>,
        tpu.vector_store %arg10[%swap3A_88, %swap3A_89], %mul3A_87 {strides = array<i32>} : memref<200x128xf32, #tpu.memory_space<vmem>>, vector<16xf32>,
        %get3A_91 = arith.index_cast %add3A_63 : i32 to index
        %get3A_92 = arith.constant 64 : index
        %get3A_93 = tpu.vector_load %arg10[%get3A_91, %get3A_92] {strides = array<i32>} : memref<200x128xf32, #tpu.memory_space<vmem>>, vector<16xf32>,
        %mul3A_94 = arith.mulf %get3A_93, %gather3A : vector<16xf32>
        %swap3A_95 = arith.index_cast %add3A_63 : i32 to index
        %swap3A_96 = arith.constant 64 : index
        %swap3A_97 = tpu.vector_load %arg10[%swap3A_95, %swap3A_96] {strides = array<i32>} : memref<200x128xf32, #tpu.memory_space<vmem>>, vector<16xf32>,
        tpu.vector_store %arg10[%swap3A_95, %swap3A_96], %mul3A_94 {strides = array<i32>} : memref<200x128xf32, #tpu.memory_space<vmem>>, vector<16xf32>,
        %get3A_98 = arith.index_cast %add3A_63 : i32 to index
        %get3A_99 = arith.constant 80 : index
        %get3A_100 = tpu.vector_load %arg10[%get3A_98, %get3A_99] {strides = array<i32>} : memref<200x128xf32, #tpu.memory_space<vmem>>, vector<16xf32>,
        %mul3A_101 = arith.mulf %get3A_100, %gather3A : vector<16xf32>
        %swap3A_102 = arith.index_cast %add3A_63 : i32 to index
        %swap3A_103 = arith.constant 80 : index
        %swap3A_104 = tpu.vector_load %arg10[%swap3A_102, %swap3A_103] {strides = array<i32>} : memref<200x128xf32, #tpu.memory_space<vmem>>, vector<16xf32>,
        tpu.vector_store %arg10[%swap3A_102, %swap3A_103], %mul3A_101 {strides = array<i32>} : memref<200x128xf32, #tpu.memory_space<vmem>>, vector<16xf32>,
        %get3A_105 = arith.index_cast %add3A_63 : i32 to index
        %get3A_106 = arith.constant 96 : index
        %get3A_107 = tpu.vector_load %arg10[%get3A_105, %get3A_106] {strides = array<i32>} : memref<200x128xf32, #tpu.memory_space<vmem>>, vector<16xf32>,
        %mul3A_108 = arith.mulf %get3A_107, %gather3A : vector<16xf32>
        %swap3A_109 = arith.index_cast %add3A_63 : i32 to index
        %swap3A_110 = arith.constant 96 : index
        %swap3A_111 = tpu.vector_load %arg10[%swap3A_109, %swap3A_110] {strides = array<i32>} : memref<200x128xf32, #tpu.memory_space<vmem>>, vector<16xf32>,
        tpu.vector_store %arg10[%swap3A_109, %swap3A_110], %mul3A_108 {strides = array<i32>} : memref<200x128xf32, #tpu.memory_space<vmem>>, vector<16xf32>,
        %get3A_112 = arith.index_cast %add3A_63 : i32 to index
        %get3A_113 = arith.constant 112 : index
        %get3A_114 = tpu.vector_load %arg10[%get3A_112, %get3A_113] {strides = array<i32>} : memref<200x128xf32, #tpu.memory_space<vmem>>, vector<16xf32>,
        %mul3A_115 = arith.mulf %get3A_114, %gather3A : vector<16xf32>
        %swap3A_116 = arith.index_cast %add3A_63 : i32 to index
        %swap3A_117 = arith.constant 112 : index
        %swap3A_118 = tpu.vector_load %arg10[%swap3A_116, %swap3A_117] {strides = array<i32>} : memref<200x128xf32, #tpu.memory_space<vmem>>, vector<16xf32>,
        tpu.vector_store %arg10[%swap3A_116, %swap3A_117], %mul3A_115 {strides = array<i32>} : memref<200x128xf32, #tpu.memory_space<vmem>>, vector<16xf32>,
      }
      %scan3A_58 = arith.constant 200 : i32
      "tpu.region"() ({
        %run_scoped3A = tpu.sem_alloc : memref<!tpu.dma_semaphore, #tpu.memory_space<semaphore_mem>>
        %dma_start3A = arith.constant 0 : i32
        %dma_start3A_59 = arith.constant 0 : i32
        %dma_start3A_60 = tpu.memref_slice %arg11[%dma_start3A, %dma_start3A_59] : memref<10000x128xf32, #tpu.memory_space<vmem_shared>> -> memref<10000x128xf32, #tpu.memory_space<vmem_shared>>
        tpu.enqueue_indirect_dma source(%arg10 : memref<200x128xf32, #tpu.memory_space<vmem>>) target(%dma_start3A_60 : memref<10000x128xf32, #tpu.memory_space<vmem_shared>>) offsets(%arg9 : memref<200xi32, #tpu.memory_space<vmem>>) semaphore(%run_scoped3A : memref<!tpu.dma_semaphore, #tpu.memory_space<semaphore_mem>>) {add = true}
        %dma_wait3A = arith.constant 0 : i32
        %dma_wait3A_61 = arith.constant 0 : i32
        %dma_wait3A_62 = tpu.memref_slice %arg11[%dma_wait3A, %dma_wait3A_61] : memref<10000x128xf32, #tpu.memory_space<vmem_shared>> -> memref<10000x128xf32, #tpu.memory_space<vmem_shared>>
        tpu.wait_indirect_dma semaphore(%run_scoped3A : memref<!tpu.dma_semaphore, #tpu.memory_space<semaphore_mem>>) src(%arg10 : memref<200x128xf32, #tpu.memory_space<vmem>>) dst(%dma_wait3A_62 : memref<10000x128xf32, #tpu.memory_space<vmem_shared>>)
        tpu.yield
      }) : () -> ()
    }
    %scan3A_22 = arith.constant 50 : i32
    %barrier3A_23 = arith.constant 0 : index
    tpu.barrier barrier_id(%barrier3A_23)
    %mul3A_24 = arith.constant 624 : i32
    %mul3A_25 = arith.muli %arg1, %mul3A_24 : i32
    %mul3A_26 = arith.constant 10000 : i32
    %mul3A_27 = arith.muli %arg0, %mul3A_26 : i32
    %mul3A_28 = arith.constant 624 : i32
    %mul3A_29 = arith.muli %arg1, %mul3A_28 : i32
    %add3A_30 = arith.addi %mul3A_27, %mul3A_29 : i32
    %add3A_31 = arith.constant 0 : i32
    %add3A_32 = arith.addi %mul3A_25, %add3A_31 : i32
    %add3A_33 = arith.constant 0 : i32
    %add3A_34 = arith.addi %add3A_30, %add3A_33 : i32
    "tpu.region"() ({
      %run_scoped3A = tpu.sem_alloc : memref<!tpu.dma_semaphore, #tpu.memory_space<semaphore_mem>>
      %dma_start3A = arith.constant 0 : i32
      %dma_start3A_44 = tpu.memref_slice %arg6[%add3A_34, %dma_start3A] : memref<20000x128xf32, #tpu.memory_space<hbm>> -> memref<400x128xf32, #tpu.memory_space<hbm>>
      %dma_start3A_45 = arith.constant 0 : i32
      %dma_start3A_46 = tpu.memref_slice %arg11[%add3A_32, %dma_start3A_45] : memref<10000x128xf32, #tpu.memory_space<vmem_shared>> -> memref<400x128xf32, #tpu.memory_space<vmem_shared>>
      tpu.enqueue_dma source(%dma_start3A_46 : memref<400x128xf32, #tpu.memory_space<vmem_shared>>) target(%dma_start3A_44 : memref<400x128xf32, #tpu.memory_space<hbm>>) target_semaphore(%run_scoped3A : memref<!tpu.dma_semaphore, #tpu.memory_space<semaphore_mem>>)
      %dma_wait3A = arith.constant 0 : i32
      %dma_wait3A_47 = tpu.memref_slice %arg6[%add3A_34, %dma_wait3A] : memref<20000x128xf32, #tpu.memory_space<hbm>> -> memref<400x128xf32, #tpu.memory_space<hbm>>
      %dma_wait3A_48 = arith.constant 0 : i32
      %dma_wait3A_49 = tpu.memref_slice %arg11[%add3A_32, %dma_wait3A_48] : memref<10000x128xf32, #tpu.memory_space<vmem_shared>> -> memref<400x128xf32, #tpu.memory_space<vmem_shared>>
      tpu.wait_dma2 semaphore(%run_scoped3A : memref<!tpu.dma_semaphore, #tpu.memory_space<semaphore_mem>>) src(%dma_wait3A_49 : memref<400x128xf32, #tpu.memory_space<vmem_shared>>) dst(%dma_wait3A_47 : memref<400x128xf32, #tpu.memory_space<hbm>>)
      tpu.yield
    }) : () -> ()
    %add3A_35 = arith.constant 400 : i32
    %add3A_36 = arith.addi %mul3A_25, %add3A_35 : i32
    %add3A_37 = arith.constant 400 : i32
    %add3A_38 = arith.addi %add3A_30, %add3A_37 : i32
    "tpu.region"() ({
      %run_scoped3A = tpu.sem_alloc : memref<!tpu.dma_semaphore, #tpu.memory_space<semaphore_mem>>
      %dma_start3A = arith.constant 0 : i32
      %dma_start3A_44 = tpu.memref_slice %arg6[%add3A_38, %dma_start3A] : memref<20000x128xf32, #tpu.memory_space<hbm>> -> memref<224x128xf32, #tpu.memory_space<hbm>>
      %dma_start3A_45 = arith.constant 0 : i32
      %dma_start3A_46 = tpu.memref_slice %arg11[%add3A_36, %dma_start3A_45] : memref<10000x128xf32, #tpu.memory_space<vmem_shared>> -> memref<224x128xf32, #tpu.memory_space<vmem_shared>>
      tpu.enqueue_dma source(%dma_start3A_46 : memref<224x128xf32, #tpu.memory_space<vmem_shared>>) target(%dma_start3A_44 : memref<224x128xf32, #tpu.memory_space<hbm>>) target_semaphore(%run_scoped3A : memref<!tpu.dma_semaphore, #tpu.memory_space<semaphore_mem>>)
      %dma_wait3A = arith.constant 0 : i32
      %dma_wait3A_47 = tpu.memref_slice %arg6[%add3A_38, %dma_wait3A] : memref<20000x128xf32, #tpu.memory_space<hbm>> -> memref<224x128xf32, #tpu.memory_space<hbm>>
      %dma_wait3A_48 = arith.constant 0 : i32
      %dma_wait3A_49 = tpu.memref_slice %arg11[%add3A_36, %dma_wait3A_48] : memref<10000x128xf32, #tpu.memory_space<vmem_shared>> -> memref<224x128xf32, #tpu.memory_space<vmem_shared>>
      tpu.wait_dma2 semaphore(%run_scoped3A : memref<!tpu.dma_semaphore, #tpu.memory_space<semaphore_mem>>) src(%dma_wait3A_49 : memref<224x128xf32, #tpu.memory_space<vmem_shared>>) dst(%dma_wait3A_47 : memref<224x128xf32, #tpu.memory_space<hbm>>)
      tpu.yield
    }) : () -> ()
    %eq3A_39 = arith.constant 15 : i32
    %eq3A_40 = arith.cmpi eq, %arg1, %eq3A_39 : i32
    %convert_element_type3A_41 = arith.extui %eq3A_40 : i1 to i32
    %cond3A_42 = arith.constant 0 : i32
    %cond3A_43 = arith.cmpi ne, %convert_element_type3A_41, %cond3A_42 : i32
    scf.if %cond3A_43 {
      %mul3A_44 = arith.constant 10000 : i32
      %mul3A_45 = arith.muli %arg0, %mul3A_44 : i32
      %add3A_46 = arith.constant 9984 : i32
      %add3A_47 = arith.addi %mul3A_45, %add3A_46 : i32
      %add3A_48 = arith.constant 0 : i32
      %add3A_49 = arith.addi %add3A_47, %add3A_48 : i32
      "tpu.region"() ({
        %run_scoped3A = tpu.sem_alloc : memref<!tpu.dma_semaphore, #tpu.memory_space<semaphore_mem>>
        %dma_start3A = arith.constant 0 : i32
        %dma_start3A_50 = tpu.memref_slice %arg6[%add3A_49, %dma_start3A] : memref<20000x128xf32, #tpu.memory_space<hbm>> -> memref<16x128xf32, #tpu.memory_space<hbm>>
        %dma_start3A_51 = arith.constant 9984 : i32
        %dma_start3A_52 = arith.constant 0 : i32
        %dma_start3A_53 = tpu.memref_slice %arg11[%dma_start3A_51, %dma_start3A_52] : memref<10000x128xf32, #tpu.memory_space<vmem_shared>> -> memref<16x128xf32, #tpu.memory_space<vmem_shared>>
        tpu.enqueue_dma source(%dma_start3A_53 : memref<16x128xf32, #tpu.memory_space<vmem_shared>>) target(%dma_start3A_50 : memref<16x128xf32, #tpu.memory_space<hbm>>) target_semaphore(%run_scoped3A : memref<!tpu.dma_semaphore, #tpu.memory_space<semaphore_mem>>)
        %dma_wait3A = arith.constant 0 : i32
        %dma_wait3A_54 = tpu.memref_slice %arg6[%add3A_49, %dma_wait3A] : memref<20000x128xf32, #tpu.memory_space<hbm>> -> memref<16x128xf32, #tpu.memory_space<hbm>>
        %dma_wait3A_55 = arith.constant 9984 : i32
        %dma_wait3A_56 = arith.constant 0 : i32
        %dma_wait3A_57 = tpu.memref_slice %arg11[%dma_wait3A_55, %dma_wait3A_56] : memref<10000x128xf32, #tpu.memory_space<vmem_shared>> -> memref<16x128xf32, #tpu.memory_space<vmem_shared>>
        tpu.wait_dma2 semaphore(%run_scoped3A : memref<!tpu.dma_semaphore, #tpu.memory_space<semaphore_mem>>) src(%dma_wait3A_57 : memref<16x128xf32, #tpu.memory_space<vmem_shared>>) dst(%dma_wait3A_54 : memref<16x128xf32, #tpu.memory_space<hbm>>)
        tpu.yield
      }) : () -> ()
    } else {
    }
    return
  }
}

module attributes {stable_mosaic.version = 14 : i64} {
  func.func @_merge_body(%arg0: i32, %arg1: memref<2000x128xf32, #tpu.memory_space<vmem>>, %arg2: memref<2000x128xf32, #tpu.memory_space<vmem>>, %arg3: memref<2000x128xf32, #tpu.memory_space<vmem>>) attributes {dimension_semantics = [#tpu.dimension_semantics<arbitrary>], iteration_bounds = array<i64: 5>, scalar_prefetch = 0 : i64, scratch_operands = 0 : i64, tpu.core_type = #tpu.core_type<tc>, window_params = [{transform_indices = @transform_0, window_bounds = array<i64: 2000, 128>}, {transform_indices = @transform_1, window_bounds = array<i64: 2000, 128>}, {transform_indices = @transform_2, window_bounds = array<i64: 2000, 128>}]} {
    %get3A = arith.constant 0 : index
    %get3A_0 = arith.constant 0 : index
    %get3A_1 = vector.load %arg1[%get3A, %get3A_0] : memref<2000x128xf32, #tpu.memory_space<vmem>>, vector<2000x128xf32>
    %get3A_2 = arith.constant 0 : index
    %get3A_3 = arith.constant 0 : index
    %get3A_4 = vector.load %arg2[%get3A_2, %get3A_3] : memref<2000x128xf32, #tpu.memory_space<vmem>>, vector<2000x128xf32>
    %add3A = arith.addf %get3A_1, %get3A_4 : vector<2000x128xf32>
    %swap3A = arith.constant 0 : index
    %swap3A_5 = arith.constant 0 : index
    %swap3A_6 = vector.load %arg3[%swap3A, %swap3A_5] : memref<2000x128xf32, #tpu.memory_space<vmem>>, vector<2000x128xf32>
    tpu.vector_store %arg3[%swap3A, %swap3A_5], %add3A {strides = array<i32>} : memref<2000x128xf32, #tpu.memory_space<vmem>>, vector<2000x128xf32>,
    return
  }
  func.func @transform_0(%arg0: i32) -> (i32, i32) {
    %c0_i32 = arith.constant 0 : i32
    %c0_i32_0 = arith.constant 0 : i32
    return %arg0, %c0_i32 : i32, i32
  }
  func.func @transform_1(%arg0: i32) -> (i32, i32) {
    %c0_i32 = arith.constant 0 : i32
    %c0_i32_0 = arith.constant 0 : i32
    return %arg0, %c0_i32 : i32, i32
  }
  func.func @transform_2(%arg0: i32) -> (i32, i32) {
    %c0_i32 = arith.constant 0 : i32
    %c0_i32_0 = arith.constant 0 : i32
    return %arg0, %c0_i32 : i32, i32
  }
}

module attributes {stable_mosaic.version = 14 : i64} {
  func.func @_wcat_body(%arg0: i32, %arg1: memref<16x4xf32, #tpu.memory_space<smem>>, %arg2: memref<4x128x128xf32, #tpu.memory_space<vmem>>, %arg3: memref<128x16x128xf32, #tpu.memory_space<vmem>>) attributes {dimension_semantics = [#tpu.dimension_semantics<arbitrary>], iteration_bounds = array<i64: 1>, scalar_prefetch = 0 : i64, scratch_operands = 0 : i64, tpu.core_type = #tpu.core_type<tc>, window_params = [{transform_indices = @transform_0, window_bounds = array<i64: 16, 4>}, {pipeline_mode = #tpu.pipeline_mode<synchronous>, transform_indices = @transform_1, window_bounds = array<i64: 4, 128, 128>}, {pipeline_mode = #tpu.pipeline_mode<synchronous>, transform_indices = @transform_2, window_bounds = array<i64: 128, 16, 128>}]} {
    %get3A = arith.constant 0 : index
    %get3A_0 = arith.constant 0 : index
    %get3A_1 = memref.load %arg1[%get3A, %get3A_0] : memref<16x4xf32, #tpu.memory_space<smem>>
    %get3A_2 = arith.constant 0 : index
    %get3A_3 = arith.constant 0 : index
    %get3A_4 = arith.constant 0 : index
    %get3A_5 = vector.load %arg2[%get3A_2, %get3A_3, %get3A_4] : memref<4x128x128xf32, #tpu.memory_space<vmem>>, vector<1x128x128xf32>
    %get3A_6 = vector.shape_cast %get3A_5 : vector<1x128x128xf32> to vector<128x128xf32>
    %mul3A = vector.broadcast %get3A_1 : f32 to vector<128x128xf32>
    %mul3A_7 = arith.mulf %mul3A, %get3A_6 : vector<128x128xf32>
    %get3A_8 = arith.constant 0 : index
    %get3A_9 = arith.constant 1 : index
    %get3A_10 = memref.load %arg1[%get3A_8, %get3A_9] : memref<16x4xf32, #tpu.memory_space<smem>>
    %get3A_11 = arith.constant 1 : index
    %get3A_12 = arith.constant 0 : index
    %get3A_13 = arith.constant 0 : index
    %get3A_14 = vector.load %arg2[%get3A_11, %get3A_12, %get3A_13] : memref<4x128x128xf32, #tpu.memory_space<vmem>>, vector<1x128x128xf32>
    %get3A_15 = vector.shape_cast %get3A_14 : vector<1x128x128xf32> to vector<128x128xf32>
    %mul3A_16 = vector.broadcast %get3A_10 : f32 to vector<128x128xf32>
    %mul3A_17 = arith.mulf %mul3A_16, %get3A_15 : vector<128x128xf32>
    %add3A = arith.addf %mul3A_7, %mul3A_17 : vector<128x128xf32>
    %get3A_18 = arith.constant 0 : index
    %get3A_19 = arith.constant 2 : index
    %get3A_20 = memref.load %arg1[%get3A_18, %get3A_19] : memref<16x4xf32, #tpu.memory_space<smem>>
    %get3A_21 = arith.constant 2 : index
    %get3A_22 = arith.constant 0 : index
    %get3A_23 = arith.constant 0 : index
    %get3A_24 = vector.load %arg2[%get3A_21, %get3A_22, %get3A_23] : memref<4x128x128xf32, #tpu.memory_space<vmem>>, vector<1x128x128xf32>
    %get3A_25 = vector.shape_cast %get3A_24 : vector<1x128x128xf32> to vector<128x128xf32>
    %mul3A_26 = vector.broadcast %get3A_20 : f32 to vector<128x128xf32>
    %mul3A_27 = arith.mulf %mul3A_26, %get3A_25 : vector<128x128xf32>
    %add3A_28 = arith.addf %add3A, %mul3A_27 : vector<128x128xf32>
    %get3A_29 = arith.constant 0 : index
    %get3A_30 = arith.constant 3 : index
    %get3A_31 = memref.load %arg1[%get3A_29, %get3A_30] : memref<16x4xf32, #tpu.memory_space<smem>>
    %get3A_32 = arith.constant 3 : index
    %get3A_33 = arith.constant 0 : index
    %get3A_34 = arith.constant 0 : index
    %get3A_35 = vector.load %arg2[%get3A_32, %get3A_33, %get3A_34] : memref<4x128x128xf32, #tpu.memory_space<vmem>>, vector<1x128x128xf32>
    %get3A_36 = vector.shape_cast %get3A_35 : vector<1x128x128xf32> to vector<128x128xf32>
    %mul3A_37 = vector.broadcast %get3A_31 : f32 to vector<128x128xf32>
    %mul3A_38 = arith.mulf %mul3A_37, %get3A_36 : vector<128x128xf32>
    %add3A_39 = arith.addf %add3A_28, %mul3A_38 : vector<128x128xf32>
    %swap3A = arith.constant 0 : index
    %swap3A_40 = arith.constant 0 : index
    %swap3A_41 = arith.constant 0 : index
    %swap3A_42 = vector.load %arg3[%swap3A, %swap3A_40, %swap3A_41] : memref<128x16x128xf32, #tpu.memory_space<vmem>>, vector<128x1x128xf32>
    %swap3A_43 = vector.shape_cast %swap3A_42 : vector<128x1x128xf32> to vector<128x128xf32>
    %swap3A_44 = vector.shape_cast %add3A_39 : vector<128x128xf32> to vector<128x1x128xf32>
    tpu.vector_store %arg3[%swap3A, %swap3A_40, %swap3A_41], %swap3A_44 {strides = array<i32>} : memref<128x16x128xf32, #tpu.memory_space<vmem>>, vector<128x1x128xf32>,
    %get3A_45 = arith.constant 1 : index
    %get3A_46 = arith.constant 0 : index
    %get3A_47 = memref.load %arg1[%get3A_45, %get3A_46] : memref<16x4xf32, #tpu.memory_space<smem>>
    %get3A_48 = arith.constant 0 : index
    %get3A_49 = arith.constant 0 : index
    %get3A_50 = arith.constant 0 : index
    %get3A_51 = vector.load %arg2[%get3A_48, %get3A_49, %get3A_50] : memref<4x128x128xf32, #tpu.memory_space<vmem>>, vector<1x128x128xf32>
    %get3A_52 = vector.shape_cast %get3A_51 : vector<1x128x128xf32> to vector<128x128xf32>
    %mul3A_53 = vector.broadcast %get3A_47 : f32 to vector<128x128xf32>
    %mul3A_54 = arith.mulf %mul3A_53, %get3A_52 : vector<128x128xf32>
    %get3A_55 = arith.constant 1 : index
    %get3A_56 = arith.constant 1 : index
    %get3A_57 = memref.load %arg1[%get3A_55, %get3A_56] : memref<16x4xf32, #tpu.memory_space<smem>>
    %get3A_58 = arith.constant 1 : index
    %get3A_59 = arith.constant 0 : index
    %get3A_60 = arith.constant 0 : index
    %get3A_61 = vector.load %arg2[%get3A_58, %get3A_59, %get3A_60] : memref<4x128x128xf32, #tpu.memory_space<vmem>>, vector<1x128x128xf32>
    %get3A_62 = vector.shape_cast %get3A_61 : vector<1x128x128xf32> to vector<128x128xf32>
    %mul3A_63 = vector.broadcast %get3A_57 : f32 to vector<128x128xf32>
    %mul3A_64 = arith.mulf %mul3A_63, %get3A_62 : vector<128x128xf32>
    %add3A_65 = arith.addf %mul3A_54, %mul3A_64 : vector<128x128xf32>
    %get3A_66 = arith.constant 1 : index
    %get3A_67 = arith.constant 2 : index
    %get3A_68 = memref.load %arg1[%get3A_66, %get3A_67] : memref<16x4xf32, #tpu.memory_space<smem>>
    %get3A_69 = arith.constant 2 : index
    %get3A_70 = arith.constant 0 : index
    %get3A_71 = arith.constant 0 : index
    %get3A_72 = vector.load %arg2[%get3A_69, %get3A_70, %get3A_71] : memref<4x128x128xf32, #tpu.memory_space<vmem>>, vector<1x128x128xf32>
    %get3A_73 = vector.shape_cast %get3A_72 : vector<1x128x128xf32> to vector<128x128xf32>
    %mul3A_74 = vector.broadcast %get3A_68 : f32 to vector<128x128xf32>
    %mul3A_75 = arith.mulf %mul3A_74, %get3A_73 : vector<128x128xf32>
    %add3A_76 = arith.addf %add3A_65, %mul3A_75 : vector<128x128xf32>
    %get3A_77 = arith.constant 1 : index
    %get3A_78 = arith.constant 3 : index
    %get3A_79 = memref.load %arg1[%get3A_77, %get3A_78] : memref<16x4xf32, #tpu.memory_space<smem>>
    %get3A_80 = arith.constant 3 : index
    %get3A_81 = arith.constant 0 : index
    %get3A_82 = arith.constant 0 : index
    %get3A_83 = vector.load %arg2[%get3A_80, %get3A_81, %get3A_82] : memref<4x128x128xf32, #tpu.memory_space<vmem>>, vector<1x128x128xf32>
    %get3A_84 = vector.shape_cast %get3A_83 : vector<1x128x128xf32> to vector<128x128xf32>
    %mul3A_85 = vector.broadcast %get3A_79 : f32 to vector<128x128xf32>
    %mul3A_86 = arith.mulf %mul3A_85, %get3A_84 : vector<128x128xf32>
    %add3A_87 = arith.addf %add3A_76, %mul3A_86 : vector<128x128xf32>
    %swap3A_88 = arith.constant 0 : index
    %swap3A_89 = arith.constant 1 : index
    %swap3A_90 = arith.constant 0 : index
    %swap3A_91 = vector.load %arg3[%swap3A_88, %swap3A_89, %swap3A_90] : memref<128x16x128xf32, #tpu.memory_space<vmem>>, vector<128x1x128xf32>
    %swap3A_92 = vector.shape_cast %swap3A_91 : vector<128x1x128xf32> to vector<128x128xf32>
    %swap3A_93 = vector.shape_cast %add3A_87 : vector<128x128xf32> to vector<128x1x128xf32>
    tpu.vector_store %arg3[%swap3A_88, %swap3A_89, %swap3A_90], %swap3A_93 {strides = array<i32>} : memref<128x16x128xf32, #tpu.memory_space<vmem>>, vector<128x1x128xf32>,
    %get3A_94 = arith.constant 2 : index
    %get3A_95 = arith.constant 0 : index
    %get3A_96 = memref.load %arg1[%get3A_94, %get3A_95] : memref<16x4xf32, #tpu.memory_space<smem>>
    %get3A_97 = arith.constant 0 : index
    %get3A_98 = arith.constant 0 : index
    %get3A_99 = arith.constant 0 : index
    %get3A_100 = vector.load %arg2[%get3A_97, %get3A_98, %get3A_99] : memref<4x128x128xf32, #tpu.memory_space<vmem>>, vector<1x128x128xf32>
    %get3A_101 = vector.shape_cast %get3A_100 : vector<1x128x128xf32> to vector<128x128xf32>
    %mul3A_102 = vector.broadcast %get3A_96 : f32 to vector<128x128xf32>
    %mul3A_103 = arith.mulf %mul3A_102, %get3A_101 : vector<128x128xf32>
    %get3A_104 = arith.constant 2 : index
    %get3A_105 = arith.constant 1 : index
    %get3A_106 = memref.load %arg1[%get3A_104, %get3A_105] : memref<16x4xf32, #tpu.memory_space<smem>>
    %get3A_107 = arith.constant 1 : index
    %get3A_108 = arith.constant 0 : index
    %get3A_109 = arith.constant 0 : index
    %get3A_110 = vector.load %arg2[%get3A_107, %get3A_108, %get3A_109] : memref<4x128x128xf32, #tpu.memory_space<vmem>>, vector<1x128x128xf32>
    %get3A_111 = vector.shape_cast %get3A_110 : vector<1x128x128xf32> to vector<128x128xf32>
    %mul3A_112 = vector.broadcast %get3A_106 : f32 to vector<128x128xf32>
    %mul3A_113 = arith.mulf %mul3A_112, %get3A_111 : vector<128x128xf32>
    %add3A_114 = arith.addf %mul3A_103, %mul3A_113 : vector<128x128xf32>
    %get3A_115 = arith.constant 2 : index
    %get3A_116 = arith.constant 2 : index
    %get3A_117 = memref.load %arg1[%get3A_115, %get3A_116] : memref<16x4xf32, #tpu.memory_space<smem>>
    %get3A_118 = arith.constant 2 : index
    %get3A_119 = arith.constant 0 : index
    %get3A_120 = arith.constant 0 : index
    %get3A_121 = vector.load %arg2[%get3A_118, %get3A_119, %get3A_120] : memref<4x128x128xf32, #tpu.memory_space<vmem>>, vector<1x128x128xf32>
    %get3A_122 = vector.shape_cast %get3A_121 : vector<1x128x128xf32> to vector<128x128xf32>
    %mul3A_123 = vector.broadcast %get3A_117 : f32 to vector<128x128xf32>
    %mul3A_124 = arith.mulf %mul3A_123, %get3A_122 : vector<128x128xf32>
    %add3A_125 = arith.addf %add3A_114, %mul3A_124 : vector<128x128xf32>
    %get3A_126 = arith.constant 2 : index
    %get3A_127 = arith.constant 3 : index
    %get3A_128 = memref.load %arg1[%get3A_126, %get3A_127] : memref<16x4xf32, #tpu.memory_space<smem>>
    %get3A_129 = arith.constant 3 : index
    %get3A_130 = arith.constant 0 : index
    %get3A_131 = arith.constant 0 : index
    %get3A_132 = vector.load %arg2[%get3A_129, %get3A_130, %get3A_131] : memref<4x128x128xf32, #tpu.memory_space<vmem>>, vector<1x128x128xf32>
    %get3A_133 = vector.shape_cast %get3A_132 : vector<1x128x128xf32> to vector<128x128xf32>
    %mul3A_134 = vector.broadcast %get3A_128 : f32 to vector<128x128xf32>
    %mul3A_135 = arith.mulf %mul3A_134, %get3A_133 : vector<128x128xf32>
    %add3A_136 = arith.addf %add3A_125, %mul3A_135 : vector<128x128xf32>
    %swap3A_137 = arith.constant 0 : index
    %swap3A_138 = arith.constant 2 : index
    %swap3A_139 = arith.constant 0 : index
    %swap3A_140 = vector.load %arg3[%swap3A_137, %swap3A_138, %swap3A_139] : memref<128x16x128xf32, #tpu.memory_space<vmem>>, vector<128x1x128xf32>
    %swap3A_141 = vector.shape_cast %swap3A_140 : vector<128x1x128xf32> to vector<128x128xf32>
    %swap3A_142 = vector.shape_cast %add3A_136 : vector<128x128xf32> to vector<128x1x128xf32>
    tpu.vector_store %arg3[%swap3A_137, %swap3A_138, %swap3A_139], %swap3A_142 {strides = array<i32>} : memref<128x16x128xf32, #tpu.memory_space<vmem>>, vector<128x1x128xf32>,
    %get3A_143 = arith.constant 3 : index
    %get3A_144 = arith.constant 0 : index
    %get3A_145 = memref.load %arg1[%get3A_143, %get3A_144] : memref<16x4xf32, #tpu.memory_space<smem>>
    %get3A_146 = arith.constant 0 : index
    %get3A_147 = arith.constant 0 : index
    %get3A_148 = arith.constant 0 : index
    %get3A_149 = vector.load %arg2[%get3A_146, %get3A_147, %get3A_148] : memref<4x128x128xf32, #tpu.memory_space<vmem>>, vector<1x128x128xf32>
    %get3A_150 = vector.shape_cast %get3A_149 : vector<1x128x128xf32> to vector<128x128xf32>
    %mul3A_151 = vector.broadcast %get3A_145 : f32 to vector<128x128xf32>
    %mul3A_152 = arith.mulf %mul3A_151, %get3A_150 : vector<128x128xf32>
    %get3A_153 = arith.constant 3 : index
    %get3A_154 = arith.constant 1 : index
    %get3A_155 = memref.load %arg1[%get3A_153, %get3A_154] : memref<16x4xf32, #tpu.memory_space<smem>>
    %get3A_156 = arith.constant 1 : index
    %get3A_157 = arith.constant 0 : index
    %get3A_158 = arith.constant 0 : index
    %get3A_159 = vector.load %arg2[%get3A_156, %get3A_157, %get3A_158] : memref<4x128x128xf32, #tpu.memory_space<vmem>>, vector<1x128x128xf32>
    %get3A_160 = vector.shape_cast %get3A_159 : vector<1x128x128xf32> to vector<128x128xf32>
    %mul3A_161 = vector.broadcast %get3A_155 : f32 to vector<128x128xf32>
    %mul3A_162 = arith.mulf %mul3A_161, %get3A_160 : vector<128x128xf32>
    %add3A_163 = arith.addf %mul3A_152, %mul3A_162 : vector<128x128xf32>
    %get3A_164 = arith.constant 3 : index
    %get3A_165 = arith.constant 2 : index
    %get3A_166 = memref.load %arg1[%get3A_164, %get3A_165] : memref<16x4xf32, #tpu.memory_space<smem>>
    %get3A_167 = arith.constant 2 : index
    %get3A_168 = arith.constant 0 : index
    %get3A_169 = arith.constant 0 : index
    %get3A_170 = vector.load %arg2[%get3A_167, %get3A_168, %get3A_169] : memref<4x128x128xf32, #tpu.memory_space<vmem>>, vector<1x128x128xf32>
    %get3A_171 = vector.shape_cast %get3A_170 : vector<1x128x128xf32> to vector<128x128xf32>
    %mul3A_172 = vector.broadcast %get3A_166 : f32 to vector<128x128xf32>
    %mul3A_173 = arith.mulf %mul3A_172, %get3A_171 : vector<128x128xf32>
    %add3A_174 = arith.addf %add3A_163, %mul3A_173 : vector<128x128xf32>
    %get3A_175 = arith.constant 3 : index
    %get3A_176 = arith.constant 3 : index
    %get3A_177 = memref.load %arg1[%get3A_175, %get3A_176] : memref<16x4xf32, #tpu.memory_space<smem>>
    %get3A_178 = arith.constant 3 : index
    %get3A_179 = arith.constant 0 : index
    %get3A_180 = arith.constant 0 : index
    %get3A_181 = vector.load %arg2[%get3A_178, %get3A_179, %get3A_180] : memref<4x128x128xf32, #tpu.memory_space<vmem>>, vector<1x128x128xf32>
    %get3A_182 = vector.shape_cast %get3A_181 : vector<1x128x128xf32> to vector<128x128xf32>
    %mul3A_183 = vector.broadcast %get3A_177 : f32 to vector<128x128xf32>
    %mul3A_184 = arith.mulf %mul3A_183, %get3A_182 : vector<128x128xf32>
    %add3A_185 = arith.addf %add3A_174, %mul3A_184 : vector<128x128xf32>
    %swap3A_186 = arith.constant 0 : index
    %swap3A_187 = arith.constant 3 : index
    %swap3A_188 = arith.constant 0 : index
    %swap3A_189 = vector.load %arg3[%swap3A_186, %swap3A_187, %swap3A_188] : memref<128x16x128xf32, #tpu.memory_space<vmem>>, vector<128x1x128xf32>
    %swap3A_190 = vector.shape_cast %swap3A_189 : vector<128x1x128xf32> to vector<128x128xf32>
    %swap3A_191 = vector.shape_cast %add3A_185 : vector<128x128xf32> to vector<128x1x128xf32>
    tpu.vector_store %arg3[%swap3A_186, %swap3A_187, %swap3A_188], %swap3A_191 {strides = array<i32>} : memref<128x16x128xf32, #tpu.memory_space<vmem>>, vector<128x1x128xf32>,
    %get3A_192 = arith.constant 4 : index
    %get3A_193 = arith.constant 0 : index
    %get3A_194 = memref.load %arg1[%get3A_192, %get3A_193] : memref<16x4xf32, #tpu.memory_space<smem>>
    %get3A_195 = arith.constant 0 : index
    %get3A_196 = arith.constant 0 : index
    %get3A_197 = arith.constant 0 : index
    %get3A_198 = vector.load %arg2[%get3A_195, %get3A_196, %get3A_197] : memref<4x128x128xf32, #tpu.memory_space<vmem>>, vector<1x128x128xf32>
    %get3A_199 = vector.shape_cast %get3A_198 : vector<1x128x128xf32> to vector<128x128xf32>
    %mul3A_200 = vector.broadcast %get3A_194 : f32 to vector<128x128xf32>
    %mul3A_201 = arith.mulf %mul3A_200, %get3A_199 : vector<128x128xf32>
    %get3A_202 = arith.constant 4 : index
    %get3A_203 = arith.constant 1 : index
    %get3A_204 = memref.load %arg1[%get3A_202, %get3A_203] : memref<16x4xf32, #tpu.memory_space<smem>>
    %get3A_205 = arith.constant 1 : index
    %get3A_206 = arith.constant 0 : index
    %get3A_207 = arith.constant 0 : index
    %get3A_208 = vector.load %arg2[%get3A_205, %get3A_206, %get3A_207] : memref<4x128x128xf32, #tpu.memory_space<vmem>>, vector<1x128x128xf32>
    %get3A_209 = vector.shape_cast %get3A_208 : vector<1x128x128xf32> to vector<128x128xf32>
    %mul3A_210 = vector.broadcast %get3A_204 : f32 to vector<128x128xf32>
    %mul3A_211 = arith.mulf %mul3A_210, %get3A_209 : vector<128x128xf32>
    %add3A_212 = arith.addf %mul3A_201, %mul3A_211 : vector<128x128xf32>
    %get3A_213 = arith.constant 4 : index
    %get3A_214 = arith.constant 2 : index
    %get3A_215 = memref.load %arg1[%get3A_213, %get3A_214] : memref<16x4xf32, #tpu.memory_space<smem>>
    %get3A_216 = arith.constant 2 : index
    %get3A_217 = arith.constant 0 : index
    %get3A_218 = arith.constant 0 : index
    %get3A_219 = vector.load %arg2[%get3A_216, %get3A_217, %get3A_218] : memref<4x128x128xf32, #tpu.memory_space<vmem>>, vector<1x128x128xf32>
    %get3A_220 = vector.shape_cast %get3A_219 : vector<1x128x128xf32> to vector<128x128xf32>
    %mul3A_221 = vector.broadcast %get3A_215 : f32 to vector<128x128xf32>
    %mul3A_222 = arith.mulf %mul3A_221, %get3A_220 : vector<128x128xf32>
    %add3A_223 = arith.addf %add3A_212, %mul3A_222 : vector<128x128xf32>
    %get3A_224 = arith.constant 4 : index
    %get3A_225 = arith.constant 3 : index
    %get3A_226 = memref.load %arg1[%get3A_224, %get3A_225] : memref<16x4xf32, #tpu.memory_space<smem>>
    %get3A_227 = arith.constant 3 : index
    %get3A_228 = arith.constant 0 : index
    %get3A_229 = arith.constant 0 : index
    %get3A_230 = vector.load %arg2[%get3A_227, %get3A_228, %get3A_229] : memref<4x128x128xf32, #tpu.memory_space<vmem>>, vector<1x128x128xf32>
    %get3A_231 = vector.shape_cast %get3A_230 : vector<1x128x128xf32> to vector<128x128xf32>
    %mul3A_232 = vector.broadcast %get3A_226 : f32 to vector<128x128xf32>
    %mul3A_233 = arith.mulf %mul3A_232, %get3A_231 : vector<128x128xf32>
    %add3A_234 = arith.addf %add3A_223, %mul3A_233 : vector<128x128xf32>
    %swap3A_235 = arith.constant 0 : index
    %swap3A_236 = arith.constant 4 : index
    %swap3A_237 = arith.constant 0 : index
    %swap3A_238 = vector.load %arg3[%swap3A_235, %swap3A_236, %swap3A_237] : memref<128x16x128xf32, #tpu.memory_space<vmem>>, vector<128x1x128xf32>
    %swap3A_239 = vector.shape_cast %swap3A_238 : vector<128x1x128xf32> to vector<128x128xf32>
    %swap3A_240 = vector.shape_cast %add3A_234 : vector<128x128xf32> to vector<128x1x128xf32>
    tpu.vector_store %arg3[%swap3A_235, %swap3A_236, %swap3A_237], %swap3A_240 {strides = array<i32>} : memref<128x16x128xf32, #tpu.memory_space<vmem>>, vector<128x1x128xf32>,
    %get3A_241 = arith.constant 5 : index
    %get3A_242 = arith.constant 0 : index
    %get3A_243 = memref.load %arg1[%get3A_241, %get3A_242] : memref<16x4xf32, #tpu.memory_space<smem>>
    %get3A_244 = arith.constant 0 : index
    %get3A_245 = arith.constant 0 : index
    %get3A_246 = arith.constant 0 : index
    %get3A_247 = vector.load %arg2[%get3A_244, %get3A_245, %get3A_246] : memref<4x128x128xf32, #tpu.memory_space<vmem>>, vector<1x128x128xf32>
    %get3A_248 = vector.shape_cast %get3A_247 : vector<1x128x128xf32> to vector<128x128xf32>
    %mul3A_249 = vector.broadcast %get3A_243 : f32 to vector<128x128xf32>
    %mul3A_250 = arith.mulf %mul3A_249, %get3A_248 : vector<128x128xf32>
    %get3A_251 = arith.constant 5 : index
    %get3A_252 = arith.constant 1 : index
    %get3A_253 = memref.load %arg1[%get3A_251, %get3A_252] : memref<16x4xf32, #tpu.memory_space<smem>>
    %get3A_254 = arith.constant 1 : index
    %get3A_255 = arith.constant 0 : index
    %get3A_256 = arith.constant 0 : index
    %get3A_257 = vector.load %arg2[%get3A_254, %get3A_255, %get3A_256] : memref<4x128x128xf32, #tpu.memory_space<vmem>>, vector<1x128x128xf32>
    %get3A_258 = vector.shape_cast %get3A_257 : vector<1x128x128xf32> to vector<128x128xf32>
    %mul3A_259 = vector.broadcast %get3A_253 : f32 to vector<128x128xf32>
    %mul3A_260 = arith.mulf %mul3A_259, %get3A_258 : vector<128x128xf32>
    %add3A_261 = arith.addf %mul3A_250, %mul3A_260 : vector<128x128xf32>
    %get3A_262 = arith.constant 5 : index
    %get3A_263 = arith.constant 2 : index
    %get3A_264 = memref.load %arg1[%get3A_262, %get3A_263] : memref<16x4xf32, #tpu.memory_space<smem>>
    %get3A_265 = arith.constant 2 : index
    %get3A_266 = arith.constant 0 : index
    %get3A_267 = arith.constant 0 : index
    %get3A_268 = vector.load %arg2[%get3A_265, %get3A_266, %get3A_267] : memref<4x128x128xf32, #tpu.memory_space<vmem>>, vector<1x128x128xf32>
    %get3A_269 = vector.shape_cast %get3A_268 : vector<1x128x128xf32> to vector<128x128xf32>
    %mul3A_270 = vector.broadcast %get3A_264 : f32 to vector<128x128xf32>
    %mul3A_271 = arith.mulf %mul3A_270, %get3A_269 : vector<128x128xf32>
    %add3A_272 = arith.addf %add3A_261, %mul3A_271 : vector<128x128xf32>
    %get3A_273 = arith.constant 5 : index
    %get3A_274 = arith.constant 3 : index
    %get3A_275 = memref.load %arg1[%get3A_273, %get3A_274] : memref<16x4xf32, #tpu.memory_space<smem>>
    %get3A_276 = arith.constant 3 : index
    %get3A_277 = arith.constant 0 : index
    %get3A_278 = arith.constant 0 : index
    %get3A_279 = vector.load %arg2[%get3A_276, %get3A_277, %get3A_278] : memref<4x128x128xf32, #tpu.memory_space<vmem>>, vector<1x128x128xf32>
    %get3A_280 = vector.shape_cast %get3A_279 : vector<1x128x128xf32> to vector<128x128xf32>
    %mul3A_281 = vector.broadcast %get3A_275 : f32 to vector<128x128xf32>
    %mul3A_282 = arith.mulf %mul3A_281, %get3A_280 : vector<128x128xf32>
    %add3A_283 = arith.addf %add3A_272, %mul3A_282 : vector<128x128xf32>
    %swap3A_284 = arith.constant 0 : index
    %swap3A_285 = arith.constant 5 : index
    %swap3A_286 = arith.constant 0 : index
    %swap3A_287 = vector.load %arg3[%swap3A_284, %swap3A_285, %swap3A_286] : memref<128x16x128xf32, #tpu.memory_space<vmem>>, vector<128x1x128xf32>
    %swap3A_288 = vector.shape_cast %swap3A_287 : vector<128x1x128xf32> to vector<128x128xf32>
    %swap3A_289 = vector.shape_cast %add3A_283 : vector<128x128xf32> to vector<128x1x128xf32>
    tpu.vector_store %arg3[%swap3A_284, %swap3A_285, %swap3A_286], %swap3A_289 {strides = array<i32>} : memref<128x16x128xf32, #tpu.memory_space<vmem>>, vector<128x1x128xf32>,
    %get3A_290 = arith.constant 6 : index
    %get3A_291 = arith.constant 0 : index
    %get3A_292 = memref.load %arg1[%get3A_290, %get3A_291] : memref<16x4xf32, #tpu.memory_space<smem>>
    %get3A_293 = arith.constant 0 : index
    %get3A_294 = arith.constant 0 : index
    %get3A_295 = arith.constant 0 : index
    %get3A_296 = vector.load %arg2[%get3A_293, %get3A_294, %get3A_295] : memref<4x128x128xf32, #tpu.memory_space<vmem>>, vector<1x128x128xf32>
    %get3A_297 = vector.shape_cast %get3A_296 : vector<1x128x128xf32> to vector<128x128xf32>
    %mul3A_298 = vector.broadcast %get3A_292 : f32 to vector<128x128xf32>
    %mul3A_299 = arith.mulf %mul3A_298, %get3A_297 : vector<128x128xf32>
    %get3A_300 = arith.constant 6 : index
    %get3A_301 = arith.constant 1 : index
    %get3A_302 = memref.load %arg1[%get3A_300, %get3A_301] : memref<16x4xf32, #tpu.memory_space<smem>>
    %get3A_303 = arith.constant 1 : index
    %get3A_304 = arith.constant 0 : index
    %get3A_305 = arith.constant 0 : index
    %get3A_306 = vector.load %arg2[%get3A_303, %get3A_304, %get3A_305] : memref<4x128x128xf32, #tpu.memory_space<vmem>>, vector<1x128x128xf32>
    %get3A_307 = vector.shape_cast %get3A_306 : vector<1x128x128xf32> to vector<128x128xf32>
    %mul3A_308 = vector.broadcast %get3A_302 : f32 to vector<128x128xf32>
    %mul3A_309 = arith.mulf %mul3A_308, %get3A_307 : vector<128x128xf32>
    %add3A_310 = arith.addf %mul3A_299, %mul3A_309 : vector<128x128xf32>
    %get3A_311 = arith.constant 6 : index
    %get3A_312 = arith.constant 2 : index
    %get3A_313 = memref.load %arg1[%get3A_311, %get3A_312] : memref<16x4xf32, #tpu.memory_space<smem>>
    %get3A_314 = arith.constant 2 : index
    %get3A_315 = arith.constant 0 : index
    %get3A_316 = arith.constant 0 : index
    %get3A_317 = vector.load %arg2[%get3A_314, %get3A_315, %get3A_316] : memref<4x128x128xf32, #tpu.memory_space<vmem>>, vector<1x128x128xf32>
    %get3A_318 = vector.shape_cast %get3A_317 : vector<1x128x128xf32> to vector<128x128xf32>
    %mul3A_319 = vector.broadcast %get3A_313 : f32 to vector<128x128xf32>
    %mul3A_320 = arith.mulf %mul3A_319, %get3A_318 : vector<128x128xf32>
    %add3A_321 = arith.addf %add3A_310, %mul3A_320 : vector<128x128xf32>
    %get3A_322 = arith.constant 6 : index
    %get3A_323 = arith.constant 3 : index
    %get3A_324 = memref.load %arg1[%get3A_322, %get3A_323] : memref<16x4xf32, #tpu.memory_space<smem>>
    %get3A_325 = arith.constant 3 : index
    %get3A_326 = arith.constant 0 : index
    %get3A_327 = arith.constant 0 : index
    %get3A_328 = vector.load %arg2[%get3A_325, %get3A_326, %get3A_327] : memref<4x128x128xf32, #tpu.memory_space<vmem>>, vector<1x128x128xf32>
    %get3A_329 = vector.shape_cast %get3A_328 : vector<1x128x128xf32> to vector<128x128xf32>
    %mul3A_330 = vector.broadcast %get3A_324 : f32 to vector<128x128xf32>
    %mul3A_331 = arith.mulf %mul3A_330, %get3A_329 : vector<128x128xf32>
    %add3A_332 = arith.addf %add3A_321, %mul3A_331 : vector<128x128xf32>
    %swap3A_333 = arith.constant 0 : index
    %swap3A_334 = arith.constant 6 : index
    %swap3A_335 = arith.constant 0 : index
    %swap3A_336 = vector.load %arg3[%swap3A_333, %swap3A_334, %swap3A_335] : memref<128x16x128xf32, #tpu.memory_space<vmem>>, vector<128x1x128xf32>
    %swap3A_337 = vector.shape_cast %swap3A_336 : vector<128x1x128xf32> to vector<128x128xf32>
    %swap3A_338 = vector.shape_cast %add3A_332 : vector<128x128xf32> to vector<128x1x128xf32>
    tpu.vector_store %arg3[%swap3A_333, %swap3A_334, %swap3A_335], %swap3A_338 {strides = array<i32>} : memref<128x16x128xf32, #tpu.memory_space<vmem>>, vector<128x1x128xf32>,
    %get3A_339 = arith.constant 7 : index
    %get3A_340 = arith.constant 0 : index
    %get3A_341 = memref.load %arg1[%get3A_339, %get3A_340] : memref<16x4xf32, #tpu.memory_space<smem>>
    %get3A_342 = arith.constant 0 : index
    %get3A_343 = arith.constant 0 : index
    %get3A_344 = arith.constant 0 : index
    %get3A_345 = vector.load %arg2[%get3A_342, %get3A_343, %get3A_344] : memref<4x128x128xf32, #tpu.memory_space<vmem>>, vector<1x128x128xf32>
    %get3A_346 = vector.shape_cast %get3A_345 : vector<1x128x128xf32> to vector<128x128xf32>
    %mul3A_347 = vector.broadcast %get3A_341 : f32 to vector<128x128xf32>
    %mul3A_348 = arith.mulf %mul3A_347, %get3A_346 : vector<128x128xf32>
    %get3A_349 = arith.constant 7 : index
    %get3A_350 = arith.constant 1 : index
    %get3A_351 = memref.load %arg1[%get3A_349, %get3A_350] : memref<16x4xf32, #tpu.memory_space<smem>>
    %get3A_352 = arith.constant 1 : index
    %get3A_353 = arith.constant 0 : index
    %get3A_354 = arith.constant 0 : index
    %get3A_355 = vector.load %arg2[%get3A_352, %get3A_353, %get3A_354] : memref<4x128x128xf32, #tpu.memory_space<vmem>>, vector<1x128x128xf32>
    %get3A_356 = vector.shape_cast %get3A_355 : vector<1x128x128xf32> to vector<128x128xf32>
    %mul3A_357 = vector.broadcast %get3A_351 : f32 to vector<128x128xf32>
    %mul3A_358 = arith.mulf %mul3A_357, %get3A_356 : vector<128x128xf32>
    %add3A_359 = arith.addf %mul3A_348, %mul3A_358 : vector<128x128xf32>
    %get3A_360 = arith.constant 7 : index
    %get3A_361 = arith.constant 2 : index
    %get3A_362 = memref.load %arg1[%get3A_360, %get3A_361] : memref<16x4xf32, #tpu.memory_space<smem>>
    %get3A_363 = arith.constant 2 : index
    %get3A_364 = arith.constant 0 : index
    %get3A_365 = arith.constant 0 : index
    %get3A_366 = vector.load %arg2[%get3A_363, %get3A_364, %get3A_365] : memref<4x128x128xf32, #tpu.memory_space<vmem>>, vector<1x128x128xf32>
    %get3A_367 = vector.shape_cast %get3A_366 : vector<1x128x128xf32> to vector<128x128xf32>
    %mul3A_368 = vector.broadcast %get3A_362 : f32 to vector<128x128xf32>
    %mul3A_369 = arith.mulf %mul3A_368, %get3A_367 : vector<128x128xf32>
    %add3A_370 = arith.addf %add3A_359, %mul3A_369 : vector<128x128xf32>
    %get3A_371 = arith.constant 7 : index
    %get3A_372 = arith.constant 3 : index
    %get3A_373 = memref.load %arg1[%get3A_371, %get3A_372] : memref<16x4xf32, #tpu.memory_space<smem>>
    %get3A_374 = arith.constant 3 : index
    %get3A_375 = arith.constant 0 : index
    %get3A_376 = arith.constant 0 : index
    %get3A_377 = vector.load %arg2[%get3A_374, %get3A_375, %get3A_376] : memref<4x128x128xf32, #tpu.memory_space<vmem>>, vector<1x128x128xf32>
    %get3A_378 = vector.shape_cast %get3A_377 : vector<1x128x128xf32> to vector<128x128xf32>
    %mul3A_379 = vector.broadcast %get3A_373 : f32 to vector<128x128xf32>
    %mul3A_380 = arith.mulf %mul3A_379, %get3A_378 : vector<128x128xf32>
    %add3A_381 = arith.addf %add3A_370, %mul3A_380 : vector<128x128xf32>
    %swap3A_382 = arith.constant 0 : index
    %swap3A_383 = arith.constant 7 : index
    %swap3A_384 = arith.constant 0 : index
    %swap3A_385 = vector.load %arg3[%swap3A_382, %swap3A_383, %swap3A_384] : memref<128x16x128xf32, #tpu.memory_space<vmem>>, vector<128x1x128xf32>
    %swap3A_386 = vector.shape_cast %swap3A_385 : vector<128x1x128xf32> to vector<128x128xf32>
    %swap3A_387 = vector.shape_cast %add3A_381 : vector<128x128xf32> to vector<128x1x128xf32>
    tpu.vector_store %arg3[%swap3A_382, %swap3A_383, %swap3A_384], %swap3A_387 {strides = array<i32>} : memref<128x16x128xf32, #tpu.memory_space<vmem>>, vector<128x1x128xf32>,
    %get3A_388 = arith.constant 8 : index
    %get3A_389 = arith.constant 0 : index
    %get3A_390 = memref.load %arg1[%get3A_388, %get3A_389] : memref<16x4xf32, #tpu.memory_space<smem>>
    %get3A_391 = arith.constant 0 : index
    %get3A_392 = arith.constant 0 : index
    %get3A_393 = arith.constant 0 : index
    %get3A_394 = vector.load %arg2[%get3A_391, %get3A_392, %get3A_393] : memref<4x128x128xf32, #tpu.memory_space<vmem>>, vector<1x128x128xf32>
    %get3A_395 = vector.shape_cast %get3A_394 : vector<1x128x128xf32> to vector<128x128xf32>
    %mul3A_396 = vector.broadcast %get3A_390 : f32 to vector<128x128xf32>
    %mul3A_397 = arith.mulf %mul3A_396, %get3A_395 : vector<128x128xf32>
    %get3A_398 = arith.constant 8 : index
    %get3A_399 = arith.constant 1 : index
    %get3A_400 = memref.load %arg1[%get3A_398, %get3A_399] : memref<16x4xf32, #tpu.memory_space<smem>>
    %get3A_401 = arith.constant 1 : index
    %get3A_402 = arith.constant 0 : index
    %get3A_403 = arith.constant 0 : index
    %get3A_404 = vector.load %arg2[%get3A_401, %get3A_402, %get3A_403] : memref<4x128x128xf32, #tpu.memory_space<vmem>>, vector<1x128x128xf32>
    %get3A_405 = vector.shape_cast %get3A_404 : vector<1x128x128xf32> to vector<128x128xf32>
    %mul3A_406 = vector.broadcast %get3A_400 : f32 to vector<128x128xf32>
    %mul3A_407 = arith.mulf %mul3A_406, %get3A_405 : vector<128x128xf32>
    %add3A_408 = arith.addf %mul3A_397, %mul3A_407 : vector<128x128xf32>
    %get3A_409 = arith.constant 8 : index
    %get3A_410 = arith.constant 2 : index
    %get3A_411 = memref.load %arg1[%get3A_409, %get3A_410] : memref<16x4xf32, #tpu.memory_space<smem>>
    %get3A_412 = arith.constant 2 : index
    %get3A_413 = arith.constant 0 : index
    %get3A_414 = arith.constant 0 : index
    %get3A_415 = vector.load %arg2[%get3A_412, %get3A_413, %get3A_414] : memref<4x128x128xf32, #tpu.memory_space<vmem>>, vector<1x128x128xf32>
    %get3A_416 = vector.shape_cast %get3A_415 : vector<1x128x128xf32> to vector<128x128xf32>
    %mul3A_417 = vector.broadcast %get3A_411 : f32 to vector<128x128xf32>
    %mul3A_418 = arith.mulf %mul3A_417, %get3A_416 : vector<128x128xf32>
    %add3A_419 = arith.addf %add3A_408, %mul3A_418 : vector<128x128xf32>
    %get3A_420 = arith.constant 8 : index
    %get3A_421 = arith.constant 3 : index
    %get3A_422 = memref.load %arg1[%get3A_420, %get3A_421] : memref<16x4xf32, #tpu.memory_space<smem>>
    %get3A_423 = arith.constant 3 : index
    %get3A_424 = arith.constant 0 : index
    %get3A_425 = arith.constant 0 : index
    %get3A_426 = vector.load %arg2[%get3A_423, %get3A_424, %get3A_425] : memref<4x128x128xf32, #tpu.memory_space<vmem>>, vector<1x128x128xf32>
    %get3A_427 = vector.shape_cast %get3A_426 : vector<1x128x128xf32> to vector<128x128xf32>
    %mul3A_428 = vector.broadcast %get3A_422 : f32 to vector<128x128xf32>
    %mul3A_429 = arith.mulf %mul3A_428, %get3A_427 : vector<128x128xf32>
    %add3A_430 = arith.addf %add3A_419, %mul3A_429 : vector<128x128xf32>
    %swap3A_431 = arith.constant 0 : index
    %swap3A_432 = arith.constant 8 : index
    %swap3A_433 = arith.constant 0 : index
    %swap3A_434 = vector.load %arg3[%swap3A_431, %swap3A_432, %swap3A_433] : memref<128x16x128xf32, #tpu.memory_space<vmem>>, vector<128x1x128xf32>
    %swap3A_435 = vector.shape_cast %swap3A_434 : vector<128x1x128xf32> to vector<128x128xf32>
    %swap3A_436 = vector.shape_cast %add3A_430 : vector<128x128xf32> to vector<128x1x128xf32>
    tpu.vector_store %arg3[%swap3A_431, %swap3A_432, %swap3A_433], %swap3A_436 {strides = array<i32>} : memref<128x16x128xf32, #tpu.memory_space<vmem>>, vector<128x1x128xf32>,
    %get3A_437 = arith.constant 9 : index
    %get3A_438 = arith.constant 0 : index
    %get3A_439 = memref.load %arg1[%get3A_437, %get3A_438] : memref<16x4xf32, #tpu.memory_space<smem>>
    %get3A_440 = arith.constant 0 : index
    %get3A_441 = arith.constant 0 : index
    %get3A_442 = arith.constant 0 : index
    %get3A_443 = vector.load %arg2[%get3A_440, %get3A_441, %get3A_442] : memref<4x128x128xf32, #tpu.memory_space<vmem>>, vector<1x128x128xf32>
    %get3A_444 = vector.shape_cast %get3A_443 : vector<1x128x128xf32> to vector<128x128xf32>
    %mul3A_445 = vector.broadcast %get3A_439 : f32 to vector<128x128xf32>
    %mul3A_446 = arith.mulf %mul3A_445, %get3A_444 : vector<128x128xf32>
    %get3A_447 = arith.constant 9 : index
    %get3A_448 = arith.constant 1 : index
    %get3A_449 = memref.load %arg1[%get3A_447, %get3A_448] : memref<16x4xf32, #tpu.memory_space<smem>>
    %get3A_450 = arith.constant 1 : index
    %get3A_451 = arith.constant 0 : index
    %get3A_452 = arith.constant 0 : index
    %get3A_453 = vector.load %arg2[%get3A_450, %get3A_451, %get3A_452] : memref<4x128x128xf32, #tpu.memory_space<vmem>>, vector<1x128x128xf32>
    %get3A_454 = vector.shape_cast %get3A_453 : vector<1x128x128xf32> to vector<128x128xf32>
    %mul3A_455 = vector.broadcast %get3A_449 : f32 to vector<128x128xf32>
    %mul3A_456 = arith.mulf %mul3A_455, %get3A_454 : vector<128x128xf32>
    %add3A_457 = arith.addf %mul3A_446, %mul3A_456 : vector<128x128xf32>
    %get3A_458 = arith.constant 9 : index
    %get3A_459 = arith.constant 2 : index
    %get3A_460 = memref.load %arg1[%get3A_458, %get3A_459] : memref<16x4xf32, #tpu.memory_space<smem>>
    %get3A_461 = arith.constant 2 : index
    %get3A_462 = arith.constant 0 : index
    %get3A_463 = arith.constant 0 : index
    %get3A_464 = vector.load %arg2[%get3A_461, %get3A_462, %get3A_463] : memref<4x128x128xf32, #tpu.memory_space<vmem>>, vector<1x128x128xf32>
    %get3A_465 = vector.shape_cast %get3A_464 : vector<1x128x128xf32> to vector<128x128xf32>
    %mul3A_466 = vector.broadcast %get3A_460 : f32 to vector<128x128xf32>
    %mul3A_467 = arith.mulf %mul3A_466, %get3A_465 : vector<128x128xf32>
    %add3A_468 = arith.addf %add3A_457, %mul3A_467 : vector<128x128xf32>
    %get3A_469 = arith.constant 9 : index
    %get3A_470 = arith.constant 3 : index
    %get3A_471 = memref.load %arg1[%get3A_469, %get3A_470] : memref<16x4xf32, #tpu.memory_space<smem>>
    %get3A_472 = arith.constant 3 : index
    %get3A_473 = arith.constant 0 : index
    %get3A_474 = arith.constant 0 : index
    %get3A_475 = vector.load %arg2[%get3A_472, %get3A_473, %get3A_474] : memref<4x128x128xf32, #tpu.memory_space<vmem>>, vector<1x128x128xf32>
    %get3A_476 = vector.shape_cast %get3A_475 : vector<1x128x128xf32> to vector<128x128xf32>
    %mul3A_477 = vector.broadcast %get3A_471 : f32 to vector<128x128xf32>
    %mul3A_478 = arith.mulf %mul3A_477, %get3A_476 : vector<128x128xf32>
    %add3A_479 = arith.addf %add3A_468, %mul3A_478 : vector<128x128xf32>
    %swap3A_480 = arith.constant 0 : index
    %swap3A_481 = arith.constant 9 : index
    %swap3A_482 = arith.constant 0 : index
    %swap3A_483 = vector.load %arg3[%swap3A_480, %swap3A_481, %swap3A_482] : memref<128x16x128xf32, #tpu.memory_space<vmem>>, vector<128x1x128xf32>
    %swap3A_484 = vector.shape_cast %swap3A_483 : vector<128x1x128xf32> to vector<128x128xf32>
    %swap3A_485 = vector.shape_cast %add3A_479 : vector<128x128xf32> to vector<128x1x128xf32>
    tpu.vector_store %arg3[%swap3A_480, %swap3A_481, %swap3A_482], %swap3A_485 {strides = array<i32>} : memref<128x16x128xf32, #tpu.memory_space<vmem>>, vector<128x1x128xf32>,
    %get3A_486 = arith.constant 10 : index
    %get3A_487 = arith.constant 0 : index
    %get3A_488 = memref.load %arg1[%get3A_486, %get3A_487] : memref<16x4xf32, #tpu.memory_space<smem>>
    %get3A_489 = arith.constant 0 : index
    %get3A_490 = arith.constant 0 : index
    %get3A_491 = arith.constant 0 : index
    %get3A_492 = vector.load %arg2[%get3A_489, %get3A_490, %get3A_491] : memref<4x128x128xf32, #tpu.memory_space<vmem>>, vector<1x128x128xf32>
    %get3A_493 = vector.shape_cast %get3A_492 : vector<1x128x128xf32> to vector<128x128xf32>
    %mul3A_494 = vector.broadcast %get3A_488 : f32 to vector<128x128xf32>
    %mul3A_495 = arith.mulf %mul3A_494, %get3A_493 : vector<128x128xf32>
    %get3A_496 = arith.constant 10 : index
    %get3A_497 = arith.constant 1 : index
    %get3A_498 = memref.load %arg1[%get3A_496, %get3A_497] : memref<16x4xf32, #tpu.memory_space<smem>>
    %get3A_499 = arith.constant 1 : index
    %get3A_500 = arith.constant 0 : index
    %get3A_501 = arith.constant 0 : index
    %get3A_502 = vector.load %arg2[%get3A_499, %get3A_500, %get3A_501] : memref<4x128x128xf32, #tpu.memory_space<vmem>>, vector<1x128x128xf32>
    %get3A_503 = vector.shape_cast %get3A_502 : vector<1x128x128xf32> to vector<128x128xf32>
    %mul3A_504 = vector.broadcast %get3A_498 : f32 to vector<128x128xf32>
    %mul3A_505 = arith.mulf %mul3A_504, %get3A_503 : vector<128x128xf32>
    %add3A_506 = arith.addf %mul3A_495, %mul3A_505 : vector<128x128xf32>
    %get3A_507 = arith.constant 10 : index
    %get3A_508 = arith.constant 2 : index
    %get3A_509 = memref.load %arg1[%get3A_507, %get3A_508] : memref<16x4xf32, #tpu.memory_space<smem>>
    %get3A_510 = arith.constant 2 : index
    %get3A_511 = arith.constant 0 : index
    %get3A_512 = arith.constant 0 : index
    %get3A_513 = vector.load %arg2[%get3A_510, %get3A_511, %get3A_512] : memref<4x128x128xf32, #tpu.memory_space<vmem>>, vector<1x128x128xf32>
    %get3A_514 = vector.shape_cast %get3A_513 : vector<1x128x128xf32> to vector<128x128xf32>
    %mul3A_515 = vector.broadcast %get3A_509 : f32 to vector<128x128xf32>
    %mul3A_516 = arith.mulf %mul3A_515, %get3A_514 : vector<128x128xf32>
    %add3A_517 = arith.addf %add3A_506, %mul3A_516 : vector<128x128xf32>
    %get3A_518 = arith.constant 10 : index
    %get3A_519 = arith.constant 3 : index
    %get3A_520 = memref.load %arg1[%get3A_518, %get3A_519] : memref<16x4xf32, #tpu.memory_space<smem>>
    %get3A_521 = arith.constant 3 : index
    %get3A_522 = arith.constant 0 : index
    %get3A_523 = arith.constant 0 : index
    %get3A_524 = vector.load %arg2[%get3A_521, %get3A_522, %get3A_523] : memref<4x128x128xf32, #tpu.memory_space<vmem>>, vector<1x128x128xf32>
    %get3A_525 = vector.shape_cast %get3A_524 : vector<1x128x128xf32> to vector<128x128xf32>
    %mul3A_526 = vector.broadcast %get3A_520 : f32 to vector<128x128xf32>
    %mul3A_527 = arith.mulf %mul3A_526, %get3A_525 : vector<128x128xf32>
    %add3A_528 = arith.addf %add3A_517, %mul3A_527 : vector<128x128xf32>
    %swap3A_529 = arith.constant 0 : index
    %swap3A_530 = arith.constant 10 : index
    %swap3A_531 = arith.constant 0 : index
    %swap3A_532 = vector.load %arg3[%swap3A_529, %swap3A_530, %swap3A_531] : memref<128x16x128xf32, #tpu.memory_space<vmem>>, vector<128x1x128xf32>
    %swap3A_533 = vector.shape_cast %swap3A_532 : vector<128x1x128xf32> to vector<128x128xf32>
    %swap3A_534 = vector.shape_cast %add3A_528 : vector<128x128xf32> to vector<128x1x128xf32>
    tpu.vector_store %arg3[%swap3A_529, %swap3A_530, %swap3A_531], %swap3A_534 {strides = array<i32>} : memref<128x16x128xf32, #tpu.memory_space<vmem>>, vector<128x1x128xf32>,
    %get3A_535 = arith.constant 11 : index
    %get3A_536 = arith.constant 0 : index
    %get3A_537 = memref.load %arg1[%get3A_535, %get3A_536] : memref<16x4xf32, #tpu.memory_space<smem>>
    %get3A_538 = arith.constant 0 : index
    %get3A_539 = arith.constant 0 : index
    %get3A_540 = arith.constant 0 : index
    %get3A_541 = vector.load %arg2[%get3A_538, %get3A_539, %get3A_540] : memref<4x128x128xf32, #tpu.memory_space<vmem>>, vector<1x128x128xf32>
    %get3A_542 = vector.shape_cast %get3A_541 : vector<1x128x128xf32> to vector<128x128xf32>
    %mul3A_543 = vector.broadcast %get3A_537 : f32 to vector<128x128xf32>
    %mul3A_544 = arith.mulf %mul3A_543, %get3A_542 : vector<128x128xf32>
    %get3A_545 = arith.constant 11 : index
    %get3A_546 = arith.constant 1 : index
    %get3A_547 = memref.load %arg1[%get3A_545, %get3A_546] : memref<16x4xf32, #tpu.memory_space<smem>>
    %get3A_548 = arith.constant 1 : index
    %get3A_549 = arith.constant 0 : index
    %get3A_550 = arith.constant 0 : index
    %get3A_551 = vector.load %arg2[%get3A_548, %get3A_549, %get3A_550] : memref<4x128x128xf32, #tpu.memory_space<vmem>>, vector<1x128x128xf32>
    %get3A_552 = vector.shape_cast %get3A_551 : vector<1x128x128xf32> to vector<128x128xf32>
    %mul3A_553 = vector.broadcast %get3A_547 : f32 to vector<128x128xf32>
    %mul3A_554 = arith.mulf %mul3A_553, %get3A_552 : vector<128x128xf32>
    %add3A_555 = arith.addf %mul3A_544, %mul3A_554 : vector<128x128xf32>
    %get3A_556 = arith.constant 11 : index
    %get3A_557 = arith.constant 2 : index
    %get3A_558 = memref.load %arg1[%get3A_556, %get3A_557] : memref<16x4xf32, #tpu.memory_space<smem>>
    %get3A_559 = arith.constant 2 : index
    %get3A_560 = arith.constant 0 : index
    %get3A_561 = arith.constant 0 : index
    %get3A_562 = vector.load %arg2[%get3A_559, %get3A_560, %get3A_561] : memref<4x128x128xf32, #tpu.memory_space<vmem>>, vector<1x128x128xf32>
    %get3A_563 = vector.shape_cast %get3A_562 : vector<1x128x128xf32> to vector<128x128xf32>
    %mul3A_564 = vector.broadcast %get3A_558 : f32 to vector<128x128xf32>
    %mul3A_565 = arith.mulf %mul3A_564, %get3A_563 : vector<128x128xf32>
    %add3A_566 = arith.addf %add3A_555, %mul3A_565 : vector<128x128xf32>
    %get3A_567 = arith.constant 11 : index
    %get3A_568 = arith.constant 3 : index
    %get3A_569 = memref.load %arg1[%get3A_567, %get3A_568] : memref<16x4xf32, #tpu.memory_space<smem>>
    %get3A_570 = arith.constant 3 : index
    %get3A_571 = arith.constant 0 : index
    %get3A_572 = arith.constant 0 : index
    %get3A_573 = vector.load %arg2[%get3A_570, %get3A_571, %get3A_572] : memref<4x128x128xf32, #tpu.memory_space<vmem>>, vector<1x128x128xf32>
    %get3A_574 = vector.shape_cast %get3A_573 : vector<1x128x128xf32> to vector<128x128xf32>
    %mul3A_575 = vector.broadcast %get3A_569 : f32 to vector<128x128xf32>
    %mul3A_576 = arith.mulf %mul3A_575, %get3A_574 : vector<128x128xf32>
    %add3A_577 = arith.addf %add3A_566, %mul3A_576 : vector<128x128xf32>
    %swap3A_578 = arith.constant 0 : index
    %swap3A_579 = arith.constant 11 : index
    %swap3A_580 = arith.constant 0 : index
    %swap3A_581 = vector.load %arg3[%swap3A_578, %swap3A_579, %swap3A_580] : memref<128x16x128xf32, #tpu.memory_space<vmem>>, vector<128x1x128xf32>
    %swap3A_582 = vector.shape_cast %swap3A_581 : vector<128x1x128xf32> to vector<128x128xf32>
    %swap3A_583 = vector.shape_cast %add3A_577 : vector<128x128xf32> to vector<128x1x128xf32>
    tpu.vector_store %arg3[%swap3A_578, %swap3A_579, %swap3A_580], %swap3A_583 {strides = array<i32>} : memref<128x16x128xf32, #tpu.memory_space<vmem>>, vector<128x1x128xf32>,
    %get3A_584 = arith.constant 12 : index
    %get3A_585 = arith.constant 0 : index
    %get3A_586 = memref.load %arg1[%get3A_584, %get3A_585] : memref<16x4xf32, #tpu.memory_space<smem>>
    %get3A_587 = arith.constant 0 : index
    %get3A_588 = arith.constant 0 : index
    %get3A_589 = arith.constant 0 : index
    %get3A_590 = vector.load %arg2[%get3A_587, %get3A_588, %get3A_589] : memref<4x128x128xf32, #tpu.memory_space<vmem>>, vector<1x128x128xf32>
    %get3A_591 = vector.shape_cast %get3A_590 : vector<1x128x128xf32> to vector<128x128xf32>
    %mul3A_592 = vector.broadcast %get3A_586 : f32 to vector<128x128xf32>
    %mul3A_593 = arith.mulf %mul3A_592, %get3A_591 : vector<128x128xf32>
    %get3A_594 = arith.constant 12 : index
    %get3A_595 = arith.constant 1 : index
    %get3A_596 = memref.load %arg1[%get3A_594, %get3A_595] : memref<16x4xf32, #tpu.memory_space<smem>>
    %get3A_597 = arith.constant 1 : index
    %get3A_598 = arith.constant 0 : index
    %get3A_599 = arith.constant 0 : index
    %get3A_600 = vector.load %arg2[%get3A_597, %get3A_598, %get3A_599] : memref<4x128x128xf32, #tpu.memory_space<vmem>>, vector<1x128x128xf32>
    %get3A_601 = vector.shape_cast %get3A_600 : vector<1x128x128xf32> to vector<128x128xf32>
    %mul3A_602 = vector.broadcast %get3A_596 : f32 to vector<128x128xf32>
    %mul3A_603 = arith.mulf %mul3A_602, %get3A_601 : vector<128x128xf32>
    %add3A_604 = arith.addf %mul3A_593, %mul3A_603 : vector<128x128xf32>
    %get3A_605 = arith.constant 12 : index
    %get3A_606 = arith.constant 2 : index
    %get3A_607 = memref.load %arg1[%get3A_605, %get3A_606] : memref<16x4xf32, #tpu.memory_space<smem>>
    %get3A_608 = arith.constant 2 : index
    %get3A_609 = arith.constant 0 : index
    %get3A_610 = arith.constant 0 : index
    %get3A_611 = vector.load %arg2[%get3A_608, %get3A_609, %get3A_610] : memref<4x128x128xf32, #tpu.memory_space<vmem>>, vector<1x128x128xf32>
    %get3A_612 = vector.shape_cast %get3A_611 : vector<1x128x128xf32> to vector<128x128xf32>
    %mul3A_613 = vector.broadcast %get3A_607 : f32 to vector<128x128xf32>
    %mul3A_614 = arith.mulf %mul3A_613, %get3A_612 : vector<128x128xf32>
    %add3A_615 = arith.addf %add3A_604, %mul3A_614 : vector<128x128xf32>
    %get3A_616 = arith.constant 12 : index
    %get3A_617 = arith.constant 3 : index
    %get3A_618 = memref.load %arg1[%get3A_616, %get3A_617] : memref<16x4xf32, #tpu.memory_space<smem>>
    %get3A_619 = arith.constant 3 : index
    %get3A_620 = arith.constant 0 : index
    %get3A_621 = arith.constant 0 : index
    %get3A_622 = vector.load %arg2[%get3A_619, %get3A_620, %get3A_621] : memref<4x128x128xf32, #tpu.memory_space<vmem>>, vector<1x128x128xf32>
    %get3A_623 = vector.shape_cast %get3A_622 : vector<1x128x128xf32> to vector<128x128xf32>
    %mul3A_624 = vector.broadcast %get3A_618 : f32 to vector<128x128xf32>
    %mul3A_625 = arith.mulf %mul3A_624, %get3A_623 : vector<128x128xf32>
    %add3A_626 = arith.addf %add3A_615, %mul3A_625 : vector<128x128xf32>
    %swap3A_627 = arith.constant 0 : index
    %swap3A_628 = arith.constant 12 : index
    %swap3A_629 = arith.constant 0 : index
    %swap3A_630 = vector.load %arg3[%swap3A_627, %swap3A_628, %swap3A_629] : memref<128x16x128xf32, #tpu.memory_space<vmem>>, vector<128x1x128xf32>
    %swap3A_631 = vector.shape_cast %swap3A_630 : vector<128x1x128xf32> to vector<128x128xf32>
    %swap3A_632 = vector.shape_cast %add3A_626 : vector<128x128xf32> to vector<128x1x128xf32>
    tpu.vector_store %arg3[%swap3A_627, %swap3A_628, %swap3A_629], %swap3A_632 {strides = array<i32>} : memref<128x16x128xf32, #tpu.memory_space<vmem>>, vector<128x1x128xf32>,
    %get3A_633 = arith.constant 13 : index
    %get3A_634 = arith.constant 0 : index
    %get3A_635 = memref.load %arg1[%get3A_633, %get3A_634] : memref<16x4xf32, #tpu.memory_space<smem>>
    %get3A_636 = arith.constant 0 : index
    %get3A_637 = arith.constant 0 : index
    %get3A_638 = arith.constant 0 : index
    %get3A_639 = vector.load %arg2[%get3A_636, %get3A_637, %get3A_638] : memref<4x128x128xf32, #tpu.memory_space<vmem>>, vector<1x128x128xf32>
    %get3A_640 = vector.shape_cast %get3A_639 : vector<1x128x128xf32> to vector<128x128xf32>
    %mul3A_641 = vector.broadcast %get3A_635 : f32 to vector<128x128xf32>
    %mul3A_642 = arith.mulf %mul3A_641, %get3A_640 : vector<128x128xf32>
    %get3A_643 = arith.constant 13 : index
    %get3A_644 = arith.constant 1 : index
    %get3A_645 = memref.load %arg1[%get3A_643, %get3A_644] : memref<16x4xf32, #tpu.memory_space<smem>>
    %get3A_646 = arith.constant 1 : index
    %get3A_647 = arith.constant 0 : index
    %get3A_648 = arith.constant 0 : index
    %get3A_649 = vector.load %arg2[%get3A_646, %get3A_647, %get3A_648] : memref<4x128x128xf32, #tpu.memory_space<vmem>>, vector<1x128x128xf32>
    %get3A_650 = vector.shape_cast %get3A_649 : vector<1x128x128xf32> to vector<128x128xf32>
    %mul3A_651 = vector.broadcast %get3A_645 : f32 to vector<128x128xf32>
    %mul3A_652 = arith.mulf %mul3A_651, %get3A_650 : vector<128x128xf32>
    %add3A_653 = arith.addf %mul3A_642, %mul3A_652 : vector<128x128xf32>
    %get3A_654 = arith.constant 13 : index
    %get3A_655 = arith.constant 2 : index
    %get3A_656 = memref.load %arg1[%get3A_654, %get3A_655] : memref<16x4xf32, #tpu.memory_space<smem>>
    %get3A_657 = arith.constant 2 : index
    %get3A_658 = arith.constant 0 : index
    %get3A_659 = arith.constant 0 : index
    %get3A_660 = vector.load %arg2[%get3A_657, %get3A_658, %get3A_659] : memref<4x128x128xf32, #tpu.memory_space<vmem>>, vector<1x128x128xf32>
    %get3A_661 = vector.shape_cast %get3A_660 : vector<1x128x128xf32> to vector<128x128xf32>
    %mul3A_662 = vector.broadcast %get3A_656 : f32 to vector<128x128xf32>
    %mul3A_663 = arith.mulf %mul3A_662, %get3A_661 : vector<128x128xf32>
    %add3A_664 = arith.addf %add3A_653, %mul3A_663 : vector<128x128xf32>
    %get3A_665 = arith.constant 13 : index
    %get3A_666 = arith.constant 3 : index
    %get3A_667 = memref.load %arg1[%get3A_665, %get3A_666] : memref<16x4xf32, #tpu.memory_space<smem>>
    %get3A_668 = arith.constant 3 : index
    %get3A_669 = arith.constant 0 : index
    %get3A_670 = arith.constant 0 : index
    %get3A_671 = vector.load %arg2[%get3A_668, %get3A_669, %get3A_670] : memref<4x128x128xf32, #tpu.memory_space<vmem>>, vector<1x128x128xf32>
    %get3A_672 = vector.shape_cast %get3A_671 : vector<1x128x128xf32> to vector<128x128xf32>
    %mul3A_673 = vector.broadcast %get3A_667 : f32 to vector<128x128xf32>
    %mul3A_674 = arith.mulf %mul3A_673, %get3A_672 : vector<128x128xf32>
    %add3A_675 = arith.addf %add3A_664, %mul3A_674 : vector<128x128xf32>
    %swap3A_676 = arith.constant 0 : index
    %swap3A_677 = arith.constant 13 : index
    %swap3A_678 = arith.constant 0 : index
    %swap3A_679 = vector.load %arg3[%swap3A_676, %swap3A_677, %swap3A_678] : memref<128x16x128xf32, #tpu.memory_space<vmem>>, vector<128x1x128xf32>
    %swap3A_680 = vector.shape_cast %swap3A_679 : vector<128x1x128xf32> to vector<128x128xf32>
    %swap3A_681 = vector.shape_cast %add3A_675 : vector<128x128xf32> to vector<128x1x128xf32>
    tpu.vector_store %arg3[%swap3A_676, %swap3A_677, %swap3A_678], %swap3A_681 {strides = array<i32>} : memref<128x16x128xf32, #tpu.memory_space<vmem>>, vector<128x1x128xf32>,
    %get3A_682 = arith.constant 14 : index
    %get3A_683 = arith.constant 0 : index
    %get3A_684 = memref.load %arg1[%get3A_682, %get3A_683] : memref<16x4xf32, #tpu.memory_space<smem>>
    %get3A_685 = arith.constant 0 : index
    %get3A_686 = arith.constant 0 : index
    %get3A_687 = arith.constant 0 : index
    %get3A_688 = vector.load %arg2[%get3A_685, %get3A_686, %get3A_687] : memref<4x128x128xf32, #tpu.memory_space<vmem>>, vector<1x128x128xf32>
    %get3A_689 = vector.shape_cast %get3A_688 : vector<1x128x128xf32> to vector<128x128xf32>
    %mul3A_690 = vector.broadcast %get3A_684 : f32 to vector<128x128xf32>
    %mul3A_691 = arith.mulf %mul3A_690, %get3A_689 : vector<128x128xf32>
    %get3A_692 = arith.constant 14 : index
    %get3A_693 = arith.constant 1 : index
    %get3A_694 = memref.load %arg1[%get3A_692, %get3A_693] : memref<16x4xf32, #tpu.memory_space<smem>>
    %get3A_695 = arith.constant 1 : index
    %get3A_696 = arith.constant 0 : index
    %get3A_697 = arith.constant 0 : index
    %get3A_698 = vector.load %arg2[%get3A_695, %get3A_696, %get3A_697] : memref<4x128x128xf32, #tpu.memory_space<vmem>>, vector<1x128x128xf32>
    %get3A_699 = vector.shape_cast %get3A_698 : vector<1x128x128xf32> to vector<128x128xf32>
    %mul3A_700 = vector.broadcast %get3A_694 : f32 to vector<128x128xf32>
    %mul3A_701 = arith.mulf %mul3A_700, %get3A_699 : vector<128x128xf32>
    %add3A_702 = arith.addf %mul3A_691, %mul3A_701 : vector<128x128xf32>
    %get3A_703 = arith.constant 14 : index
    %get3A_704 = arith.constant 2 : index
    %get3A_705 = memref.load %arg1[%get3A_703, %get3A_704] : memref<16x4xf32, #tpu.memory_space<smem>>
    %get3A_706 = arith.constant 2 : index
    %get3A_707 = arith.constant 0 : index
    %get3A_708 = arith.constant 0 : index
    %get3A_709 = vector.load %arg2[%get3A_706, %get3A_707, %get3A_708] : memref<4x128x128xf32, #tpu.memory_space<vmem>>, vector<1x128x128xf32>
    %get3A_710 = vector.shape_cast %get3A_709 : vector<1x128x128xf32> to vector<128x128xf32>
    %mul3A_711 = vector.broadcast %get3A_705 : f32 to vector<128x128xf32>
    %mul3A_712 = arith.mulf %mul3A_711, %get3A_710 : vector<128x128xf32>
    %add3A_713 = arith.addf %add3A_702, %mul3A_712 : vector<128x128xf32>
    %get3A_714 = arith.constant 14 : index
    %get3A_715 = arith.constant 3 : index
    %get3A_716 = memref.load %arg1[%get3A_714, %get3A_715] : memref<16x4xf32, #tpu.memory_space<smem>>
    %get3A_717 = arith.constant 3 : index
    %get3A_718 = arith.constant 0 : index
    %get3A_719 = arith.constant 0 : index
    %get3A_720 = vector.load %arg2[%get3A_717, %get3A_718, %get3A_719] : memref<4x128x128xf32, #tpu.memory_space<vmem>>, vector<1x128x128xf32>
    %get3A_721 = vector.shape_cast %get3A_720 : vector<1x128x128xf32> to vector<128x128xf32>
    %mul3A_722 = vector.broadcast %get3A_716 : f32 to vector<128x128xf32>
    %mul3A_723 = arith.mulf %mul3A_722, %get3A_721 : vector<128x128xf32>
    %add3A_724 = arith.addf %add3A_713, %mul3A_723 : vector<128x128xf32>
    %swap3A_725 = arith.constant 0 : index
    %swap3A_726 = arith.constant 14 : index
    %swap3A_727 = arith.constant 0 : index
    %swap3A_728 = vector.load %arg3[%swap3A_725, %swap3A_726, %swap3A_727] : memref<128x16x128xf32, #tpu.memory_space<vmem>>, vector<128x1x128xf32>
    %swap3A_729 = vector.shape_cast %swap3A_728 : vector<128x1x128xf32> to vector<128x128xf32>
    %swap3A_730 = vector.shape_cast %add3A_724 : vector<128x128xf32> to vector<128x1x128xf32>
    tpu.vector_store %arg3[%swap3A_725, %swap3A_726, %swap3A_727], %swap3A_730 {strides = array<i32>} : memref<128x16x128xf32, #tpu.memory_space<vmem>>, vector<128x1x128xf32>,
    %get3A_731 = arith.constant 15 : index
    %get3A_732 = arith.constant 0 : index
    %get3A_733 = memref.load %arg1[%get3A_731, %get3A_732] : memref<16x4xf32, #tpu.memory_space<smem>>
    %get3A_734 = arith.constant 0 : index
    %get3A_735 = arith.constant 0 : index
    %get3A_736 = arith.constant 0 : index
    %get3A_737 = vector.load %arg2[%get3A_734, %get3A_735, %get3A_736] : memref<4x128x128xf32, #tpu.memory_space<vmem>>, vector<1x128x128xf32>
    %get3A_738 = vector.shape_cast %get3A_737 : vector<1x128x128xf32> to vector<128x128xf32>
    %mul3A_739 = vector.broadcast %get3A_733 : f32 to vector<128x128xf32>
    %mul3A_740 = arith.mulf %mul3A_739, %get3A_738 : vector<128x128xf32>
    %get3A_741 = arith.constant 15 : index
    %get3A_742 = arith.constant 1 : index
    %get3A_743 = memref.load %arg1[%get3A_741, %get3A_742] : memref<16x4xf32, #tpu.memory_space<smem>>
    %get3A_744 = arith.constant 1 : index
    %get3A_745 = arith.constant 0 : index
    %get3A_746 = arith.constant 0 : index
    %get3A_747 = vector.load %arg2[%get3A_744, %get3A_745, %get3A_746] : memref<4x128x128xf32, #tpu.memory_space<vmem>>, vector<1x128x128xf32>
    %get3A_748 = vector.shape_cast %get3A_747 : vector<1x128x128xf32> to vector<128x128xf32>
    %mul3A_749 = vector.broadcast %get3A_743 : f32 to vector<128x128xf32>
    %mul3A_750 = arith.mulf %mul3A_749, %get3A_748 : vector<128x128xf32>
    %add3A_751 = arith.addf %mul3A_740, %mul3A_750 : vector<128x128xf32>
    %get3A_752 = arith.constant 15 : index
    %get3A_753 = arith.constant 2 : index
    %get3A_754 = memref.load %arg1[%get3A_752, %get3A_753] : memref<16x4xf32, #tpu.memory_space<smem>>
    %get3A_755 = arith.constant 2 : index
    %get3A_756 = arith.constant 0 : index
    %get3A_757 = arith.constant 0 : index
    %get3A_758 = vector.load %arg2[%get3A_755, %get3A_756, %get3A_757] : memref<4x128x128xf32, #tpu.memory_space<vmem>>, vector<1x128x128xf32>
    %get3A_759 = vector.shape_cast %get3A_758 : vector<1x128x128xf32> to vector<128x128xf32>
    %mul3A_760 = vector.broadcast %get3A_754 : f32 to vector<128x128xf32>
    %mul3A_761 = arith.mulf %mul3A_760, %get3A_759 : vector<128x128xf32>
    %add3A_762 = arith.addf %add3A_751, %mul3A_761 : vector<128x128xf32>
    %get3A_763 = arith.constant 15 : index
    %get3A_764 = arith.constant 3 : index
    %get3A_765 = memref.load %arg1[%get3A_763, %get3A_764] : memref<16x4xf32, #tpu.memory_space<smem>>
    %get3A_766 = arith.constant 3 : index
    %get3A_767 = arith.constant 0 : index
    %get3A_768 = arith.constant 0 : index
    %get3A_769 = vector.load %arg2[%get3A_766, %get3A_767, %get3A_768] : memref<4x128x128xf32, #tpu.memory_space<vmem>>, vector<1x128x128xf32>
    %get3A_770 = vector.shape_cast %get3A_769 : vector<1x128x128xf32> to vector<128x128xf32>
    %mul3A_771 = vector.broadcast %get3A_765 : f32 to vector<128x128xf32>
    %mul3A_772 = arith.mulf %mul3A_771, %get3A_770 : vector<128x128xf32>
    %add3A_773 = arith.addf %add3A_762, %mul3A_772 : vector<128x128xf32>
    %swap3A_774 = arith.constant 0 : index
    %swap3A_775 = arith.constant 15 : index
    %swap3A_776 = arith.constant 0 : index
    %swap3A_777 = vector.load %arg3[%swap3A_774, %swap3A_775, %swap3A_776] : memref<128x16x128xf32, #tpu.memory_space<vmem>>, vector<128x1x128xf32>
    %swap3A_778 = vector.shape_cast %swap3A_777 : vector<128x1x128xf32> to vector<128x128xf32>
    %swap3A_779 = vector.shape_cast %add3A_773 : vector<128x128xf32> to vector<128x1x128xf32>
    tpu.vector_store %arg3[%swap3A_774, %swap3A_775, %swap3A_776], %swap3A_779 {strides = array<i32>} : memref<128x16x128xf32, #tpu.memory_space<vmem>>, vector<128x1x128xf32>,
    return
  }
  func.func @transform_0(%arg0: i32) -> (i32, i32) {
    %c0_i32 = arith.constant 0 : i32
    %c0_i32_0 = arith.constant 0 : i32
    %c0_i32_1 = arith.constant 0 : i32
    return %c0_i32, %c0_i32_0 : i32, i32
  }
  func.func @transform_1(%arg0: i32) -> (i32, i32, i32) {
    %c0_i32 = arith.constant 0 : i32
    %c0_i32_0 = arith.constant 0 : i32
    %c0_i32_1 = arith.constant 0 : i32
    %c0_i32_2 = arith.constant 0 : i32
    return %c0_i32, %c0_i32_0, %c0_i32_1 : i32, i32, i32
  }
  func.func @transform_2(%arg0: i32) -> (i32, i32, i32) {
    %c0_i32 = arith.constant 0 : i32
    %c0_i32_0 = arith.constant 0 : i32
    %c0_i32_1 = arith.constant 0 : i32
    %c0_i32_2 = arith.constant 0 : i32
    return %c0_i32, %c0_i32_0, %c0_i32_1 : i32, i32, i32
  }
}

module attributes {stable_mosaic.version = 14 : i64} {
  func.func @_y_body(%arg0: i32, %arg1: memref<1000x128xf32, #tpu.memory_space<vmem>>, %arg2: memref<128x2048xf32, #tpu.memory_space<vmem>>, %arg3: memref<1000x2048xf32, #tpu.memory_space<vmem>>) attributes {dimension_semantics = [#tpu.dimension_semantics<arbitrary>], iteration_bounds = array<i64: 10>, scalar_prefetch = 0 : i64, scratch_operands = 0 : i64, tpu.core_type = #tpu.core_type<tc>, window_params = [{transform_indices = @transform_0, window_bounds = array<i64: 1000, 128>}, {pipeline_mode = #tpu.pipeline_mode<synchronous>, transform_indices = @transform_1, window_bounds = array<i64: 128, 2048>}, {transform_indices = @transform_2, window_bounds = array<i64: 1000, 2048>}]} {
    %get3A = arith.constant 0 : index
    %get3A_0 = arith.constant 0 : index
    %get3A_1 = vector.load %arg1[%get3A, %get3A_0] : memref<1000x128xf32, #tpu.memory_space<vmem>>, vector<1000x128xf32>
    %get3A_2 = arith.constant 0 : index
    %get3A_3 = arith.constant 0 : index
    %get3A_4 = vector.load %arg2[%get3A_2, %get3A_3] : memref<128x2048xf32, #tpu.memory_space<vmem>>, vector<128x2048xf32>
    %dot_general3A = arith.constant dense<0.000000e+00> : vector<1000x2048xf32>
    %dot_general3A_5 = tpu.matmul %get3A_1, %get3A_4, %dot_general3A {dimension_numbers = #tpu.dot_dimension_numbers<[1], [0], [0], [1], [0, 0, 1, 1], [], []>, transpose_lhs_hint = false} : vector<1000x128xf32>, vector<128x2048xf32>, vector<1000x2048xf32> -> vector<1000x2048xf32>
    %swap3A = arith.constant 0 : index
    %swap3A_6 = arith.constant 0 : index
    %swap3A_7 = vector.load %arg3[%swap3A, %swap3A_6] : memref<1000x2048xf32, #tpu.memory_space<vmem>>, vector<1000x2048xf32>
    tpu.vector_store %arg3[%swap3A, %swap3A_6], %dot_general3A_5 {strides = array<i32>} : memref<1000x2048xf32, #tpu.memory_space<vmem>>, vector<1000x2048xf32>,
    return
  }
  func.func @transform_0(%arg0: i32) -> (i32, i32) {
    %c0_i32 = arith.constant 0 : i32
    %c0_i32_0 = arith.constant 0 : i32
    return %arg0, %c0_i32 : i32, i32
  }
  func.func @transform_1(%arg0: i32) -> (i32, i32) {
    %c0_i32 = arith.constant 0 : i32
    %c0_i32_0 = arith.constant 0 : i32
    %c0_i32_1 = arith.constant 0 : i32
    return %c0_i32, %c0_i32_0 : i32, i32
  }
  func.func @transform_2(%arg0: i32) -> (i32, i32) {
    %c0_i32 = arith.constant 0 : i32
    %c0_i32_0 = arith.constant 0 : i32
    return %arg0, %c0_i32 : i32, i32
  }
}

module attributes {stable_mosaic.version = 14 : i64} {
  func.func @_ep_body(%arg0: i32, %arg1: memref<400x128xf32, #tpu.memory_space<vmem>>, %arg2: memref<400x128xf32, #tpu.memory_space<vmem>>, %arg3: memref<400x128xf32, #tpu.memory_space<vmem>>, %arg4: memref<128x128xf32, #tpu.memory_space<vmem>>, %arg5: memref<1x128xf32, #tpu.memory_space<vmem>>, %arg6: memref<1x128xf32, #tpu.memory_space<vmem>>, %arg7: memref<1x1xf32, #tpu.memory_space<smem>>, %arg8: memref<400x128xf32, #tpu.memory_space<vmem>>) attributes {dimension_semantics = [#tpu.dimension_semantics<arbitrary>], iteration_bounds = array<i64: 25>, scalar_prefetch = 0 : i64, scratch_operands = 0 : i64, tpu.core_type = #tpu.core_type<tc>, window_params = [{transform_indices = @transform_0, window_bounds = array<i64: 400, 128>}, {transform_indices = @transform_1, window_bounds = array<i64: 400, 128>}, {transform_indices = @transform_2, window_bounds = array<i64: 400, 128>}, {pipeline_mode = #tpu.pipeline_mode<synchronous>, transform_indices = @transform_3, window_bounds = array<i64: 128, 128>}, {pipeline_mode = #tpu.pipeline_mode<synchronous>, transform_indices = @transform_4, window_bounds = array<i64: 1, 128>}, {pipeline_mode = #tpu.pipeline_mode<synchronous>, transform_indices = @transform_5, window_bounds = array<i64: 1, 128>}, {transform_indices = @transform_6, window_bounds = array<i64: 1, 1>}, {transform_indices = @transform_7, window_bounds = array<i64: 400, 128>}]} {
    %get3A = arith.constant 0 : index
    %get3A_0 = arith.constant 0 : index
    %get3A_1 = vector.load %arg1[%get3A, %get3A_0] : memref<400x128xf32, #tpu.memory_space<vmem>>, vector<400x128xf32>
    %get3A_2 = arith.constant 0 : index
    %get3A_3 = arith.constant 0 : index
    %get3A_4 = vector.load %arg2[%get3A_2, %get3A_3] : memref<400x128xf32, #tpu.memory_space<vmem>>, vector<400x128xf32>
    %get3A_5 = arith.constant 0 : index
    %get3A_6 = arith.constant 0 : index
    %get3A_7 = vector.load %arg3[%get3A_5, %get3A_6] : memref<400x128xf32, #tpu.memory_space<vmem>>, vector<400x128xf32>
    %add3A = arith.addf %get3A_4, %get3A_7 : vector<400x128xf32>
    %get3A_8 = arith.constant 0 : index
    %get3A_9 = arith.constant 0 : index
    %get3A_10 = vector.load %arg4[%get3A_8, %get3A_9] : memref<128x128xf32, #tpu.memory_space<vmem>>, vector<128x128xf32>
    %dot_general3A = arith.constant dense<0.000000e+00> : vector<400x128xf32>
    %dot_general3A_11 = tpu.matmul %get3A_1, %get3A_10, %dot_general3A {dimension_numbers = #tpu.dot_dimension_numbers<[1], [0], [0], [1], [0, 0, 1, 1], [], []>, transpose_lhs_hint = false} : vector<400x128xf32>, vector<128x128xf32>, vector<400x128xf32> -> vector<400x128xf32>
    %add3A_12 = arith.addf %add3A, %dot_general3A_11 : vector<400x128xf32>
    %reduce_sum3A = arith.constant dense<0.000000e+00> : vector<400xf32>
    %reduce_sum3A_13 = vector.multi_reduction <add>, %add3A_12, %reduce_sum3A [1] : vector<400x128xf32> to vector<400xf32>
    %broadcast_in_dim3A = vector.shape_cast %reduce_sum3A_13 : vector<400xf32> to vector<400x1xf32>
    %div3A = arith.constant 1.280000e+02 : f32
    %div3A_14 = vector.broadcast %div3A : f32 to vector<400x1xf32>
    %div3A_15 = arith.divf %broadcast_in_dim3A, %div3A_14 : vector<400x1xf32>
    %sub3A = vector.broadcast %div3A_15 : vector<400x1xf32> to vector<400x128xf32>
    %sub3A_16 = arith.subf %add3A_12, %sub3A : vector<400x128xf32>
    %integer_pow3A = arith.mulf %sub3A_16, %sub3A_16 : vector<400x128xf32>
    %reduce_sum3A_17 = arith.constant dense<0.000000e+00> : vector<400xf32>
    %reduce_sum3A_18 = vector.multi_reduction <add>, %integer_pow3A, %reduce_sum3A_17 [1] : vector<400x128xf32> to vector<400xf32>
    %broadcast_in_dim3A_19 = vector.shape_cast %reduce_sum3A_18 : vector<400xf32> to vector<400x1xf32>
    %div3A_20 = arith.constant 1.280000e+02 : f32
    %div3A_21 = vector.broadcast %div3A_20 : f32 to vector<400x1xf32>
    %div3A_22 = arith.divf %broadcast_in_dim3A_19, %div3A_21 : vector<400x1xf32>
    %sub3A_23 = vector.broadcast %div3A_15 : vector<400x1xf32> to vector<400x128xf32>
    %sub3A_24 = arith.subf %add3A_12, %sub3A_23 : vector<400x128xf32>
    %add3A_25 = arith.constant 9.99999974E-6 : f32
    %add3A_26 = vector.broadcast %add3A_25 : f32 to vector<400x1xf32>
    %add3A_27 = arith.addf %div3A_22, %add3A_26 : vector<400x1xf32>
    %sqrt3A = math.sqrt %add3A_27 : vector<400x1xf32>
    %div3A_28 = vector.broadcast %sqrt3A : vector<400x1xf32> to vector<400x128xf32>
    %div3A_29 = arith.divf %sub3A_24, %div3A_28 : vector<400x128xf32>
    %get3A_30 = arith.constant 0 : index
    %get3A_31 = arith.constant 0 : index
    %get3A_32 = vector.load %arg5[%get3A_30, %get3A_31] : memref<1x128xf32, #tpu.memory_space<vmem>>, vector<1x128xf32>
    %mul3A = vector.broadcast %get3A_32 : vector<1x128xf32> to vector<400x128xf32>
    %mul3A_33 = arith.mulf %div3A_29, %mul3A : vector<400x128xf32>
    %get3A_34 = arith.constant 0 : index
    %get3A_35 = arith.constant 0 : index
    %get3A_36 = vector.load %arg6[%get3A_34, %get3A_35] : memref<1x128xf32, #tpu.memory_space<vmem>>, vector<1x128xf32>
    %add3A_37 = vector.broadcast %get3A_36 : vector<1x128xf32> to vector<400x128xf32>
    %add3A_38 = arith.addf %mul3A_33, %add3A_37 : vector<400x128xf32>
    %max3A = arith.constant 0.000000e+00 : f32
    %max3A_39 = vector.broadcast %max3A : f32 to vector<400x128xf32>
    %max3A_40 = arith.maximumf %add3A_38, %max3A_39 : vector<400x128xf32>
    %swap3A = arith.constant 0 : index
    %swap3A_41 = arith.constant 0 : index
    %swap3A_42 = vector.load %arg8[%swap3A, %swap3A_41] : memref<400x128xf32, #tpu.memory_space<vmem>>, vector<400x128xf32>
    tpu.vector_store %arg8[%swap3A, %swap3A_41], %max3A_40 {strides = array<i32>} : memref<400x128xf32, #tpu.memory_space<vmem>>, vector<400x128xf32>,
    return
  }
  func.func @transform_0(%arg0: i32) -> (i32, i32) {
    %c0_i32 = arith.constant 0 : i32
    %c0_i32_0 = arith.constant 0 : i32
    return %arg0, %c0_i32 : i32, i32
  }
  func.func @transform_1(%arg0: i32) -> (i32, i32) {
    %c0_i32 = arith.constant 0 : i32
    %c0_i32_0 = arith.constant 0 : i32
    return %arg0, %c0_i32 : i32, i32
  }
  func.func @transform_2(%arg0: i32) -> (i32, i32) {
    %c0_i32 = arith.constant 0 : i32
    %c0_i32_0 = arith.constant 0 : i32
    return %arg0, %c0_i32 : i32, i32
  }
  func.func @transform_3(%arg0: i32) -> (i32, i32) {
    %c0_i32 = arith.constant 0 : i32
    %c0_i32_0 = arith.constant 0 : i32
    %c0_i32_1 = arith.constant 0 : i32
    return %c0_i32, %c0_i32_0 : i32, i32
  }
  func.func @transform_4(%arg0: i32) -> (i32, i32) {
    %c0_i32 = arith.constant 0 : i32
    %c0_i32_0 = arith.constant 0 : i32
    %c0_i32_1 = arith.constant 0 : i32
    return %c0_i32, %c0_i32_0 : i32, i32
  }
  func.func @transform_5(%arg0: i32) -> (i32, i32) {
    %c0_i32 = arith.constant 0 : i32
    %c0_i32_0 = arith.constant 0 : i32
    %c0_i32_1 = arith.constant 0 : i32
    return %c0_i32, %c0_i32_0 : i32, i32
  }
  func.func @transform_6(%arg0: i32) -> (i32, i32) {
    %c0_i32 = arith.constant 0 : i32
    %c0_i32_0 = arith.constant 0 : i32
    %c0_i32_1 = arith.constant 0 : i32
    return %c0_i32, %c0_i32_0 : i32, i32
  }
  func.func @transform_7(%arg0: i32) -> (i32, i32) {
    %c0_i32 = arith.constant 0 : i32
    %c0_i32_0 = arith.constant 0 : i32
    return %arg0, %c0_i32 : i32, i32
  }
}

module attributes {stable_mosaic.version = 14 : i64} {
  func.func @_ep_body(%arg0: i32, %arg1: memref<400x128xf32, #tpu.memory_space<vmem>>, %arg2: memref<400x128xf32, #tpu.memory_space<vmem>>, %arg3: memref<400x128xf32, #tpu.memory_space<vmem>>, %arg4: memref<128x128xf32, #tpu.memory_space<vmem>>, %arg5: memref<1x128xf32, #tpu.memory_space<vmem>>, %arg6: memref<1x128xf32, #tpu.memory_space<vmem>>, %arg7: memref<1x1xf32, #tpu.memory_space<smem>>, %arg8: memref<400x128xf32, #tpu.memory_space<vmem>>) attributes {dimension_semantics = [#tpu.dimension_semantics<arbitrary>], iteration_bounds = array<i64: 25>, scalar_prefetch = 0 : i64, scratch_operands = 0 : i64, tpu.core_type = #tpu.core_type<tc>, window_params = [{transform_indices = @transform_0, window_bounds = array<i64: 400, 128>}, {transform_indices = @transform_1, window_bounds = array<i64: 400, 128>}, {transform_indices = @transform_2, window_bounds = array<i64: 400, 128>}, {pipeline_mode = #tpu.pipeline_mode<synchronous>, transform_indices = @transform_3, window_bounds = array<i64: 128, 128>}, {pipeline_mode = #tpu.pipeline_mode<synchronous>, transform_indices = @transform_4, window_bounds = array<i64: 1, 128>}, {pipeline_mode = #tpu.pipeline_mode<synchronous>, transform_indices = @transform_5, window_bounds = array<i64: 1, 128>}, {transform_indices = @transform_6, window_bounds = array<i64: 1, 1>}, {transform_indices = @transform_7, window_bounds = array<i64: 400, 128>}]} {
    %get3A = arith.constant 0 : index
    %get3A_0 = arith.constant 0 : index
    %get3A_1 = vector.load %arg1[%get3A, %get3A_0] : memref<400x128xf32, #tpu.memory_space<vmem>>, vector<400x128xf32>
    %get3A_2 = arith.constant 0 : index
    %get3A_3 = arith.constant 0 : index
    %get3A_4 = vector.load %arg2[%get3A_2, %get3A_3] : memref<400x128xf32, #tpu.memory_space<vmem>>, vector<400x128xf32>
    %get3A_5 = arith.constant 0 : index
    %get3A_6 = arith.constant 0 : index
    %get3A_7 = vector.load %arg3[%get3A_5, %get3A_6] : memref<400x128xf32, #tpu.memory_space<vmem>>, vector<400x128xf32>
    %add3A = arith.addf %get3A_4, %get3A_7 : vector<400x128xf32>
    %get3A_8 = arith.constant 0 : index
    %get3A_9 = arith.constant 0 : index
    %get3A_10 = vector.load %arg4[%get3A_8, %get3A_9] : memref<128x128xf32, #tpu.memory_space<vmem>>, vector<128x128xf32>
    %dot_general3A = arith.constant dense<0.000000e+00> : vector<400x128xf32>
    %dot_general3A_11 = tpu.matmul %get3A_1, %get3A_10, %dot_general3A {dimension_numbers = #tpu.dot_dimension_numbers<[1], [0], [0], [1], [0, 0, 1, 1], [], []>, transpose_lhs_hint = false} : vector<400x128xf32>, vector<128x128xf32>, vector<400x128xf32> -> vector<400x128xf32>
    %add3A_12 = arith.addf %add3A, %dot_general3A_11 : vector<400x128xf32>
    %reduce_sum3A = arith.constant dense<0.000000e+00> : vector<400xf32>
    %reduce_sum3A_13 = vector.multi_reduction <add>, %add3A_12, %reduce_sum3A [1] : vector<400x128xf32> to vector<400xf32>
    %broadcast_in_dim3A = vector.shape_cast %reduce_sum3A_13 : vector<400xf32> to vector<400x1xf32>
    %div3A = arith.constant 1.280000e+02 : f32
    %div3A_14 = vector.broadcast %div3A : f32 to vector<400x1xf32>
    %div3A_15 = arith.divf %broadcast_in_dim3A, %div3A_14 : vector<400x1xf32>
    %sub3A = vector.broadcast %div3A_15 : vector<400x1xf32> to vector<400x128xf32>
    %sub3A_16 = arith.subf %add3A_12, %sub3A : vector<400x128xf32>
    %integer_pow3A = arith.mulf %sub3A_16, %sub3A_16 : vector<400x128xf32>
    %reduce_sum3A_17 = arith.constant dense<0.000000e+00> : vector<400xf32>
    %reduce_sum3A_18 = vector.multi_reduction <add>, %integer_pow3A, %reduce_sum3A_17 [1] : vector<400x128xf32> to vector<400xf32>
    %broadcast_in_dim3A_19 = vector.shape_cast %reduce_sum3A_18 : vector<400xf32> to vector<400x1xf32>
    %div3A_20 = arith.constant 1.280000e+02 : f32
    %div3A_21 = vector.broadcast %div3A_20 : f32 to vector<400x1xf32>
    %div3A_22 = arith.divf %broadcast_in_dim3A_19, %div3A_21 : vector<400x1xf32>
    %sub3A_23 = vector.broadcast %div3A_15 : vector<400x1xf32> to vector<400x128xf32>
    %sub3A_24 = arith.subf %add3A_12, %sub3A_23 : vector<400x128xf32>
    %add3A_25 = arith.constant 9.99999974E-6 : f32
    %add3A_26 = vector.broadcast %add3A_25 : f32 to vector<400x1xf32>
    %add3A_27 = arith.addf %div3A_22, %add3A_26 : vector<400x1xf32>
    %sqrt3A = math.sqrt %add3A_27 : vector<400x1xf32>
    %div3A_28 = vector.broadcast %sqrt3A : vector<400x1xf32> to vector<400x128xf32>
    %div3A_29 = arith.divf %sub3A_24, %div3A_28 : vector<400x128xf32>
    %get3A_30 = arith.constant 0 : index
    %get3A_31 = arith.constant 0 : index
    %get3A_32 = vector.load %arg5[%get3A_30, %get3A_31] : memref<1x128xf32, #tpu.memory_space<vmem>>, vector<1x128xf32>
    %mul3A = vector.broadcast %get3A_32 : vector<1x128xf32> to vector<400x128xf32>
    %mul3A_33 = arith.mulf %div3A_29, %mul3A : vector<400x128xf32>
    %get3A_34 = arith.constant 0 : index
    %get3A_35 = arith.constant 0 : index
    %get3A_36 = vector.load %arg6[%get3A_34, %get3A_35] : memref<1x128xf32, #tpu.memory_space<vmem>>, vector<1x128xf32>
    %add3A_37 = vector.broadcast %get3A_36 : vector<1x128xf32> to vector<400x128xf32>
    %add3A_38 = arith.addf %mul3A_33, %add3A_37 : vector<400x128xf32>
    %get3A_39 = arith.constant 0 : index
    %get3A_40 = arith.constant 0 : index
    %get3A_41 = memref.load %arg7[%get3A_39, %get3A_40] : memref<1x1xf32, #tpu.memory_space<smem>>
    %mul3A_42 = vector.broadcast %get3A_41 : f32 to vector<400x128xf32>
    %mul3A_43 = arith.mulf %mul3A_42, %get3A_1 : vector<400x128xf32>
    %add3A_44 = arith.addf %add3A_38, %mul3A_43 : vector<400x128xf32>
    %swap3A = arith.constant 0 : index
    %swap3A_45 = arith.constant 0 : index
    %swap3A_46 = vector.load %arg8[%swap3A, %swap3A_45] : memref<400x128xf32, #tpu.memory_space<vmem>>, vector<400x128xf32>
    tpu.vector_store %arg8[%swap3A, %swap3A_45], %add3A_44 {strides = array<i32>} : memref<400x128xf32, #tpu.memory_space<vmem>>, vector<400x128xf32>,
    return
  }
  func.func @transform_0(%arg0: i32) -> (i32, i32) {
    %c0_i32 = arith.constant 0 : i32
    %c0_i32_0 = arith.constant 0 : i32
    return %arg0, %c0_i32 : i32, i32
  }
  func.func @transform_1(%arg0: i32) -> (i32, i32) {
    %c0_i32 = arith.constant 0 : i32
    %c0_i32_0 = arith.constant 0 : i32
    return %arg0, %c0_i32 : i32, i32
  }
  func.func @transform_2(%arg0: i32) -> (i32, i32) {
    %c0_i32 = arith.constant 0 : i32
    %c0_i32_0 = arith.constant 0 : i32
    return %arg0, %c0_i32 : i32, i32
  }
  func.func @transform_3(%arg0: i32) -> (i32, i32) {
    %c0_i32 = arith.constant 0 : i32
    %c0_i32_0 = arith.constant 0 : i32
    %c0_i32_1 = arith.constant 0 : i32
    return %c0_i32, %c0_i32_0 : i32, i32
  }
  func.func @transform_4(%arg0: i32) -> (i32, i32) {
    %c0_i32 = arith.constant 0 : i32
    %c0_i32_0 = arith.constant 0 : i32
    %c0_i32_1 = arith.constant 0 : i32
    return %c0_i32, %c0_i32_0 : i32, i32
  }
  func.func @transform_5(%arg0: i32) -> (i32, i32) {
    %c0_i32 = arith.constant 0 : i32
    %c0_i32_0 = arith.constant 0 : i32
    %c0_i32_1 = arith.constant 0 : i32
    return %c0_i32, %c0_i32_0 : i32, i32
  }
  func.func @transform_6(%arg0: i32) -> (i32, i32) {
    %c0_i32 = arith.constant 0 : i32
    %c0_i32_0 = arith.constant 0 : i32
    %c0_i32_1 = arith.constant 0 : i32
    return %c0_i32, %c0_i32_0 : i32, i32
  }
  func.func @transform_7(%arg0: i32) -> (i32, i32) {
    %c0_i32 = arith.constant 0 : i32
    %c0_i32_0 = arith.constant 0 : i32
    return %arg0, %c0_i32 : i32, i32
  }
}

</mosaic_0001>

<sc_bundles>
// kernel: kernel.13.cloned.1.call-start
scs
__scs_entry_jumppad:
0x0: {  	(pc) =	sbr.rel $0x88, $3  }
0x1: {  	(tag) =	ssettag $0x0;
	lr =	simm.s32 $0x1  }
0x2: {  	[smem:$0x3F93] =	sst lr;
	_ =	strace $0xD0000000  }
0x3: {  	_ = 	snop  }
0x4: {  	_ = 	snop  }
0x5: {  	_ = 	snop  }
0x6: {  	_ = 	snop  }
0x7: {  	_ = 	snop  }
__scs_overlays_trampoline_lowered:
0x8: {  	[smem:$0x3FA2] =	sst s0  }
0x9: {  	[smem:$0x3FA3] =	sst s1  }
0xa: {  	[smem:$0x3FA4] =	sst s2  }
0xb: {  	[smem:$0x3FA5] =	sst s3  }
0xc: {  	[smem:$0x3FA6] =	sst s4  }
0xd: {  	[smem:$0x3FA7] =	sst s5  }
0xe: {  	[smem:$0x3FA8] =	sst s6  }
0xf: {  	[smem:$0x3FA9] =	sst s7  }
0x10: {  	[smem:$0x3FAA] =	sst s8  }
0x11: {  	[smem:$0x3FAB] =	sst s9;
	s0 =	simm.s32 @!p0 $0x0  }
0x12: {  	s1 =	sld [smem:$0x3F91];
	s0 =	simm.s32 @p0 $0x1  }
0x13: {  	[smem:$0x3FAC] =	sst s0;
	s0 =	simm.s32 @!p1 $0x0  }
0x14: {  	s2 =	sld [smem:$0x3F90];
	s0 =	simm.s32 @p1 $0x1  }
0x15: {  	[smem:$0x3FAD] =	sst s0;
	s0 =	simm.s32 @!p2 $0x0  }
0x16: {  	s3 =	sld [smem:$0x3FDB];
	s0 =	simm.s32 @p2 $0x1  }
0x17: {  	s4 =	simm.s32 $0x1BF5;
	[smem:$0x3FAF] =	sst s0  }
0x18: {  	s0 =	sld [smem:$0x3F92];
	_ =	swait.ge [sflag:s4], $0x0  }
0x19: {  	s7 =	sld [smem:$0x3F93]  }
0x1a: {  	s8 =	sadd.s32 $0xFFFFE003, lr  }
0x1b: {  	s9 =	sadd.s32 $0xFFFFFEF7, lr;
	s5 =	simm.s32 $0xFFFFFFFF;
	p2 =	slt.u32 s8, $0xFFFFF086  }
0x1c: {  	p1 =	slt.u32 s9, $0xF7A;
	s5 =	simm.s32 @!p2 $0x0  }
0x1d: {  	s5 =	simm.s32 @p1 $0x1;
	p0 =	seq.s32 s7, s2  }
0x1e: {  	s7 =	smul.u32 @!p0 $0xF7A, s2;
	p2 =	seq.s32 @!p0 s5, $0x0  }
0x1f: {  	s9 =	smul.u32 $0xF7A, s1;
	s8 =	simm.s32 @!p0 $0x1BF5;
	p2 =	por !p2, p0  }
0x20: {  	[sflag:s8] =	ssyncset.s32 @!p0 $0xFFFFF086;
	s6 =	sadd.s32 @!p0 s3, s7;
	s7 =	simm.s32 @!p0 $0x108  }
0x21: {  	s3 =	sadd.s32 s3, s9;
	s6 =	sadd.s32 @!p0 $0x88, s6;
	s7 =	simm.s32 @p2 $0x1082  }
0x22: {  	[simem:s7], [sflag:s8] =	dma.local @!p0 [hbm:s6], $0xF7A  }
0x23: {  	s9 =	sor.u32 $0xD0000000, s2;
	s6 =	simm.s32 $0x108;
	_ =	swait.ge @!p0 [sflag:s8], $0x0  }
0x24: {  	s3 =	sadd.s32 $0x88, s3;
	s6 =	simm.s32 @!p1 $0x1082;
	[sflag:s4] =	ssyncset.s32 $0xFFFFF086  }
0x25: {  	[simem:s6], [sflag:s4] =	dma.local [hbm:s3], $0xF7A  }
0x26: {  	[smem:$0x3F93] =	sst s1;
	(tag) =	ssettag s2;
	_ =	strace s9  }
0x27: {  	s1 =	sld [smem:$0x3FA3]  }
0x28: {  	s2 =	sld [smem:$0x3FA4]  }
0x29: {  	s4 =	sld [smem:$0x3FA6]  }
0x2a: {  	p0 =	seq.s32 s5, $0x0;
	s5 =	sld [smem:$0x3FA7]  }
0x2b: {  	s6 =	sld [smem:$0x3FA8]  }
0x2c: {  	s7 =	sld [smem:$0x3FA9]  }
0x2d: {  	s3 =	simm.s32 $0x108;
	s8 =	sld [smem:$0x3FAA]  }
0x2e: {  	s3 =	simm.s32 @!p0 $0x1082;
	s9 =	sld [smem:$0x3FAB]  }
0x2f: {  	lr =	sadd.s32 s0, s3;
	s0 =	sld [smem:$0x3FA2]  }
0x30: {  	s3 =	sld [smem:$0x3FA5]  }
0x31: {  	[smem:$0x3FAE] =	sst s10  }
0x32: {  	s10 =	sld [smem:$0x3FAC];
	_ =	sdelay $0x3  }
0x33: {  	p0 =	seq.s32 s10, $0x1;
	s10 =	sld [smem:$0x3FAE];
	_ =	sdelay $0x3  }
0x34: {  	[smem:$0x3FAE] =	sst s10  }
0x35: {  	s10 =	sld [smem:$0x3FAD];
	_ =	sdelay $0x3  }
0x36: {  	p1 =	seq.s32 s10, $0x1;
	s10 =	sld [smem:$0x3FAE];
	_ =	sdelay $0x3  }
0x37: {  	[smem:$0x3FAE] =	sst s10  }
0x38: {  	s10 =	sld [smem:$0x3FAF]  }
0x39: {  	_ = 	snop;
	(pc) =	sbr.ind lr, $3  }
0x3a: {  	_ = 	snop  }
0x3b: {  	_ = 	snop  }
0x3c: {  	p2 =	seq.s32 s10, $0x1;
	s10 =	sld [smem:$0x3FAE]  }
0x3d: {  	_ =	shalt  }
0x3e: {  	_ =	shalt  }
0x3f: {  	_ =	shalt  }
0x40: {  	_ =	shalt  }
0x41: {  	_ =	shalt  }
0x42: {  	_ =	shalt  }
0x43: {  	_ =	shalt  }
0x44: {  	_ =	shalt  }
0x45: {  	_ =	shalt  }
0x46: {  	_ =	shalt  }
0x47: {  	_ =	shalt  }
0x48: {  	_ =	shalt  }
0x49: {  	_ =	shalt  }
0x4a: {  	_ =	shalt  }
0x4b: {  	_ =	shalt  }
0x4c: {  	_ =	shalt  }
0x4d: {  	_ =	shalt  }
0x4e: {  	_ =	shalt  }
0x4f: {  	_ =	shalt  }
0x50: {  	_ =	shalt  }
0x51: {  	_ =	shalt  }
0x52: {  	_ =	shalt  }
0x53: {  	_ =	shalt  }
0x54: {  	_ =	shalt  }
0x55: {  	_ =	shalt  }
0x56: {  	_ =	shalt  }
0x57: {  	_ =	shalt  }
0x58: {  	_ =	shalt  }
0x59: {  	_ =	shalt  }
0x5a: {  	_ =	shalt  }
0x5b: {  	_ =	shalt  }
0x5c: {  	_ =	shalt  }
0x5d: {  	_ =	shalt  }
0x5e: {  	_ =	shalt  }
0x5f: {  	_ =	shalt  }
0x60: {  	_ =	shalt  }
0x61: {  	_ =	shalt  }
0x62: {  	_ =	shalt  }
0x63: {  	_ =	shalt  }
0x64: {  	_ =	shalt  }
0x65: {  	_ =	shalt  }
0x66: {  	_ =	shalt  }
0x67: {  	_ =	shalt  }
0x68: {  	_ =	shalt  }
0x69: {  	_ =	shalt  }
0x6a: {  	_ =	shalt  }
0x6b: {  	_ =	shalt  }
0x6c: {  	_ =	shalt  }
0x6d: {  	_ =	shalt  }
0x6e: {  	_ =	shalt  }
0x6f: {  	_ =	shalt  }
0x70: {  	_ =	shalt  }
0x71: {  	_ =	shalt  }
0x72: {  	_ =	shalt  }
0x73: {  	_ =	shalt  }
0x74: {  	_ =	shalt  }
0x75: {  	_ =	shalt  }
0x76: {  	_ =	shalt  }
0x77: {  	_ =	shalt  }
0x78: {  	_ =	shalt  }
0x79: {  	_ =	shalt  }
0x7a: {  	_ =	shalt  }
0x7b: {  	_ =	shalt  }
0x7c: {  	_ =	shalt  }
0x7d: {  	_ =	shalt  }
0x7e: {  	_ =	shalt  }
0x7f: {  	_ =	shalt  }
0x80: {  	_ =	shalt  }
0x81: {  	_ =	shalt  }
0x82: {  	_ =	shalt  }
0x83: {  	_ =	shalt  }
0x84: {  	_ =	shalt  }
0x85: {  	_ =	shalt  }
0x86: {  	_ =	shalt  }
0x87: {  	_ =	shalt  }
.Lfunc_end0:
.L_simem_size_0:
called_computation_lowered:
.L_overlay_start_0:
0x88: {  	s2 =	sld [smem:$0x3FD9]  }
0x89: {  	s3 =	sld [smem:$0x3FFE];
	_ =	sdelay $0x1  }
0x8a: {  	s1 =	srdreg.scid  }
0x8b: {  	s0 =	sand.u32 $0x1, s1  }
0x8c: {  	s17 =	sshll.u32 s0, $0xA;
	s2 =	sadd.s32 s3, s2  }
0x8d: {  	s2 =	sadd.s32 s2, s17  }
0x8e: {  	[smem:$0x3FBA] =	sst s2  }
0x8f: {  	_ = 	snop  }
0x90: {  	s2 =	sld [smem:$0x3FC7];
	(tm) =	ssettm $0x1  }
0x91: {  	s18 =	sld [smem:$0x3FFB];
	_ =	sdelay $0x3  }
0x92: {  	_ =	strace s18  }
0x93: {  	s3 =	sld [smem:$0x3FFC];
	_ =	sdelay $0x3  }
0x94: {  	_ =	strace s3  }
0x95: {  	s3 =	sld [smem:$0x3FFD];
	_ =	sdelay $0x3  }
0x96: {  	_ =	strace s3  }
0x97: {  	_ =	strace $0x8FFFFFFF  }
0x98: {  	s19 =	sld [smem:$0x3FDB];
	_ =	sdelay $0x1  }
0x99: {  	s4 =	simm.s32 $_scs_section_size  }
0x9a: {  	s5 =	simm.s32 $_size__tile_overlayer_lowered;
	s6 =	simm.s32 $_tile_overlayer_lowered  }
0x9b: {  	s22 =	simm.s32 $0x1BFF;
	s21 =	sshll.u32 s6, $0x1;
	s3 =	sadd.s32 s4, s19  }
0x9c: {  	s7 =	simm.s32 $0x0;
	s20 =	sshll.u32 s5, $0x1;
	s5 =	sadd.s32 s21, s3  }
0x9d: {  	[timem:s7], [sflag:s22] =	dma.local [hbm:s5], s20  }
0x9e: {  	_ =	swait.ge [sflag:s22], s20  }
0x9f: {  	s4 =	ssub.s32 $0x0, s20;
	[sflag:s22] =	ssyncset.done $0x0  }
0xa0: {  	[sflag:s22] =	ssyncadd.s32 s4;
	_ =	sdelay $0x1  }
0xa1: {  	s23 =	simm.s32 $0x1B8B  }
0xa2: {  	_ =	swait.ge [sflag:s23], $0x1  }
0xa3: {  	[sflag:s23] =	ssyncset.done $0x0  }
0xa4: {  	s25 =	simm.s32 $0x1B8E;
	s24 =	sld [smem:$0x3FFE];
	[sflag:s23] =	ssyncadd.s32 $0xFFFFFFFF  }
0xa5: {  	s26 =	simm.s32 $execute0_lowered;
	[smem:$0x3FD2] =	sst s25  }
0xa6: {  	s5 =	sshll.u32 s26, $0x1;
	_ =	strace $0x80000046;
	[dreg:$0x1] =	wrdreg $0xFFFFFFFF  }
0xa7: {  	s28 =	simm.s32 $_size_execute0_lowered;
	s3 =	sadd.s32 s3, s5;
	[dreg:$0x0] =	wrdreg $0x0  }
0xa8: {  	s5 =	sshll.u32 s28, $0x1;
	[dreg:$0x2] =	wrdreg s3  }
0xa9: {  	[dreg:$0x3] =	wrdreg s5  }
0xaa: {  	[dreg:$0x4] =	wrdreg $0xC0  }
0xab: {  	_ =	task [dreg:s7], $0x5FFFF  }
0xac: {  	[dreg:$0x1] =	wrdreg $0xFFFFFFFF  }
0xad: {  	[dreg:$0x0] =	wrdreg $0x60  }
0xae: {  	[dreg:$0x2] =	wrdreg s24  }
0xaf: {  	[dreg:$0x3] =	wrdreg s2  }
0xb0: {  	[dreg:$0x4] =	wrdreg $0x66000  }
0xb1: {  	[dreg:$0x5] =	wrdreg $0x9  }
0xb2: {  	_ =	task.clear_ibuf [dreg:s7], $0x6FFFF;
	_ =	strace $0x90000046  }
0xb3: {  	s29 =	simm.s32 $0x9;
	_ =	strace $0x80000048  }
0xb4: {  	_ =	swait.ge [sflag:s29], $0x1  }
0xb5: {  	[sflag:s29] =	ssyncadd.s32 $0xFFFFFFFF  }
0xb6: {  	_ =	strace $0x90000048  }
0xb7: {  	_ =	sfence  }
0xb8: {  	s30 =	sld [smem:$0x0];
	_ =	sdelay $0x2  }
0xb9: {  	s31 =	sshll.u32 s1, $0xD;
	s1 =	sshrl.u32 s1, $0x2  }
0xba: {  	s3 =	sand.u32 $0x4000, s31;
	s1 =	sadd.s32 s1, s30  }
0xbb: {  	s0 =	sor.u32 s3, s0;
	s1 =	sshll.u32 s1, $0x11  }
0xbc: {  	s0 =	sor.u32 s1, s0  }
0xbd: {  	s0 =	sadd.s32 $0x8F2B, s0  }
0xbe: {  	[sflag:s0] =	ssyncadd.remote.s32 $0x1  }
0xbf: {  	_ =	sfence.sel $0xFFFF  }
0xc0: {  	[dreg:$0x0] =	wrdreg $0xFFFFFFFF;
	(pc) =	sbr.abs _section_cstart, $3  }
0xc1: {  	[dreg:$0x1] =	wrdreg $0xFFFFFFFF  }
0xc2: {  	_ =	task.clear_ibuf [dreg:s7], $0x2FFFF;
	_ =	strace $0x9FFFFFFF  }
0xc3: {  	(tm) =	ssettm $0x7FFFFFFF  }
tec
execute0_lowered:
.L_overlay_start_1:
0x0: {  	(tag) =	ssettag $0x1  }
0x1: {  	s6 =	rddreg [dreg:$0x0]  }
0x2: {  	s1 =	rddreg [dreg:$0x1]  }
0x3: {  	s2 =	rddreg [dreg:$0x2]  }
0x4: {  	s0 =	rddreg [dreg:$0x3];
	s4 =	simm.s32 $0x0;
	s5 =	srdreg.scid  }
0x5: {  	s3 =	stileid.u32;
	s17 =	simm.s32 $0x1;
	s18 =	simm.s32 $0x100  }
0x6: {  	s19 =	simm.s32 $0xC8;
	s20 =	simm.s32 $0x0;
	[smem:$0x7FF] =	sst s4  }
0x7: {  	s8 =	sand.u32 $0x1, s5;
	s9 =	smul.u32 $0x4E000, s3;
	s5 =	sadd.s32 $0xCE00, s6  }
0x8: {  	s13 =	sadd.s32 $0x16C00, s6;
	s10 =	smul.u32 $0x270, s3;
	s31 =	sshll.u32 s3, $0x1  }
0x9: {  	p0 =	sne.s32 s3, $0xF;
	_ =	strace $0x80000047;
	s7 =	ssub.s32 $0x2, s8  }
0xa: {  	s11 =	smul.u32 $0x2710, s8;
	s12 =	sor.u32 s8, s31;
	s29 =	sshrl.u32 s7, $0x1  }
0xb: {  	s14 =	smul.u32 $0x138800, s8;
	s30 =	sshrl.u32 s9, $0x2;
	s15 =	ssub.s32 s7, s29  }
0xc: {  	s6 =	sadd.s32 s30, s2;
	s11 =	sadd.s32 s10, s11;
	s10 =	sadd.s32 $0x138000, s2  }
0xd: {  	s14 =	sshrl.u32 s14, $0x3;
	s7 =	sadd.s32 $0x6400, s6;
	s8 =	sadd.s32 $0xC800, s6  }
0xe: {  	s9 =	sadd.s32 $0x12C00, s6;
	s16 =	sshll.u32 s11, $0x4;
	s11 =	smul.u32 $0x2710, s12  }
0xf: {  	s14 =	sadd.s32 s13, s14;
	s15 =	smax.u32 s15, $0x1;
	s12 =	sadd.s32 s13, s16  }
0x10: {  	v0 =	vimm.f32 $0.0e+00;
	v1 =	vlaneseq.u32;
	s14 =	sadd.s32 $0x27000, s14;
	s16 =	simm.s32 $0x200;
	s13 =	sadd.s32 $0x1900, s12  }
.LBB2_1:
0x11: {  	s21 =	simm.s32 $0x0;
	s22 =	simm.s32 $0x200  }
.LBB2_2:
0x12: {  	p1 =	sne.s32 s22, $0x18E00;
	[tilespmem:s21+$0x270] =	vst v0  }
0x13: {  	[tilespmem:s21+$0x200] =	vst v0  }
0x14: {  	[tilespmem:s21+$0x210] =	vst v0  }
.Ltmp0:
0x15: {  	[tilespmem:s21+$0x220] =	vst v0;
	(pc) =	sbr.rel @p1 .LBB2_2-.Ltmp0, $4  }
0x16: {  	[tilespmem:s21+$0x230] =	vst v0  }
0x17: {  	[tilespmem:s21+$0x240] =	vst v0  }
0x18: {  	[tilespmem:s21+$0x250] =	vst v0  }
0x19: {  	[tilespmem:s21+$0x260] =	vst v0;
	s21 =	sshra.s32 s22, $0x2;
	s22 =	sadd.s32 $0x200, s22  }
0x1a: {  	[tilespmem:s21+$0x270] =	vst v0  }
0x1b: {  	[tilespmem:s21+$0x200] =	vst v0  }
0x1c: {  	[tilespmem:s21+$0x210] =	vst v0  }
0x1d: {  	[tilespmem:s21+$0x220] =	vst v0  }
0x1e: {  	[tilespmem:s21+$0x230] =	vst v0  }
0x1f: {  	[tilespmem:s21+$0x240] =	vst v0  }
0x20: {  	[tilespmem:s21+$0x250] =	vst v0  }
0x21: {  	[tilespmem:s21+$0x260] =	vst v0  }
0x22: {  	[spmem:s6] =	stream.linear.scatter [tilespmem:s16], [sflag:$0x1], $0x6400, $0x38;
	[tilespmem:$0x19E80] =	vst v63  }
0x23: {  	_ =	swait.ge [sflag:s17], $0x6400  }
0x24: {  	[sflag:s17] =	ssyncset.done $0x0  }
0x25: {  	[sflag:s17] =	ssyncadd.s32 $0xFFFF9C00  }
0x26: {  	[spmem:s7] =	stream.linear.scatter [tilespmem:s16], [sflag:$0x1], $0x6400, $0x38;
	[tilespmem:$0x19E80] =	vst v63  }
0x27: {  	_ =	swait.ge [sflag:s17], $0x6400  }
0x28: {  	[sflag:s17] =	ssyncset.done $0x0  }
0x29: {  	[sflag:s17] =	ssyncadd.s32 $0xFFFF9C00  }
0x2a: {  	[spmem:s8] =	stream.linear.scatter [tilespmem:s16], [sflag:$0x1], $0x6400, $0x38;
	[tilespmem:$0x19E80] =	vst v63  }
0x2b: {  	_ =	swait.ge [sflag:s17], $0x6400  }
0x2c: {  	[sflag:s17] =	ssyncset.done $0x0  }
0x2d: {  	[sflag:s17] =	ssyncadd.s32 $0xFFFF9C00  }
0x2e: {  	[spmem:s9] =	stream.linear.scatter [tilespmem:s16], [sflag:$0x1], $0xC00, $0x38;
	[tilespmem:$0x19E80] =	vst v63  }
0x2f: {  	_ =	swait.ge [sflag:s17], $0xC00  }
0x30: {  	[sflag:s17] =	ssyncset.done $0x0  }
0x31: {  	s21 =	simm.s32 @!p0 $0x200;
	[sflag:s17] =	ssyncadd.s32 $0xFFFFF400  }
0x32: {  	[spmem:s10] =	stream.linear.scatter @!p0 [tilespmem:s21], [sflag:$0x1], $0x800, $0x38;
	[tilespmem:$0x19E80] =	vst v63  }
0x33: {  	s21 =	simm.s32 @!p0 $0x1  }
0x34: {  	_ =	swait.ge @!p0 [sflag:s21], $0x800  }
0x35: {  	[sflag:s21] =	ssyncset.done @!p0 $0x0  }
0x36: {  	[sflag:s21] =	ssyncadd.s32 @!p0 $0xFFFFF800  }
0x37: {  	s22 =	simm.s32 $0x0;
	s21 =	simm.s32 $0x0;
	[bflag:$0x0] =	sbarrier.arrive $0xFFFF  }
.LBB2_4:
0x38: {  	s23 =	smul.u32 $0xC8, s22;
	_ =	sdelay $0x1  }
0x39: {  	s23 =	sadd.s32 s11, s23  }
0x3a: {  	s23 =	sshrl.u32 s23, $0x3  }
0x3b: {  	s24 =	sadd.s32 s5, s23  }
0x3c: {  	[tilespmem:s21], [sflag:$0x1] =	stream.linear.gather [hbm4b:s24+s21], $0xC8, $0x38;
	[tilespmem:$0x19E80] =	vst v63  }
0x3d: {  	_ =	swait.ge [sflag:s17], $0xC8  }
0x3e: {  	[sflag:s17] =	ssyncset.done $0x0  }
0x3f: {  	v2 =	vmov s21;
	s23 =	sadd.s32 s1, s23;
	[sflag:s17] =	ssyncadd.s32 $0xFFFFFF38  }
0x40: {  	[tilespmem:s18], [sflag:$0x1] =	stream.linear.gather [hbm4b:s23+s21], $0xC8, $0x38;
	[tilespmem:$0x19E80] =	vst v63  }
0x41: {  	_ =	swait.ge [sflag:s17], $0xC8  }
0x42: {  	[sflag:s17] =	ssyncset.done $0x0  }
0x43: {  	[sflag:s17] =	ssyncadd.s32 $0xFFFFFF38  }
0x44: {  	v2 =	vld.idx.msk [tilespmem:v2+s18+$0x0], $0xffff;
	_ =	sdelay $0x1  }
0x45: {  	s30 =	simm.s32 $0x1  }
0x46: {  	v3 =	vmov s30;
	_ =	sdelay $0x1  }
0x47: {  	vm0 =	veq.s32 v2, v1  }
0x48: {  	s23 =	simm.s32 $0x200;
	v2 =	vsel vm0, $0x3F800000, v0  }
0x49: {  	[tilespmem:s23+$0x0] =	vst v2  }
0x4a: {  	v3 =	vld.idx.msk [tilespmem:v3+s18+$0x0], $0xffff;
	_ =	sdelay $0x1  }
0x4b: {  	s31 =	simm.s32 $0x2  }
0x4c: {  	s24 =	simm.s32 $0x3;
	v2 =	vmov s31  }
.LBB2_5:
0x4d: {  	p1 =	sne.s32 s24, $0xC7  }
0x4e: {  	vm0 =	veq.s32 v3, v1  }
0x4f: {  	s23 =	sadd.s32 $0x80, s23;
	v3 =	vsel vm0, $0x3F800000, v0  }
0x50: {  	[tilespmem:s23+$0x0] =	vst v3  }
.Ltmp1:
0x51: {  	v3 =	vld.idx.msk [tilespmem:v2+s18+$0x0], $0xffff;
	(pc) =	sbr.rel @p1 .LBB2_5-.Ltmp1, $2  }
0x52: {  	_ =	sdelay $0x2  }
0x53: {  	v2 =	vmov s24;
	s24 =	sadd.s32 $0x1, s24  }
0x54: {  	_ = 	snop  }
0x55: {  	vm0 =	veq.s32 v3, v1  }
0x56: {  	s23 =	sadd.s32 $0x80, s23;
	v3 =	vsel vm0, $0x3F800000, v0  }
0x57: {  	[tilespmem:s23+$0x0] =	vst v3  }
0x58: {  	v2 =	vld.idx.msk [tilespmem:v2+s18+$0x0], $0xffff;
	_ =	sdelay $0x4  }
0x59: {  	s22 =	sadd.s32 $0x1, s22;
	vm15 =	veq.s32 v2, v1  }
0x5a: {  	p1 =	sne.s32 s22, $0x32;
	s23 =	sadd.s32 $0x80, s23;
	v2 =	vsel vm15, $0x3F800000, v0  }
.Ltmp2:
0x5b: {  	[tilespmem:s23+$0x0] =	vst v2;
	(pc) =	sbr.rel @p1 .LBB2_4-.Ltmp2, $4  }
0x5c: {  	[spmem:s2] =	stream.indirect.scatter.add.f32 [tilespmem:s16], [sflag:$0x1], $0x80, s4, s19, $0xb8;
	[tilespmem:$0x19E80] =	vst v63  }
0x5d: {  	_ =	swait.ge [sflag:s17], $0x6400  }
0x5e: {  	[sflag:s17] =	ssyncset.done $0x0  }
0x5f: {  	[sflag:s17] =	ssyncadd.s32 $0xFFFF9C00  }
0x60: {  	s21 =	sshll.u32 s3, $0x6  }
0x61: {  	[bflag:$0x0] =	sbarrier.arrive $0xFFFF;
	s22 =	sshrl.u32 s6, $0x3;
	s21 =	sor.u32 $0x1C01, s21  }
0x62: {  	[hbm:s12], [sflag:s21] =	dma.local [spmem:s22], $0x1900  }
0x63: {  	_ =	swait.ge [sflag:s17], $0x1900  }
0x64: {  	[sflag:s17] =	ssyncset.done $0x0  }
0x65: {  	s31 =	sshrl.u32 s8, $0x3;
	[sflag:s17] =	ssyncadd.s32 $0xFFFFE700  }
0x66: {  	[hbm:s13], [sflag:s21] =	dma.local [spmem:s31], $0xE00  }
0x67: {  	_ =	swait.ge [sflag:s17], $0xE00  }
0x68: {  	s20 =	sadd.s32 $0x1, s20;
	[sflag:s17] =	ssyncset.done $0x0  }
0x69: {  	p1 =	sne.s32 s20, s15;
	s22 =	sshrl.u32 @!p0 s10, $0x3;
	[sflag:s17] =	ssyncadd.s32 $0xFFFFF200  }
0x6a: {  	[hbm:s14], [sflag:s21] =	dma.local @!p0 [spmem:s22], $0x100  }
.Ltmp3:
0x6b: {  	_ = 	snop;
	(pc) =	sbr.rel @p1 .LBB2_1-.Ltmp3, $4  }
0x6c: {  	s21 =	simm.s32 @!p0 $0x1  }
0x6d: {  	_ =	swait.ge @!p0 [sflag:s21], $0x100  }
0x6e: {  	[sflag:s21] =	ssyncset.done @!p0 $0x0  }
0x6f: {  	[sflag:s21] =	ssyncadd.s32 @!p0 $0xFFFFFF00  }
0x70: {  	_ =	sfence.sel $0x180000  }
0x71: {  	[bflag:$0x0] =	sbarrier.arrive $0xFFFF  }
0x72: {  	p0 =	sne.s32 s3, $0x0;
	_ =	strace $0x90000047  }
0x73: {  	s0 =	sadd.s32 @!p0 $0x100000, s0;
	[bflag:$0x2] =	sbarrier.arrive $0xFFFF  }
0x74: {  	[sflag:s0] =	ssyncadd.tile.s32 @!p0 $0x1;
	_ =	shalt  }
.Lfunc_end2:
_tile_overlayer_lowered:
.L_overlay_start_2:
0x75: {  	(tag) =	ssettag $0x2  }
0x76: {  	s0 =	rddreg [dreg:$0x0];
	s2 =	stileid.u32  }
0x77: {  	s1 =	rddreg [dreg:$0x1];
	p0 =	sne.s32 s2, $0x0  }
0x78: {  	s3 =	rddreg [dreg:$0x2];
	[bflag:$0x3] =	sbarrier.arrive $0xFFFF;
	s2 =	simm.s32 @!p0 $0x1C01  }
0x79: {  	[timem:s3], [sflag:s2] =	dma.local @!p0 [hbm:s0], s1  }
0x7a: {  	s0 =	simm.s32 @!p0 $0x1  }
0x7b: {  	_ =	swait.ge @!p0 [sflag:s0], s1  }
0x7c: {  	s1 =	ssub.s32 @!p0 $0x0, s1;
	[sflag:s0] =	ssyncset.done @!p0 $0x0  }
0x7d: {  	[sflag:s0] =	ssyncadd.s32 @!p0 s1  }
0x7e: {  	[bflag:$0x3] =	sbarrier.arrive $0xFFFF  }
0x7f: {  	_ =	shalt  }

// kernel: kernel.16.cloned.1.call-start
scs
__scs_entry_jumppad:
0x0: {  	(pc) =	sbr.rel $0x88, $3  }
0x1: {  	(tag) =	ssettag $0x0;
	lr =	simm.s32 $0x1  }
0x2: {  	[smem:$0x3F93] =	sst lr;
	_ =	strace $0xD0000000  }
0x3: {  	_ = 	snop  }
0x4: {  	_ = 	snop  }
0x5: {  	_ = 	snop  }
0x6: {  	_ = 	snop  }
0x7: {  	_ = 	snop  }
__scs_overlays_trampoline_lowered:
0x8: {  	[smem:$0x3FA2] =	sst s0  }
0x9: {  	[smem:$0x3FA3] =	sst s1  }
0xa: {  	[smem:$0x3FA4] =	sst s2  }
0xb: {  	[smem:$0x3FA5] =	sst s3  }
0xc: {  	[smem:$0x3FA6] =	sst s4  }
0xd: {  	[smem:$0x3FA7] =	sst s5  }
0xe: {  	[smem:$0x3FA8] =	sst s6  }
0xf: {  	[smem:$0x3FA9] =	sst s7  }
0x10: {  	[smem:$0x3FAA] =	sst s8  }
0x11: {  	[smem:$0x3FAB] =	sst s9;
	s0 =	simm.s32 @!p0 $0x0  }
0x12: {  	s1 =	sld [smem:$0x3F91];
	s0 =	simm.s32 @p0 $0x1  }
0x13: {  	[smem:$0x3FAC] =	sst s0;
	s0 =	simm.s32 @!p1 $0x0  }
0x14: {  	s2 =	sld [smem:$0x3F90];
	s0 =	simm.s32 @p1 $0x1  }
0x15: {  	[smem:$0x3FAD] =	sst s0;
	s0 =	simm.s32 @!p2 $0x0  }
0x16: {  	s3 =	sld [smem:$0x3FDB];
	s0 =	simm.s32 @p2 $0x1  }
0x17: {  	s4 =	simm.s32 $0x1BF5;
	[smem:$0x3FAF] =	sst s0  }
0x18: {  	s0 =	sld [smem:$0x3F92];
	_ =	swait.ge [sflag:s4], $0x0  }
0x19: {  	s7 =	sld [smem:$0x3F93]  }
0x1a: {  	s8 =	sadd.s32 $0xFFFFE003, lr  }
0x1b: {  	s9 =	sadd.s32 $0xFFFFFEF7, lr;
	s5 =	simm.s32 $0xFFFFFFFF;
	p2 =	slt.u32 s8, $0xFFFFF086  }
0x1c: {  	p1 =	slt.u32 s9, $0xF7A;
	s5 =	simm.s32 @!p2 $0x0  }
0x1d: {  	s5 =	simm.s32 @p1 $0x1;
	p0 =	seq.s32 s7, s2  }
0x1e: {  	s7 =	smul.u32 @!p0 $0xF7A, s2;
	p2 =	seq.s32 @!p0 s5, $0x0  }
0x1f: {  	s9 =	smul.u32 $0xF7A, s1;
	s8 =	simm.s32 @!p0 $0x1BF5;
	p2 =	por !p2, p0  }
0x20: {  	[sflag:s8] =	ssyncset.s32 @!p0 $0xFFFFF086;
	s6 =	sadd.s32 @!p0 s3, s7;
	s7 =	simm.s32 @!p0 $0x108  }
0x21: {  	s3 =	sadd.s32 s3, s9;
	s6 =	sadd.s32 @!p0 $0x88, s6;
	s7 =	simm.s32 @p2 $0x1082  }
0x22: {  	[simem:s7], [sflag:s8] =	dma.local @!p0 [hbm:s6], $0xF7A  }
0x23: {  	s9 =	sor.u32 $0xD0000000, s2;
	s6 =	simm.s32 $0x108;
	_ =	swait.ge @!p0 [sflag:s8], $0x0  }
0x24: {  	s3 =	sadd.s32 $0x88, s3;
	s6 =	simm.s32 @!p1 $0x1082;
	[sflag:s4] =	ssyncset.s32 $0xFFFFF086  }
0x25: {  	[simem:s6], [sflag:s4] =	dma.local [hbm:s3], $0xF7A  }
0x26: {  	[smem:$0x3F93] =	sst s1;
	(tag) =	ssettag s2;
	_ =	strace s9  }
0x27: {  	s1 =	sld [smem:$0x3FA3]  }
0x28: {  	s2 =	sld [smem:$0x3FA4]  }
0x29: {  	s4 =	sld [smem:$0x3FA6]  }
0x2a: {  	p0 =	seq.s32 s5, $0x0;
	s5 =	sld [smem:$0x3FA7]  }
0x2b: {  	s6 =	sld [smem:$0x3FA8]  }
0x2c: {  	s7 =	sld [smem:$0x3FA9]  }
0x2d: {  	s3 =	simm.s32 $0x108;
	s8 =	sld [smem:$0x3FAA]  }
0x2e: {  	s3 =	simm.s32 @!p0 $0x1082;
	s9 =	sld [smem:$0x3FAB]  }
0x2f: {  	lr =	sadd.s32 s0, s3;
	s0 =	sld [smem:$0x3FA2]  }
0x30: {  	s3 =	sld [smem:$0x3FA5]  }
0x31: {  	[smem:$0x3FAE] =	sst s10  }
0x32: {  	s10 =	sld [smem:$0x3FAC];
	_ =	sdelay $0x3  }
0x33: {  	p0 =	seq.s32 s10, $0x1;
	s10 =	sld [smem:$0x3FAE];
	_ =	sdelay $0x3  }
0x34: {  	[smem:$0x3FAE] =	sst s10  }
0x35: {  	s10 =	sld [smem:$0x3FAD];
	_ =	sdelay $0x3  }
0x36: {  	p1 =	seq.s32 s10, $0x1;
	s10 =	sld [smem:$0x3FAE];
	_ =	sdelay $0x3  }
0x37: {  	[smem:$0x3FAE] =	sst s10  }
0x38: {  	s10 =	sld [smem:$0x3FAF]  }
0x39: {  	_ = 	snop;
	(pc) =	sbr.ind lr, $3  }
0x3a: {  	_ = 	snop  }
0x3b: {  	_ = 	snop  }
0x3c: {  	p2 =	seq.s32 s10, $0x1;
	s10 =	sld [smem:$0x3FAE]  }
0x3d: {  	_ =	shalt  }
0x3e: {  	_ =	shalt  }
0x3f: {  	_ =	shalt  }
0x40: {  	_ =	shalt  }
0x41: {  	_ =	shalt  }
0x42: {  	_ =	shalt  }
0x43: {  	_ =	shalt  }
0x44: {  	_ =	shalt  }
0x45: {  	_ =	shalt  }
0x46: {  	_ =	shalt  }
0x47: {  	_ =	shalt  }
0x48: {  	_ =	shalt  }
0x49: {  	_ =	shalt  }
0x4a: {  	_ =	shalt  }
0x4b: {  	_ =	shalt  }
0x4c: {  	_ =	shalt  }
0x4d: {  	_ =	shalt  }
0x4e: {  	_ =	shalt  }
0x4f: {  	_ =	shalt  }
0x50: {  	_ =	shalt  }
0x51: {  	_ =	shalt  }
0x52: {  	_ =	shalt  }
0x53: {  	_ =	shalt  }
0x54: {  	_ =	shalt  }
0x55: {  	_ =	shalt  }
0x56: {  	_ =	shalt  }
0x57: {  	_ =	shalt  }
0x58: {  	_ =	shalt  }
0x59: {  	_ =	shalt  }
0x5a: {  	_ =	shalt  }
0x5b: {  	_ =	shalt  }
0x5c: {  	_ =	shalt  }
0x5d: {  	_ =	shalt  }
0x5e: {  	_ =	shalt  }
0x5f: {  	_ =	shalt  }
0x60: {  	_ =	shalt  }
0x61: {  	_ =	shalt  }
0x62: {  	_ =	shalt  }
0x63: {  	_ =	shalt  }
0x64: {  	_ =	shalt  }
0x65: {  	_ =	shalt  }
0x66: {  	_ =	shalt  }
0x67: {  	_ =	shalt  }
0x68: {  	_ =	shalt  }
0x69: {  	_ =	shalt  }
0x6a: {  	_ =	shalt  }
0x6b: {  	_ =	shalt  }
0x6c: {  	_ =	shalt  }
0x6d: {  	_ =	shalt  }
0x6e: {  	_ =	shalt  }
0x6f: {  	_ =	shalt  }
0x70: {  	_ =	shalt  }
0x71: {  	_ =	shalt  }
0x72: {  	_ =	shalt  }
0x73: {  	_ =	shalt  }
0x74: {  	_ =	shalt  }
0x75: {  	_ =	shalt  }
0x76: {  	_ =	shalt  }
0x77: {  	_ =	shalt  }
0x78: {  	_ =	shalt  }
0x79: {  	_ =	shalt  }
0x7a: {  	_ =	shalt  }
0x7b: {  	_ =	shalt  }
0x7c: {  	_ =	shalt  }
0x7d: {  	_ =	shalt  }
0x7e: {  	_ =	shalt  }
0x7f: {  	_ =	shalt  }
0x80: {  	_ =	shalt  }
0x81: {  	_ =	shalt  }
0x82: {  	_ =	shalt  }
0x83: {  	_ =	shalt  }
0x84: {  	_ =	shalt  }
0x85: {  	_ =	shalt  }
0x86: {  	_ =	shalt  }
0x87: {  	_ =	shalt  }
.Lfunc_end0:
.L_simem_size_0:
called_computation.1_lowered:
.L_overlay_start_0:
0x88: {  	s2 =	sld [smem:$0x3FD9]  }
0x89: {  	s3 =	sld [smem:$0x3FFE];
	_ =	sdelay $0x1  }
0x8a: {  	s1 =	srdreg.scid  }
0x8b: {  	s0 =	sand.u32 $0x1, s1  }
0x8c: {  	s17 =	sshll.u32 s0, $0xA;
	s2 =	sadd.s32 s3, s2  }
0x8d: {  	s2 =	sadd.s32 s2, s17  }
0x8e: {  	[smem:$0x3FBA] =	sst s2  }
0x8f: {  	_ = 	snop  }
0x90: {  	s2 =	sld [smem:$0x3FC7]  }
0x91: {  	s18 =	sld [smem:$0x3FD0];
	(tm) =	ssettm $0x1  }
0x92: {  	s4 =	sld [smem:$0x3FFB];
	_ =	sdelay $0x3  }
0x93: {  	_ =	strace s4  }
0x94: {  	s4 =	sld [smem:$0x3FFC];
	_ =	sdelay $0x3  }
0x95: {  	_ =	strace s4  }
0x96: {  	s4 =	sld [smem:$0x3FFD];
	_ =	sdelay $0x3  }
0x97: {  	_ =	strace s4  }
0x98: {  	_ =	strace $0x8FFFFFFF  }
0x99: {  	s19 =	sld [smem:$0x3FDB];
	_ =	sdelay $0x1  }
0x9a: {  	s5 =	simm.s32 $_scs_section_size  }
0x9b: {  	s6 =	simm.s32 $_size__tile_overlayer_lowered;
	s7 =	simm.s32 $_tile_overlayer_lowered  }
0x9c: {  	s22 =	simm.s32 $0x1BFF;
	s21 =	sshll.u32 s7, $0x1;
	s4 =	sadd.s32 s5, s19  }
0x9d: {  	s8 =	simm.s32 $0x0;
	s20 =	sshll.u32 s6, $0x1;
	s6 =	sadd.s32 s21, s4  }
0x9e: {  	[timem:s8], [sflag:s22] =	dma.local [hbm:s6], s20  }
0x9f: {  	_ =	swait.ge [sflag:s22], s20  }
0xa0: {  	s5 =	ssub.s32 $0x0, s20;
	[sflag:s22] =	ssyncset.done $0x0  }
0xa1: {  	[sflag:s22] =	ssyncadd.s32 s5;
	_ =	sdelay $0x1  }
0xa2: {  	s23 =	simm.s32 $0x1B8B  }
0xa3: {  	_ =	swait.ge [sflag:s23], $0x1  }
0xa4: {  	[sflag:s23] =	ssyncset.done $0x0  }
0xa5: {  	s25 =	simm.s32 $0x1B8E;
	s24 =	sld [smem:$0x3FFE];
	[sflag:s23] =	ssyncadd.s32 $0xFFFFFFFF  }
0xa6: {  	s26 =	simm.s32 $execute0_lowered;
	[smem:$0x3FD2] =	sst s25  }
0xa7: {  	s6 =	sshll.u32 s26, $0x1;
	_ =	strace $0x80000049;
	[dreg:$0x1] =	wrdreg $0xFFFFFFFF  }
0xa8: {  	s28 =	simm.s32 $_size_execute0_lowered;
	s4 =	sadd.s32 s4, s6;
	[dreg:$0x0] =	wrdreg $0x0  }
0xa9: {  	s6 =	sshll.u32 s28, $0x1;
	[dreg:$0x2] =	wrdreg s4  }
0xaa: {  	[dreg:$0x3] =	wrdreg s6  }
0xab: {  	[dreg:$0x4] =	wrdreg $0xC0  }
0xac: {  	_ =	task [dreg:s8], $0x5FFFF  }
0xad: {  	[dreg:$0x1] =	wrdreg $0xFFFFFFFF  }
0xae: {  	[dreg:$0x0] =	wrdreg $0x60  }
0xaf: {  	[dreg:$0x2] =	wrdreg s24  }
0xb0: {  	[dreg:$0x3] =	wrdreg s2  }
0xb1: {  	[dreg:$0x4] =	wrdreg s18  }
0xb2: {  	[dreg:$0x5] =	wrdreg $0x9  }
0xb3: {  	_ =	task.clear_ibuf [dreg:s8], $0x6FFFF;
	_ =	strace $0x90000049  }
0xb4: {  	s29 =	simm.s32 $0x9;
	_ =	strace $0x8000004B  }
0xb5: {  	_ =	swait.ge [sflag:s29], $0x1  }
0xb6: {  	[sflag:s29] =	ssyncadd.s32 $0xFFFFFFFF  }
0xb7: {  	_ =	strace $0x9000004B  }
0xb8: {  	_ =	sfence  }
0xb9: {  	s30 =	sld [smem:$0x0];
	_ =	sdelay $0x2  }
0xba: {  	s31 =	sshll.u32 s1, $0xD;
	s1 =	sshrl.u32 s1, $0x2  }
0xbb: {  	s3 =	sand.u32 $0x4000, s31;
	s1 =	sadd.s32 s1, s30  }
0xbc: {  	s0 =	sor.u32 s3, s0;
	s1 =	sshll.u32 s1, $0x11  }
0xbd: {  	s0 =	sor.u32 s1, s0  }
0xbe: {  	s0 =	sadd.s32 $0x8F2B, s0  }
0xbf: {  	[sflag:s0] =	ssyncadd.remote.s32 $0x1  }
0xc0: {  	_ =	sfence.sel $0xFFFF  }
0xc1: {  	[dreg:$0x0] =	wrdreg $0xFFFFFFFF;
	(pc) =	sbr.abs _section_cstart, $3  }
0xc2: {  	[dreg:$0x1] =	wrdreg $0xFFFFFFFF  }
0xc3: {  	_ =	task.clear_ibuf [dreg:s8], $0x2FFFF;
	_ =	strace $0x9FFFFFFF  }
0xc4: {  	(tm) =	ssettm $0x7FFFFFFF  }
0xc5: {  	_ =	shalt  }
tec
execute0_lowered:
.L_overlay_start_1:
0x0: {  	(tag) =	ssettag $0x1  }
0x1: {  	s8 =	rddreg [dreg:$0x0]  }
0x2: {  	s1 =	rddreg [dreg:$0x1]  }
0x3: {  	s2 =	rddreg [dreg:$0x2]  }
0x4: {  	s0 =	rddreg [dreg:$0x3]  }
0x5: {  	s3 =	simm.s32 $0x0;
	s4 =	srdreg.scid;
	s13 =	simm.s32 $0x190  }
0x6: {  	s14 =	simm.s32 $0x600;
	s15 =	simm.s32 $0xCE00;
	s16 =	simm.s32 $0xD000  }
0x7: {  	s17 =	simm.s32 $0x0;
	[smem:$0x7FF] =	sst s3;
	s5 =	sadd.s32 $0x3000, s8  }
0x8: {  	s9 =	sand.u32 $0x1, s4;
	s6 =	sadd.s32 $0xCE00, s8;
	s4 =	stileid.u32  }
0x9: {  	s7 =	sadd.s32 $0x16C00, s8;
	s8 =	sadd.s32 $0x20A00, s8;
	s10 =	ssub.s32 $0x2, s9  }
0xa: {  	_ =	strace $0x8000004A;
	s12 =	sshll.u32 s4, $0x1;
	s11 =	sshrl.u32 s10, $0x1  }
0xb: {  	v0 =	vlaneseq.u32;
	s9 =	sor.u32 s9, s12;
	s12 =	simm.s32 $0x200;
	s10 =	ssub.s32 s10, s11  }
0xc: {  	v0 =	vmul.u32 $0x80, v0;
	s9 =	smul.u32 $0x2710, s9;
	s11 =	simm.s32 $0x1;
	s10 =	smax.u32 s10, $0x1  }
.LBB2_1:
0xd: {  	s18 =	simm.s32 $0x0  }
.LBB2_2:
0xe: {  	s19 =	smul.u32 $0x190, s18;
	_ =	sdelay $0x1  }
0xf: {  	s19 =	sadd.s32 s9, s19  }
0x10: {  	s19 =	sshrl.u32 s19, $0x3  }
0x11: {  	s20 =	simm.s32 $0x0;
	s21 =	sadd.s32 s5, s19  }
0x12: {  	[tilespmem:s20], [sflag:$0x1] =	stream.linear.gather [hbm4b:s21+s20], $0x190, $0x38;
	[tilespmem:$0xD200] =	vst v63  }
0x13: {  	_ =	swait.ge [sflag:s11], $0x190  }
0x14: {  	[sflag:s11] =	ssyncset.done $0x0  }
0x15: {  	s30 =	sadd.s32 s6, s19;
	[sflag:s11] =	ssyncadd.s32 $0xFFFFFE70  }
0x16: {  	[tilespmem:s12], [sflag:$0x1] =	stream.linear.gather [hbm4b:s30+s20], $0x190, $0x38;
	[tilespmem:$0xD200] =	vst v63  }
0x17: {  	_ =	swait.ge [sflag:s11], $0x190  }
0x18: {  	[sflag:s11] =	ssyncset.done $0x0  }
0x19: {  	s22 =	simm.s32 $0x400;
	s31 =	sadd.s32 s1, s19;
	[sflag:s11] =	ssyncadd.s32 $0xFFFFFE70  }
0x1a: {  	[tilespmem:s22], [sflag:$0x1] =	stream.linear.gather [hbm4b:s31+s20], $0x190, $0x38;
	[tilespmem:$0xD200] =	vst v63  }
0x1b: {  	_ =	swait.ge [sflag:s11], $0x190  }
0x1c: {  	[sflag:s11] =	ssyncset.done $0x0  }
0x1d: {  	[sflag:s11] =	ssyncadd.s32 $0xFFFFFE70  }
0x1e: {  	[tilespmem:s14], [sflag:$0x1] =	stream.indirect.gather [hbm4b:s2+s13], $0x80, s12, s13, $0xb8;
	[tilespmem:$0xD200] =	vst v63  }
0x1f: {  	_ =	swait.ge [sflag:s11], $0xC800  }
0x20: {  	[sflag:s11] =	ssyncset.done $0x0  }
0x21: {  	[sflag:s11] =	ssyncadd.s32 $0xFFFF3800  }
0x22: {  	v1 =	vld [tilespmem:s22+$0x0];
	_ =	sdelay $0x2  }
0x23: {  	v2 =	vmov s20  }
0x24: {  	v2 =	vshll.u32 v2, $0x7  }
0x25: {  	v2 =	vor.u32 v0, v2;
	v3 =	vand.u32 $0xFFFFFF80, v1  }
0x26: {  	v4 =	vand.u32 $0x7F, v1;
	v2 =	vadd.s32 v2, v3  }
0x27: {  	v2 =	vor.u32 v4, v2;
	_ =	sdelay $0x4  }
0x28: {  	v2 =	vld.idx.msk [tilespmem:v2+s14+$0x0], $0xffff;
	_ =	sdelay $0x4  }
0x29: {  	v2 =	vmax.f32 v2, $1.000000000e+00  }
0x2a: {  	(erf) = vrcp.f32 v2;
	_ =	sdelay $0x3  }
0x2b: {  	v2 =	vld [tilespmem:s20+$0x0];
	_ =	sdelay $0x4  }
0x2c: {  	s21 =	simm.s32 $0xCE00;
	v2 =	vshll.u32 v2, $0x4;
	v3 =	vpop (erf)  }
0x2d: {  	s22 =	simm.s32 $0xD000;
	v1 =	vadd.s32 v1, v2;
	[tilespmem:s21+$0x0] =	vst v3  }
0x2e: {  	s23 =	simm.s32 $0x410;
	[tilespmem:s22+$0x0] =	vst v1  }
0x2f: {  	v1 =	vld [tilespmem:s23+$0x0]  }
0x30: {  	s24 =	simm.s32 $0x10;
	s25 =	simm.s32 $0x20  }
.LBB2_3:
0x31: {  	p0 =	sne.s32 s25, $0x180  }
0x32: {  	v2 =	vmov s24;
	s24 =	smov.u32 s25  }
0x33: {  	v2 =	vshll.u32 v2, $0x7  }
0x34: {  	v2 =	vor.u32 v0, v2;
	v3 =	vand.u32 $0xFFFFFF80, v1  }
0x35: {  	v4 =	vand.u32 $0x7F, v1;
	v2 =	vadd.s32 v2, v3  }
0x36: {  	v2 =	vor.u32 v4, v2;
	_ =	sdelay $0x4  }
0x37: {  	v2 =	vld.idx.msk [tilespmem:v2+s14+$0x0], $0xffff;
	_ =	sdelay $0x5  }
0x38: {  	v2 =	vmax.f32 v2, $1.000000000e+00  }
0x39: {  	(erf) = vrcp.f32 v2;
	_ =	sdelay $0x2  }
0x3a: {  	s20 =	sadd.s32 $0x10, s20  }
0x3b: {  	v2 =	vld [tilespmem:s20+$0x0];
	_ =	sdelay $0x4  }
.Ltmp0:
0x3c: {  	s21 =	sadd.s32 $0x10, s21;
	v2 =	vshll.u32 v2, $0x4;
	v3 =	vpop (erf);
	(pc) =	sbr.rel @p0 .LBB2_3-.Ltmp0, $4  }
0x3d: {  	s22 =	sadd.s32 $0x10, s22;
	[tilespmem:s21+$0x0] =	vst v3;
	v1 =	vadd.s32 v1, v2  }
0x3e: {  	s23 =	sadd.s32 $0x10, s23;
	[tilespmem:s22+$0x0] =	vst v1  }
0x3f: {  	v1 =	vld [tilespmem:s23+$0x0]  }
0x40: {  	s25 =	sadd.s32 $0x10, s25  }
0x41: {  	_ = 	snop  }
0x42: {  	v2 =	vmov s24  }
0x43: {  	v2 =	vshll.u32 v2, $0x7  }
0x44: {  	v2 =	vor.u32 v0, v2;
	v3 =	vand.u32 $0xFFFFFF80, v1  }
0x45: {  	v4 =	vand.u32 $0x7F, v1;
	v2 =	vadd.s32 v2, v3  }
0x46: {  	v2 =	vor.u32 v4, v2;
	_ =	sdelay $0x4  }
0x47: {  	v2 =	vld.idx.msk [tilespmem:v2+s14+$0x0], $0xffff;
	_ =	sdelay $0x4  }
0x48: {  	v2 =	vmax.f32 v2, $1.000000000e+00  }
0x49: {  	(erf) = vrcp.f32 v2;
	_ =	sdelay $0x2  }
0x4a: {  	s20 =	sadd.s32 $0x10, s20  }
0x4b: {  	v2 =	vld [tilespmem:s20+$0x0];
	_ =	sdelay $0x4  }
0x4c: {  	s28 =	sadd.s32 $0x10, s21;
	v2 =	vshll.u32 v2, $0x4;
	v3 =	vpop (erf)  }
0x4d: {  	s29 =	sadd.s32 $0x10, s22;
	v1 =	vadd.s32 v1, v2;
	[tilespmem:s28+$0x0] =	vst v3  }
0x4e: {  	s30 =	sadd.s32 s7, s19;
	[tilespmem:s29+$0x0] =	vst v1  }
0x4f: {  	[hbm4b:s30+s3] =	stream.linear.scatter [tilespmem:s15], [sflag:$0x1], $0x190, $0x38;
	[tilespmem:$0xD200] =	vst v63  }
0x50: {  	s18 =	sadd.s32 $0x1, s18;
	_ =	swait.ge [sflag:s11], $0x190  }
0x51: {  	p0 =	sne.s32 s18, $0x19;
	[sflag:s11] =	ssyncset.done $0x0  }
.Ltmp1:
0x52: {  	s31 =	sadd.s32 s8, s19;
	[sflag:s11] =	ssyncadd.s32 $0xFFFFFE70;
	(pc) =	sbr.rel @p0 .LBB2_2-.Ltmp1, $4  }
0x53: {  	[hbm4b:s31+s3] =	stream.linear.scatter [tilespmem:s16], [sflag:$0x1], $0x190, $0x38;
	[tilespmem:$0xD200] =	vst v63  }
0x54: {  	_ =	swait.ge [sflag:s11], $0x190  }
0x55: {  	[sflag:s11] =	ssyncset.done $0x0  }
0x56: {  	[sflag:s11] =	ssyncadd.s32 $0xFFFFFE70  }
0x57: {  	s17 =	sadd.s32 $0x1, s17  }
0x58: {  	p0 =	sne.s32 s17, s10  }
.Ltmp2:
0x59: {  	_ = 	snop;
	(pc) =	sbr.rel @p0 .LBB2_1-.Ltmp2, $1  }
0x5a: {  	_ =	sdelay $0x3  }
0x5b: {  	_ =	sfence.sel $0x180000  }
0x5c: {  	[bflag:$0x0] =	sbarrier.arrive $0xFFFF  }
0x5d: {  	p0 =	sne.s32 s4, $0x0;
	_ =	strace $0x9000004A  }
0x5e: {  	s0 =	sadd.s32 @!p0 $0x100000, s0;
	[bflag:$0x2] =	sbarrier.arrive $0xFFFF  }
0x5f: {  	[sflag:s0] =	ssyncadd.tile.s32 @!p0 $0x1;
	_ =	shalt  }
.Lfunc_end2:
_tile_overlayer_lowered:
.L_overlay_start_2:
0x60: {  	(tag) =	ssettag $0x2  }
0x61: {  	s0 =	rddreg [dreg:$0x0];
	s2 =	stileid.u32  }
0x62: {  	s1 =	rddreg [dreg:$0x1];
	p0 =	sne.s32 s2, $0x0  }
0x63: {  	s3 =	rddreg [dreg:$0x2];
	[bflag:$0x3] =	sbarrier.arrive $0xFFFF;
	s2 =	simm.s32 @!p0 $0x1C01  }
0x64: {  	[timem:s3], [sflag:s2] =	dma.local @!p0 [hbm:s0], s1  }
0x65: {  	s0 =	simm.s32 @!p0 $0x1  }
0x66: {  	_ =	swait.ge @!p0 [sflag:s0], s1  }
0x67: {  	s1 =	ssub.s32 @!p0 $0x0, s1;
	[sflag:s0] =	ssyncset.done @!p0 $0x0  }
0x68: {  	[sflag:s0] =	ssyncadd.s32 @!p0 s1  }
0x69: {  	[bflag:$0x3] =	sbarrier.arrive $0xFFFF  }
0x6a: {  	_ =	shalt  }

// kernel: kernel.19.cloned.1.call-start
scs
__scs_entry_jumppad:
0x0: {  	(pc) =	sbr.rel $0x88, $3  }
0x1: {  	(tag) =	ssettag $0x0;
	lr =	simm.s32 $0x1  }
0x2: {  	[smem:$0x3F93] =	sst lr;
	_ =	strace $0xD0000000  }
0x3: {  	_ = 	snop  }
0x4: {  	_ = 	snop  }
0x5: {  	_ = 	snop  }
0x6: {  	_ = 	snop  }
0x7: {  	_ = 	snop  }
__scs_overlays_trampoline_lowered:
0x8: {  	[smem:$0x3FA2] =	sst s0  }
0x9: {  	[smem:$0x3FA3] =	sst s1  }
0xa: {  	[smem:$0x3FA4] =	sst s2  }
0xb: {  	[smem:$0x3FA5] =	sst s3  }
0xc: {  	[smem:$0x3FA6] =	sst s4  }
0xd: {  	[smem:$0x3FA7] =	sst s5  }
0xe: {  	[smem:$0x3FA8] =	sst s6  }
0xf: {  	[smem:$0x3FA9] =	sst s7  }
0x10: {  	[smem:$0x3FAA] =	sst s8  }
0x11: {  	[smem:$0x3FAB] =	sst s9;
	s0 =	simm.s32 @!p0 $0x0  }
0x12: {  	s1 =	sld [smem:$0x3F91];
	s0 =	simm.s32 @p0 $0x1  }
0x13: {  	[smem:$0x3FAC] =	sst s0;
	s0 =	simm.s32 @!p1 $0x0  }
0x14: {  	s2 =	sld [smem:$0x3F90];
	s0 =	simm.s32 @p1 $0x1  }
0x15: {  	[smem:$0x3FAD] =	sst s0;
	s0 =	simm.s32 @!p2 $0x0  }
0x16: {  	s3 =	sld [smem:$0x3FDB];
	s0 =	simm.s32 @p2 $0x1  }
0x17: {  	s4 =	simm.s32 $0x1BF5;
	[smem:$0x3FAF] =	sst s0  }
0x18: {  	s0 =	sld [smem:$0x3F92];
	_ =	swait.ge [sflag:s4], $0x0  }
0x19: {  	s7 =	sld [smem:$0x3F93]  }
0x1a: {  	s8 =	sadd.s32 $0xFFFFE003, lr  }
0x1b: {  	s9 =	sadd.s32 $0xFFFFFEF7, lr;
	s5 =	simm.s32 $0xFFFFFFFF;
	p2 =	slt.u32 s8, $0xFFFFF086  }
0x1c: {  	p1 =	slt.u32 s9, $0xF7A;
	s5 =	simm.s32 @!p2 $0x0  }
0x1d: {  	s5 =	simm.s32 @p1 $0x1;
	p0 =	seq.s32 s7, s2  }
0x1e: {  	s7 =	smul.u32 @!p0 $0xF7A, s2;
	p2 =	seq.s32 @!p0 s5, $0x0  }
0x1f: {  	s9 =	smul.u32 $0xF7A, s1;
	s8 =	simm.s32 @!p0 $0x1BF5;
	p2 =	por !p2, p0  }
0x20: {  	[sflag:s8] =	ssyncset.s32 @!p0 $0xFFFFF086;
	s6 =	sadd.s32 @!p0 s3, s7;
	s7 =	simm.s32 @!p0 $0x108  }
0x21: {  	s3 =	sadd.s32 s3, s9;
	s6 =	sadd.s32 @!p0 $0x88, s6;
	s7 =	simm.s32 @p2 $0x1082  }
0x22: {  	[simem:s7], [sflag:s8] =	dma.local @!p0 [hbm:s6], $0xF7A  }
0x23: {  	s9 =	sor.u32 $0xD0000000, s2;
	s6 =	simm.s32 $0x108;
	_ =	swait.ge @!p0 [sflag:s8], $0x0  }
0x24: {  	s3 =	sadd.s32 $0x88, s3;
	s6 =	simm.s32 @!p1 $0x1082;
	[sflag:s4] =	ssyncset.s32 $0xFFFFF086  }
0x25: {  	[simem:s6], [sflag:s4] =	dma.local [hbm:s3], $0xF7A  }
0x26: {  	[smem:$0x3F93] =	sst s1;
	(tag) =	ssettag s2;
	_ =	strace s9  }
0x27: {  	s1 =	sld [smem:$0x3FA3]  }
0x28: {  	s2 =	sld [smem:$0x3FA4]  }
0x29: {  	s4 =	sld [smem:$0x3FA6]  }
0x2a: {  	p0 =	seq.s32 s5, $0x0;
	s5 =	sld [smem:$0x3FA7]  }
0x2b: {  	s6 =	sld [smem:$0x3FA8]  }
0x2c: {  	s7 =	sld [smem:$0x3FA9]  }
0x2d: {  	s3 =	simm.s32 $0x108;
	s8 =	sld [smem:$0x3FAA]  }
0x2e: {  	s3 =	simm.s32 @!p0 $0x1082;
	s9 =	sld [smem:$0x3FAB]  }
0x2f: {  	lr =	sadd.s32 s0, s3;
	s0 =	sld [smem:$0x3FA2]  }
0x30: {  	s3 =	sld [smem:$0x3FA5]  }
0x31: {  	[smem:$0x3FAE] =	sst s10  }
0x32: {  	s10 =	sld [smem:$0x3FAC];
	_ =	sdelay $0x3  }
0x33: {  	p0 =	seq.s32 s10, $0x1;
	s10 =	sld [smem:$0x3FAE];
	_ =	sdelay $0x3  }
0x34: {  	[smem:$0x3FAE] =	sst s10  }
0x35: {  	s10 =	sld [smem:$0x3FAD];
	_ =	sdelay $0x3  }
0x36: {  	p1 =	seq.s32 s10, $0x1;
	s10 =	sld [smem:$0x3FAE];
	_ =	sdelay $0x3  }
0x37: {  	[smem:$0x3FAE] =	sst s10  }
0x38: {  	s10 =	sld [smem:$0x3FAF]  }
0x39: {  	_ = 	snop;
	(pc) =	sbr.ind lr, $3  }
0x3a: {  	_ = 	snop  }
0x3b: {  	_ = 	snop  }
0x3c: {  	p2 =	seq.s32 s10, $0x1;
	s10 =	sld [smem:$0x3FAE]  }
0x3d: {  	_ =	shalt  }
0x3e: {  	_ =	shalt  }
0x3f: {  	_ =	shalt  }
0x40: {  	_ =	shalt  }
0x41: {  	_ =	shalt  }
0x42: {  	_ =	shalt  }
0x43: {  	_ =	shalt  }
0x44: {  	_ =	shalt  }
0x45: {  	_ =	shalt  }
0x46: {  	_ =	shalt  }
0x47: {  	_ =	shalt  }
0x48: {  	_ =	shalt  }
0x49: {  	_ =	shalt  }
0x4a: {  	_ =	shalt  }
0x4b: {  	_ =	shalt  }
0x4c: {  	_ =	shalt  }
0x4d: {  	_ =	shalt  }
0x4e: {  	_ =	shalt  }
0x4f: {  	_ =	shalt  }
0x50: {  	_ =	shalt  }
0x51: {  	_ =	shalt  }
0x52: {  	_ =	shalt  }
0x53: {  	_ =	shalt  }
0x54: {  	_ =	shalt  }
0x55: {  	_ =	shalt  }
0x56: {  	_ =	shalt  }
0x57: {  	_ =	shalt  }
0x58: {  	_ =	shalt  }
0x59: {  	_ =	shalt  }
0x5a: {  	_ =	shalt  }
0x5b: {  	_ =	shalt  }
0x5c: {  	_ =	shalt  }
0x5d: {  	_ =	shalt  }
0x5e: {  	_ =	shalt  }
0x5f: {  	_ =	shalt  }
0x60: {  	_ =	shalt  }
0x61: {  	_ =	shalt  }
0x62: {  	_ =	shalt  }
0x63: {  	_ =	shalt  }
0x64: {  	_ =	shalt  }
0x65: {  	_ =	shalt  }
0x66: {  	_ =	shalt  }
0x67: {  	_ =	shalt  }
0x68: {  	_ =	shalt  }
0x69: {  	_ =	shalt  }
0x6a: {  	_ =	shalt  }
0x6b: {  	_ =	shalt  }
0x6c: {  	_ =	shalt  }
0x6d: {  	_ =	shalt  }
0x6e: {  	_ =	shalt  }
0x6f: {  	_ =	shalt  }
0x70: {  	_ =	shalt  }
0x71: {  	_ =	shalt  }
0x72: {  	_ =	shalt  }
0x73: {  	_ =	shalt  }
0x74: {  	_ =	shalt  }
0x75: {  	_ =	shalt  }
0x76: {  	_ =	shalt  }
0x77: {  	_ =	shalt  }
0x78: {  	_ =	shalt  }
0x79: {  	_ =	shalt  }
0x7a: {  	_ =	shalt  }
0x7b: {  	_ =	shalt  }
0x7c: {  	_ =	shalt  }
0x7d: {  	_ =	shalt  }
0x7e: {  	_ =	shalt  }
0x7f: {  	_ =	shalt  }
0x80: {  	_ =	shalt  }
0x81: {  	_ =	shalt  }
0x82: {  	_ =	shalt  }
0x83: {  	_ =	shalt  }
0x84: {  	_ =	shalt  }
0x85: {  	_ =	shalt  }
0x86: {  	_ =	shalt  }
0x87: {  	_ =	shalt  }
.Lfunc_end0:
.L_simem_size_0:
called_computation.2_lowered:
.L_overlay_start_0:
0x88: {  	s2 =	sld [smem:$0x3FD9]  }
0x89: {  	s3 =	sld [smem:$0x3FFE];
	_ =	sdelay $0x1  }
0x8a: {  	s1 =	srdreg.scid  }
0x8b: {  	s0 =	sand.u32 $0x1, s1  }
0x8c: {  	s16 =	sshll.u32 s0, $0xA;
	s2 =	sadd.s32 s3, s2  }
0x8d: {  	s2 =	sadd.s32 s2, s16  }
0x8e: {  	[smem:$0x3FBA] =	sst s2  }
0x8f: {  	_ = 	snop  }
0x90: {  	(tm) =	ssettm $0x1  }
0x91: {  	s17 =	sld [smem:$0x3FFB];
	_ =	sdelay $0x3  }
0x92: {  	_ =	strace s17  }
0x93: {  	s2 =	sld [smem:$0x3FFC];
	_ =	sdelay $0x3  }
0x94: {  	_ =	strace s2  }
0x95: {  	s2 =	sld [smem:$0x3FFD];
	_ =	sdelay $0x3  }
0x96: {  	_ =	strace s2  }
0x97: {  	_ =	strace $0x8FFFFFFF  }
0x98: {  	s18 =	sld [smem:$0x3FDB];
	_ =	sdelay $0x1  }
0x99: {  	s19 =	simm.s32 $_scs_section_size  }
0x9a: {  	s4 =	simm.s32 $_size__tile_overlayer_lowered;
	s5 =	simm.s32 $_tile_overlayer_lowered  }
0x9b: {  	s22 =	simm.s32 $0x1BFF;
	s21 =	sshll.u32 s5, $0x1;
	s2 =	sadd.s32 s19, s18  }
0x9c: {  	s6 =	simm.s32 $0x0;
	s20 =	sshll.u32 s4, $0x1;
	s4 =	sadd.s32 s21, s2  }
0x9d: {  	[timem:s6], [sflag:s22] =	dma.local [hbm:s4], s20  }
0x9e: {  	_ =	swait.ge [sflag:s22], s20  }
0x9f: {  	s3 =	ssub.s32 $0x0, s20;
	[sflag:s22] =	ssyncset.done $0x0  }
0xa0: {  	[sflag:s22] =	ssyncadd.s32 s3;
	_ =	sdelay $0x1  }
0xa1: {  	s23 =	simm.s32 $0x1B8B  }
0xa2: {  	_ =	swait.ge [sflag:s23], $0x1  }
0xa3: {  	[sflag:s23] =	ssyncset.done $0x0  }
0xa4: {  	s25 =	simm.s32 $0x1B8E;
	s24 =	sld [smem:$0x3FFE];
	[sflag:s23] =	ssyncadd.s32 $0xFFFFFFFF  }
0xa5: {  	s26 =	simm.s32 $execute0_lowered;
	[smem:$0x3FD2] =	sst s25  }
0xa6: {  	s4 =	sshll.u32 s26, $0x1;
	_ =	strace $0x8000004C;
	[dreg:$0x1] =	wrdreg $0xFFFFFFFF  }
0xa7: {  	s28 =	simm.s32 $_size_execute0_lowered;
	s2 =	sadd.s32 s2, s4;
	[dreg:$0x0] =	wrdreg $0x0  }
0xa8: {  	s4 =	sshll.u32 s28, $0x1;
	[dreg:$0x2] =	wrdreg s2  }
0xa9: {  	[dreg:$0x3] =	wrdreg s4  }
0xaa: {  	[dreg:$0x4] =	wrdreg $0xC0  }
0xab: {  	_ =	task [dreg:s6], $0x5FFFF  }
0xac: {  	[dreg:$0x1] =	wrdreg $0xFFFFFFFF  }
0xad: {  	[dreg:$0x0] =	wrdreg $0x60  }
0xae: {  	[dreg:$0x2] =	wrdreg s24  }
0xaf: {  	[dreg:$0x3] =	wrdreg $0x67000  }
0xb0: {  	[dreg:$0x4] =	wrdreg $0x9  }
0xb1: {  	_ =	task.clear_ibuf [dreg:s6], $0x5FFFF;
	_ =	strace $0x9000004C  }
0xb2: {  	s29 =	simm.s32 $0x9;
	_ =	strace $0x8000004E  }
0xb3: {  	_ =	swait.ge [sflag:s29], $0x1  }
0xb4: {  	[sflag:s29] =	ssyncadd.s32 $0xFFFFFFFF  }
0xb5: {  	_ =	strace $0x9000004E  }
0xb6: {  	_ =	sfence  }
0xb7: {  	s30 =	sld [smem:$0x0];
	_ =	sdelay $0x2  }
0xb8: {  	s31 =	sshll.u32 s1, $0xD;
	s1 =	sshrl.u32 s1, $0x2  }
0xb9: {  	s3 =	sand.u32 $0x4000, s31;
	s1 =	sadd.s32 s1, s30  }
0xba: {  	s0 =	sor.u32 s3, s0;
	s1 =	sshll.u32 s1, $0x11  }
0xbb: {  	s0 =	sor.u32 s1, s0  }
0xbc: {  	s0 =	sadd.s32 $0x8F2B, s0  }
0xbd: {  	[sflag:s0] =	ssyncadd.remote.s32 $0x1  }
0xbe: {  	_ =	sfence.sel $0xFFFF  }
0xbf: {  	[dreg:$0x0] =	wrdreg $0xFFFFFFFF;
	(pc) =	sbr.abs _section_cstart, $3  }
0xc0: {  	[dreg:$0x1] =	wrdreg $0xFFFFFFFF  }
0xc1: {  	_ =	task.clear_ibuf [dreg:s6], $0x2FFFF;
	_ =	strace $0x9FFFFFFF  }
0xc2: {  	(tm) =	ssettm $0x7FFFFFFF  }
0xc3: {  	_ =	shalt  }
tec
execute0_lowered:
.L_overlay_start_1:
0x0: {  	(tag) =	ssettag $0x1  }
0x1: {  	s8 =	rddreg [dreg:$0x0]  }
0x2: {  	s1 =	rddreg [dreg:$0x1]  }
0x3: {  	s0 =	rddreg [dreg:$0x2];
	s2 =	simm.s32 $0x0;
	s6 =	srdreg.scid  }
0x4: {  	s3 =	stileid.u32;
	s19 =	simm.s32 $0x1;
	s20 =	simm.s32 $0x100  }
0x5: {  	s21 =	simm.s32 $0x200;
	s22 =	simm.s32 $0xC8;
	[smem:$0x7FF] =	sst s2  }
0x6: {  	s4 =	sadd.s32 $0x29B800, s8;
	s5 =	sadd.s32 $0x20A00, s8;
	s10 =	sand.u32 $0x1, s6  }
0x7: {  	s6 =	sadd.s32 $0x16C00, s8;
	s11 =	smul.u32 $0x4E000, s3;
	s7 =	sadd.s32 $0xCE00, s8  }
0x8: {  	s15 =	sadd.s32 $0x2A800, s8;
	s12 =	smul.u32 $0x270, s3;
	s31 =	sshll.u32 s3, $0x1  }
0x9: {  	p0 =	sne.s32 s3, $0xF;
	_ =	strace $0x8000004D;
	s9 =	ssub.s32 $0x2, s10  }
0xa: {  	s13 =	smul.u32 $0x2710, s10;
	s14 =	sor.u32 s10, s31;
	s29 =	sshrl.u32 s9, $0x1  }
0xb: {  	s16 =	smul.u32 $0x138800, s10;
	s30 =	sshrl.u32 s11, $0x2;
	s17 =	ssub.s32 s9, s29  }
0xc: {  	s8 =	sadd.s32 s30, s1;
	s13 =	sadd.s32 s12, s13;
	s12 =	sadd.s32 $0x138000, s1  }
0xd: {  	s16 =	sshrl.u32 s16, $0x3;
	s9 =	sadd.s32 $0x6400, s8;
	s10 =	sadd.s32 $0xC800, s8  }
0xe: {  	s11 =	sadd.s32 $0x12C00, s8;
	s18 =	sshll.u32 s13, $0x4;
	s13 =	smul.u32 $0x2710, s14  }
0xf: {  	s16 =	sadd.s32 s15, s16;
	s17 =	smax.u32 s17, $0x1;
	s14 =	sadd.s32 s15, s18  }
0x10: {  	v0 =	vimm.f32 $0.0e+00;
	s16 =	sadd.s32 $0x27000, s16;
	s18 =	simm.s32 $0x300;
	s15 =	sadd.s32 $0x1900, s14  }
.LBB2_1:
0x11: {  	s23 =	simm.s32 $0x0;
	s24 =	simm.s32 $0x200  }
.LBB2_2:
0x12: {  	p1 =	sne.s32 s24, $0x18E00;
	[tilespmem:s23+$0x370] =	vst v0  }
0x13: {  	[tilespmem:s23+$0x300] =	vst v0  }
0x14: {  	[tilespmem:s23+$0x310] =	vst v0  }
.Ltmp0:
0x15: {  	[tilespmem:s23+$0x320] =	vst v0;
	(pc) =	sbr.rel @p1 .LBB2_2-.Ltmp0, $4  }
0x16: {  	[tilespmem:s23+$0x330] =	vst v0  }
0x17: {  	[tilespmem:s23+$0x340] =	vst v0  }
0x18: {  	[tilespmem:s23+$0x350] =	vst v0  }
0x19: {  	[tilespmem:s23+$0x360] =	vst v0;
	s23 =	sshra.s32 s24, $0x2;
	s24 =	sadd.s32 $0x200, s24  }
0x1a: {  	[tilespmem:s23+$0x370] =	vst v0  }
0x1b: {  	[tilespmem:s23+$0x300] =	vst v0  }
0x1c: {  	[tilespmem:s23+$0x310] =	vst v0  }
0x1d: {  	[tilespmem:s23+$0x320] =	vst v0  }
0x1e: {  	[tilespmem:s23+$0x330] =	vst v0  }
0x1f: {  	[tilespmem:s23+$0x340] =	vst v0  }
0x20: {  	[tilespmem:s23+$0x350] =	vst v0  }
0x21: {  	[tilespmem:s23+$0x360] =	vst v0  }
0x22: {  	[spmem:s8] =	stream.linear.scatter [tilespmem:s18], [sflag:$0x1], $0x6400, $0x38;
	[tilespmem:$0x19F80] =	vst v63  }
0x23: {  	_ =	swait.ge [sflag:s19], $0x6400  }
0x24: {  	[sflag:s19] =	ssyncset.done $0x0  }
0x25: {  	[sflag:s19] =	ssyncadd.s32 $0xFFFF9C00  }
0x26: {  	[spmem:s9] =	stream.linear.scatter [tilespmem:s18], [sflag:$0x1], $0x6400, $0x38;
	[tilespmem:$0x19F80] =	vst v63  }
0x27: {  	_ =	swait.ge [sflag:s19], $0x6400  }
0x28: {  	[sflag:s19] =	ssyncset.done $0x0  }
0x29: {  	[sflag:s19] =	ssyncadd.s32 $0xFFFF9C00  }
0x2a: {  	[spmem:s10] =	stream.linear.scatter [tilespmem:s18], [sflag:$0x1], $0x6400, $0x38;
	[tilespmem:$0x19F80] =	vst v63  }
0x2b: {  	_ =	swait.ge [sflag:s19], $0x6400  }
0x2c: {  	[sflag:s19] =	ssyncset.done $0x0  }
0x2d: {  	[sflag:s19] =	ssyncadd.s32 $0xFFFF9C00  }
0x2e: {  	[spmem:s11] =	stream.linear.scatter [tilespmem:s18], [sflag:$0x1], $0xC00, $0x38;
	[tilespmem:$0x19F80] =	vst v63  }
0x2f: {  	_ =	swait.ge [sflag:s19], $0xC00  }
0x30: {  	[sflag:s19] =	ssyncset.done $0x0  }
0x31: {  	s23 =	simm.s32 @!p0 $0x300;
	[sflag:s19] =	ssyncadd.s32 $0xFFFFF400  }
0x32: {  	[spmem:s12] =	stream.linear.scatter @!p0 [tilespmem:s23], [sflag:$0x1], $0x800, $0x38;
	[tilespmem:$0x19F80] =	vst v63  }
0x33: {  	s23 =	simm.s32 @!p0 $0x1  }
0x34: {  	_ =	swait.ge @!p0 [sflag:s23], $0x800  }
0x35: {  	[sflag:s23] =	ssyncset.done @!p0 $0x0  }
0x36: {  	[sflag:s23] =	ssyncadd.s32 @!p0 $0xFFFFF800  }
0x37: {  	s24 =	simm.s32 $0x0;
	s23 =	simm.s32 $0x0;
	[bflag:$0x0] =	sbarrier.arrive $0xFFFF  }
.LBB2_4:
0x38: {  	s25 =	smul.u32 $0xC8, s24;
	_ =	sdelay $0x1  }
0x39: {  	s25 =	sadd.s32 s13, s25  }
0x3a: {  	s25 =	sshrl.u32 s25, $0x3  }
0x3b: {  	s26 =	sadd.s32 s5, s25  }
0x3c: {  	[tilespmem:s23], [sflag:$0x1] =	stream.linear.gather [hbm4b:s26+s23], $0xC8, $0x38;
	[tilespmem:$0x19F80] =	vst v63  }
0x3d: {  	_ =	swait.ge [sflag:s19], $0xC8  }
0x3e: {  	[sflag:s19] =	ssyncset.done $0x0  }
0x3f: {  	s31 =	sadd.s32 s6, s25;
	[sflag:s19] =	ssyncadd.s32 $0xFFFFFF38  }
0x40: {  	[tilespmem:s20], [sflag:$0x1] =	stream.linear.gather [hbm4b:s31+s23], $0xC8, $0x38;
	[tilespmem:$0x19F80] =	vst v63  }
0x41: {  	_ =	swait.ge [sflag:s19], $0xC8  }
0x42: {  	[sflag:s19] =	ssyncset.done $0x0  }
0x43: {  	s25 =	sadd.s32 s7, s25;
	[sflag:s19] =	ssyncadd.s32 $0xFFFFFF38  }
0x44: {  	[tilespmem:s21], [sflag:$0x1] =	stream.linear.gather [hbm4b:s25+s23], $0xC8, $0x38;
	[tilespmem:$0x19F80] =	vst v63  }
0x45: {  	_ =	swait.ge [sflag:s19], $0xC8  }
0x46: {  	[sflag:s19] =	ssyncset.done $0x0  }
0x47: {  	[sflag:s19] =	ssyncadd.s32 $0xFFFFFF38  }
0x48: {  	[tilespmem:s18], [sflag:$0x1] =	stream.indirect.gather [hbm4b:s4+s22], $0x80, s23, s22, $0xb8;
	[tilespmem:$0x19F80] =	vst v63  }
0x49: {  	_ =	swait.ge [sflag:s19], $0x6400  }
0x4a: {  	v1 =	vmov s23;
	[sflag:s19] =	ssyncset.done $0x0  }
0x4b: {  	s25 =	simm.s32 $0x340;
	[sflag:s19] =	ssyncadd.s32 $0xFFFF9C00  }
0x4c: {  	v5 =	vld [tilespmem:s25+$0x30]  }
0x4d: {  	v8 =	vld [tilespmem:s25+$0x10]  }
0x4e: {  	v6 =	vld [tilespmem:s25+$0xFFFFFFC0]  }
0x4f: {  	v2 =	vld.idx.msk [tilespmem:v1+s20+$0x0], $0xffff  }
0x50: {  	v10 =	vld [tilespmem:s25+$0xFFFFFFE0]  }
0x51: {  	v1 =	vld [tilespmem:s25+$0xFFFFFFF0]  }
0x52: {  	v3 =	vld [tilespmem:s25+$0x20]  }
0x53: {  	v4 =	vld [tilespmem:s25+$0xFFFFFFD0]  }
0x54: {  	v9 =	vmul.f32 v5, v2;
	v5 =	vld [tilespmem:s25+$0x0]  }
0x55: {  	v7 =	vmul.f32 v6, v2  }
0x56: {  	s28 =	simm.s32 $0x340;
	s26 =	simm.s32 $0x1;
	v6 =	vmul.f32 v10, v2;
	v8 =	vmul.f32 v8, v2  }
.LBB2_5:
0x57: {  	p1 =	sne.s32 s26, $0xC7  }
0x58: {  	v4 =	vmul.f32 v4, v2;
	v3 =	vmul.f32 v3, v2;
	[tilespmem:s25+$0x30] =	vst v9;
	s28 =	sadd.s32 $0x80, s28;
	s29 =	smov.u32 s26;
	s26 =	sadd.s32 $0x1, s26  }
0x59: {  	[tilespmem:s25+$0xFFFFFFC0] =	vst v7;
	v7 =	vmul.f32 v1, v2;
	v2 =	vmul.f32 v5, v2  }
0x5a: {  	[tilespmem:s25+$0x10] =	vst v8  }
0x5b: {  	v5 =	vmov s29;
	[tilespmem:s25+$0xFFFFFFE0] =	vst v6  }
0x5c: {  	v1 =	vld [tilespmem:s28+$0xFFFFFFF0];
	[tilespmem:s25+$0xFFFFFFF0] =	vst v7  }
0x5d: {  	v6 =	vld [tilespmem:s28+$0x30];
	[tilespmem:s25+$0x0] =	vst v2  }
0x5e: {  	v8 =	vld [tilespmem:s28+$0x10];
	[tilespmem:s25+$0x20] =	vst v3  }
0x5f: {  	v7 =	vld [tilespmem:s28+$0xFFFFFFC0];
	[tilespmem:s25+$0xFFFFFFD0] =	vst v4;
	s25 =	smov.u32 s28  }
0x60: {  	v2 =	vld.idx.msk [tilespmem:v5+s20+$0x0], $0xffff  }
0x61: {  	v10 =	vld [tilespmem:s28+$0xFFFFFFE0]  }
0x62: {  	v3 =	vld [tilespmem:s28+$0x20]  }
.Ltmp1:
0x63: {  	v4 =	vld [tilespmem:s28+$0xFFFFFFD0];
	(pc) =	sbr.rel @p1 .LBB2_5-.Ltmp1, $3  }
0x64: {  	v5 =	vld [tilespmem:s28+$0x0];
	_ =	sdelay $0x1  }
0x65: {  	v7 =	vmul.f32 v7, v2;
	v9 =	vmul.f32 v6, v2  }
0x66: {  	v8 =	vmul.f32 v8, v2;
	v6 =	vmul.f32 v10, v2  }
0x67: {  	[tilespmem:s25+$0x30] =	vst v9  }
0x68: {  	[tilespmem:s25+$0xFFFFFFC0] =	vst v7  }
0x69: {  	v1 =	vmul.f32 v1, v2;
	[tilespmem:s25+$0x10] =	vst v8  }
0x6a: {  	v3 =	vmul.f32 v3, v2;
	[tilespmem:s25+$0xFFFFFFE0] =	vst v6  }
0x6b: {  	v5 =	vmul.f32 v5, v2;
	[tilespmem:s25+$0xFFFFFFF0] =	vst v1  }
0x6c: {  	s24 =	sadd.s32 $0x1, s24;
	v1 =	vmul.f32 v4, v2;
	[tilespmem:s25+$0x20] =	vst v3  }
0x6d: {  	p1 =	sne.s32 s24, $0x32;
	[tilespmem:s25+$0x0] =	vst v5  }
.Ltmp2:
0x6e: {  	[tilespmem:s25+$0xFFFFFFD0] =	vst v1;
	(pc) =	sbr.rel @p1 .LBB2_4-.Ltmp2, $4  }
0x6f: {  	[spmem:s1] =	stream.indirect.scatter.add.f32 [tilespmem:s18], [sflag:$0x1], $0x80, s21, s22, $0xb8;
	[tilespmem:$0x19F80] =	vst v63  }
0x70: {  	_ =	swait.ge [sflag:s19], $0x6400  }
0x71: {  	[sflag:s19] =	ssyncset.done $0x0  }
0x72: {  	[sflag:s19] =	ssyncadd.s32 $0xFFFF9C00  }
0x73: {  	s23 =	sshll.u32 s3, $0x6  }
0x74: {  	[bflag:$0x0] =	sbarrier.arrive $0xFFFF;
	s24 =	sshrl.u32 s8, $0x3;
	s23 =	sor.u32 $0x1C01, s23  }
0x75: {  	[hbm:s14], [sflag:s23] =	dma.local [spmem:s24], $0x1900  }
0x76: {  	_ =	swait.ge [sflag:s19], $0x1900  }
0x77: {  	[sflag:s19] =	ssyncset.done $0x0  }
0x78: {  	s31 =	sshrl.u32 s10, $0x3;
	[sflag:s19] =	ssyncadd.s32 $0xFFFFE700  }
0x79: {  	[hbm:s15], [sflag:s23] =	dma.local [spmem:s31], $0xE00  }
0x7a: {  	_ =	swait.ge [sflag:s19], $0xE00  }
0x7b: {  	s2 =	sadd.s32 $0x1, s2;
	[sflag:s19] =	ssyncset.done $0x0  }
0x7c: {  	p1 =	sne.s32 s2, s17;
	s24 =	sshrl.u32 @!p0 s12, $0x3;
	[sflag:s19] =	ssyncadd.s32 $0xFFFFF200  }
0x7d: {  	[hbm:s16], [sflag:s23] =	dma.local @!p0 [spmem:s24], $0x100  }
.Ltmp3:
0x7e: {  	_ = 	snop;
	(pc) =	sbr.rel @p1 .LBB2_1-.Ltmp3, $4  }
0x7f: {  	s23 =	simm.s32 @!p0 $0x1  }
0x80: {  	_ =	swait.ge @!p0 [sflag:s23], $0x100  }
0x81: {  	[sflag:s23] =	ssyncset.done @!p0 $0x0  }
0x82: {  	[sflag:s23] =	ssyncadd.s32 @!p0 $0xFFFFFF00  }
0x83: {  	_ =	sfence.sel $0x180000  }
0x84: {  	[bflag:$0x0] =	sbarrier.arrive $0xFFFF  }
0x85: {  	p0 =	sne.s32 s3, $0x0;
	_ =	strace $0x9000004D  }
0x86: {  	s0 =	sadd.s32 @!p0 $0x100000, s0;
	[bflag:$0x2] =	sbarrier.arrive $0xFFFF  }
0x87: {  	[sflag:s0] =	ssyncadd.tile.s32 @!p0 $0x1;
	_ =	shalt  }
.Lfunc_end2:
_tile_overlayer_lowered:
.L_overlay_start_2:
0x88: {  	(tag) =	ssettag $0x2  }
0x89: {  	s0 =	rddreg [dreg:$0x0];
	s2 =	stileid.u32  }
0x8a: {  	s1 =	rddreg [dreg:$0x1];
	p0 =	sne.s32 s2, $0x0  }
0x8b: {  	s3 =	rddreg [dreg:$0x2];
	[bflag:$0x3] =	sbarrier.arrive $0xFFFF;
	s2 =	simm.s32 @!p0 $0x1C01  }
0x8c: {  	[timem:s3], [sflag:s2] =	dma.local @!p0 [hbm:s0], s1  }
0x8d: {  	s0 =	simm.s32 @!p0 $0x1  }
0x8e: {  	_ =	swait.ge @!p0 [sflag:s0], s1  }
0x8f: {  	s1 =	ssub.s32 @!p0 $0x0, s1;
	[sflag:s0] =	ssyncset.done @!p0 $0x0  }
0x90: {  	[sflag:s0] =	ssyncadd.s32 @!p0 s1  }
0x91: {  	[bflag:$0x3] =	sbarrier.arrive $0xFFFF  }
0x92: {  	_ =	shalt  }

// kernel: kernel.22.cloned.1.call-start
scs
__scs_entry_jumppad:
0x0: {  	(pc) =	sbr.rel $0x88, $3  }
0x1: {  	(tag) =	ssettag $0x0;
	lr =	simm.s32 $0x1  }
0x2: {  	[smem:$0x3F93] =	sst lr;
	_ =	strace $0xD0000000  }
0x3: {  	_ = 	snop  }
0x4: {  	_ = 	snop  }
0x5: {  	_ = 	snop  }
0x6: {  	_ = 	snop  }
0x7: {  	_ = 	snop  }
__scs_overlays_trampoline_lowered:
0x8: {  	[smem:$0x3FA2] =	sst s0  }
0x9: {  	[smem:$0x3FA3] =	sst s1  }
0xa: {  	[smem:$0x3FA4] =	sst s2  }
0xb: {  	[smem:$0x3FA5] =	sst s3  }
0xc: {  	[smem:$0x3FA6] =	sst s4  }
0xd: {  	[smem:$0x3FA7] =	sst s5  }
0xe: {  	[smem:$0x3FA8] =	sst s6  }
0xf: {  	[smem:$0x3FA9] =	sst s7  }
0x10: {  	[smem:$0x3FAA] =	sst s8  }
0x11: {  	[smem:$0x3FAB] =	sst s9;
	s0 =	simm.s32 @!p0 $0x0  }
0x12: {  	s1 =	sld [smem:$0x3F91];
	s0 =	simm.s32 @p0 $0x1  }
0x13: {  	[smem:$0x3FAC] =	sst s0;
	s0 =	simm.s32 @!p1 $0x0  }
0x14: {  	s2 =	sld [smem:$0x3F90];
	s0 =	simm.s32 @p1 $0x1  }
0x15: {  	[smem:$0x3FAD] =	sst s0;
	s0 =	simm.s32 @!p2 $0x0  }
0x16: {  	s3 =	sld [smem:$0x3FDB];
	s0 =	simm.s32 @p2 $0x1  }
0x17: {  	s4 =	simm.s32 $0x1BF5;
	[smem:$0x3FAF] =	sst s0  }
0x18: {  	s0 =	sld [smem:$0x3F92];
	_ =	swait.ge [sflag:s4], $0x0  }
0x19: {  	s7 =	sld [smem:$0x3F93]  }
0x1a: {  	s8 =	sadd.s32 $0xFFFFE003, lr  }
0x1b: {  	s9 =	sadd.s32 $0xFFFFFEF7, lr;
	s5 =	simm.s32 $0xFFFFFFFF;
	p2 =	slt.u32 s8, $0xFFFFF086  }
0x1c: {  	p1 =	slt.u32 s9, $0xF7A;
	s5 =	simm.s32 @!p2 $0x0  }
0x1d: {  	s5 =	simm.s32 @p1 $0x1;
	p0 =	seq.s32 s7, s2  }
0x1e: {  	s7 =	smul.u32 @!p0 $0xF7A, s2;
	p2 =	seq.s32 @!p0 s5, $0x0  }
0x1f: {  	s9 =	smul.u32 $0xF7A, s1;
	s8 =	simm.s32 @!p0 $0x1BF5;
	p2 =	por !p2, p0  }
0x20: {  	[sflag:s8] =	ssyncset.s32 @!p0 $0xFFFFF086;
	s6 =	sadd.s32 @!p0 s3, s7;
	s7 =	simm.s32 @!p0 $0x108  }
0x21: {  	s3 =	sadd.s32 s3, s9;
	s6 =	sadd.s32 @!p0 $0x88, s6;
	s7 =	simm.s32 @p2 $0x1082  }
0x22: {  	[simem:s7], [sflag:s8] =	dma.local @!p0 [hbm:s6], $0xF7A  }
0x23: {  	s9 =	sor.u32 $0xD0000000, s2;
	s6 =	simm.s32 $0x108;
	_ =	swait.ge @!p0 [sflag:s8], $0x0  }
0x24: {  	s3 =	sadd.s32 $0x88, s3;
	s6 =	simm.s32 @!p1 $0x1082;
	[sflag:s4] =	ssyncset.s32 $0xFFFFF086  }
0x25: {  	[simem:s6], [sflag:s4] =	dma.local [hbm:s3], $0xF7A  }
0x26: {  	[smem:$0x3F93] =	sst s1;
	(tag) =	ssettag s2;
	_ =	strace s9  }
0x27: {  	s1 =	sld [smem:$0x3FA3]  }
0x28: {  	s2 =	sld [smem:$0x3FA4]  }
0x29: {  	s4 =	sld [smem:$0x3FA6]  }
0x2a: {  	p0 =	seq.s32 s5, $0x0;
	s5 =	sld [smem:$0x3FA7]  }
0x2b: {  	s6 =	sld [smem:$0x3FA8]  }
0x2c: {  	s7 =	sld [smem:$0x3FA9]  }
0x2d: {  	s3 =	simm.s32 $0x108;
	s8 =	sld [smem:$0x3FAA]  }
0x2e: {  	s3 =	simm.s32 @!p0 $0x1082;
	s9 =	sld [smem:$0x3FAB]  }
0x2f: {  	lr =	sadd.s32 s0, s3;
	s0 =	sld [smem:$0x3FA2]  }
0x30: {  	s3 =	sld [smem:$0x3FA5]  }
0x31: {  	[smem:$0x3FAE] =	sst s10  }
0x32: {  	s10 =	sld [smem:$0x3FAC];
	_ =	sdelay $0x3  }
0x33: {  	p0 =	seq.s32 s10, $0x1;
	s10 =	sld [smem:$0x3FAE];
	_ =	sdelay $0x3  }
0x34: {  	[smem:$0x3FAE] =	sst s10  }
0x35: {  	s10 =	sld [smem:$0x3FAD];
	_ =	sdelay $0x3  }
0x36: {  	p1 =	seq.s32 s10, $0x1;
	s10 =	sld [smem:$0x3FAE];
	_ =	sdelay $0x3  }
0x37: {  	[smem:$0x3FAE] =	sst s10  }
0x38: {  	s10 =	sld [smem:$0x3FAF]  }
0x39: {  	_ = 	snop;
	(pc) =	sbr.ind lr, $3  }
0x3a: {  	_ = 	snop  }
0x3b: {  	_ = 	snop  }
0x3c: {  	p2 =	seq.s32 s10, $0x1;
	s10 =	sld [smem:$0x3FAE]  }
0x3d: {  	_ =	shalt  }
0x3e: {  	_ =	shalt  }
0x3f: {  	_ =	shalt  }
0x40: {  	_ =	shalt  }
0x41: {  	_ =	shalt  }
0x42: {  	_ =	shalt  }
0x43: {  	_ =	shalt  }
0x44: {  	_ =	shalt  }
0x45: {  	_ =	shalt  }
0x46: {  	_ =	shalt  }
0x47: {  	_ =	shalt  }
0x48: {  	_ =	shalt  }
0x49: {  	_ =	shalt  }
0x4a: {  	_ =	shalt  }
0x4b: {  	_ =	shalt  }
0x4c: {  	_ =	shalt  }
0x4d: {  	_ =	shalt  }
0x4e: {  	_ =	shalt  }
0x4f: {  	_ =	shalt  }
0x50: {  	_ =	shalt  }
0x51: {  	_ =	shalt  }
0x52: {  	_ =	shalt  }
0x53: {  	_ =	shalt  }
0x54: {  	_ =	shalt  }
0x55: {  	_ =	shalt  }
0x56: {  	_ =	shalt  }
0x57: {  	_ =	shalt  }
0x58: {  	_ =	shalt  }
0x59: {  	_ =	shalt  }
0x5a: {  	_ =	shalt  }
0x5b: {  	_ =	shalt  }
0x5c: {  	_ =	shalt  }
0x5d: {  	_ =	shalt  }
0x5e: {  	_ =	shalt  }
0x5f: {  	_ =	shalt  }
0x60: {  	_ =	shalt  }
0x61: {  	_ =	shalt  }
0x62: {  	_ =	shalt  }
0x63: {  	_ =	shalt  }
0x64: {  	_ =	shalt  }
0x65: {  	_ =	shalt  }
0x66: {  	_ =	shalt  }
0x67: {  	_ =	shalt  }
0x68: {  	_ =	shalt  }
0x69: {  	_ =	shalt  }
0x6a: {  	_ =	shalt  }
0x6b: {  	_ =	shalt  }
0x6c: {  	_ =	shalt  }
0x6d: {  	_ =	shalt  }
0x6e: {  	_ =	shalt  }
0x6f: {  	_ =	shalt  }
0x70: {  	_ =	shalt  }
0x71: {  	_ =	shalt  }
0x72: {  	_ =	shalt  }
0x73: {  	_ =	shalt  }
0x74: {  	_ =	shalt  }
0x75: {  	_ =	shalt  }
0x76: {  	_ =	shalt  }
0x77: {  	_ =	shalt  }
0x78: {  	_ =	shalt  }
0x79: {  	_ =	shalt  }
0x7a: {  	_ =	shalt  }
0x7b: {  	_ =	shalt  }
0x7c: {  	_ =	shalt  }
0x7d: {  	_ =	shalt  }
0x7e: {  	_ =	shalt  }
0x7f: {  	_ =	shalt  }
0x80: {  	_ =	shalt  }
0x81: {  	_ =	shalt  }
0x82: {  	_ =	shalt  }
0x83: {  	_ =	shalt  }
0x84: {  	_ =	shalt  }
0x85: {  	_ =	shalt  }
0x86: {  	_ =	shalt  }
0x87: {  	_ =	shalt  }
.Lfunc_end0:
.L_simem_size_0:
called_computation.3_lowered:
.L_overlay_start_0:
0x88: {  	s2 =	sld [smem:$0x3FD9]  }
0x89: {  	s3 =	sld [smem:$0x3FFE];
	_ =	sdelay $0x1  }
0x8a: {  	s1 =	srdreg.scid  }
0x8b: {  	s0 =	sand.u32 $0x1, s1  }
0x8c: {  	s16 =	sshll.u32 s0, $0xA;
	s2 =	sadd.s32 s3, s2  }
0x8d: {  	s2 =	sadd.s32 s2, s16  }
0x8e: {  	[smem:$0x3FBA] =	sst s2  }
0x8f: {  	_ = 	snop  }
0x90: {  	(tm) =	ssettm $0x1  }
0x91: {  	s17 =	sld [smem:$0x3FFB];
	_ =	sdelay $0x3  }
0x92: {  	_ =	strace s17  }
0x93: {  	s2 =	sld [smem:$0x3FFC];
	_ =	sdelay $0x3  }
0x94: {  	_ =	strace s2  }
0x95: {  	s2 =	sld [smem:$0x3FFD];
	_ =	sdelay $0x3  }
0x96: {  	_ =	strace s2  }
0x97: {  	_ =	strace $0x8FFFFFFF  }
0x98: {  	s18 =	sld [smem:$0x3FDB];
	_ =	sdelay $0x1  }
0x99: {  	s19 =	simm.s32 $_scs_section_size  }
0x9a: {  	s4 =	simm.s32 $_size__tile_overlayer_lowered;
	s5 =	simm.s32 $_tile_overlayer_lowered  }
0x9b: {  	s22 =	simm.s32 $0x1BFF;
	s21 =	sshll.u32 s5, $0x1;
	s2 =	sadd.s32 s19, s18  }
0x9c: {  	s6 =	simm.s32 $0x0;
	s20 =	sshll.u32 s4, $0x1;
	s4 =	sadd.s32 s21, s2  }
0x9d: {  	[timem:s6], [sflag:s22] =	dma.local [hbm:s4], s20  }
0x9e: {  	_ =	swait.ge [sflag:s22], s20  }
0x9f: {  	s3 =	ssub.s32 $0x0, s20;
	[sflag:s22] =	ssyncset.done $0x0  }
0xa0: {  	[sflag:s22] =	ssyncadd.s32 s3;
	_ =	sdelay $0x1  }
0xa1: {  	s23 =	simm.s32 $0x1B8B  }
0xa2: {  	_ =	swait.ge [sflag:s23], $0x1  }
0xa3: {  	[sflag:s23] =	ssyncset.done $0x0  }
0xa4: {  	s25 =	simm.s32 $0x1B8E;
	s24 =	sld [smem:$0x3FFE];
	[sflag:s23] =	ssyncadd.s32 $0xFFFFFFFF  }
0xa5: {  	s26 =	simm.s32 $execute0_lowered;
	[smem:$0x3FD2] =	sst s25  }
0xa6: {  	s4 =	sshll.u32 s26, $0x1;
	_ =	strace $0x8000004F;
	[dreg:$0x1] =	wrdreg $0xFFFFFFFF  }
0xa7: {  	s28 =	simm.s32 $_size_execute0_lowered;
	s2 =	sadd.s32 s2, s4;
	[dreg:$0x0] =	wrdreg $0x0  }
0xa8: {  	s4 =	sshll.u32 s28, $0x1;
	[dreg:$0x2] =	wrdreg s2  }
0xa9: {  	[dreg:$0x3] =	wrdreg s4  }
0xaa: {  	[dreg:$0x4] =	wrdreg $0xC0  }
0xab: {  	_ =	task [dreg:s6], $0x5FFFF  }
0xac: {  	[dreg:$0x1] =	wrdreg $0xFFFFFFFF  }
0xad: {  	[dreg:$0x0] =	wrdreg $0x60  }
0xae: {  	[dreg:$0x2] =	wrdreg s24  }
0xaf: {  	[dreg:$0x3] =	wrdreg $0x67000  }
0xb0: {  	[dreg:$0x4] =	wrdreg $0x9  }
0xb1: {  	_ =	task.clear_ibuf [dreg:s6], $0x5FFFF;
	_ =	strace $0x9000004F  }
0xb2: {  	s29 =	simm.s32 $0x9;
	_ =	strace $0x80000051  }
0xb3: {  	_ =	swait.ge [sflag:s29], $0x1  }
0xb4: {  	[sflag:s29] =	ssyncadd.s32 $0xFFFFFFFF  }
0xb5: {  	_ =	strace $0x90000051  }
0xb6: {  	_ =	sfence  }
0xb7: {  	s30 =	sld [smem:$0x0];
	_ =	sdelay $0x2  }
0xb8: {  	s31 =	sshll.u32 s1, $0xD;
	s1 =	sshrl.u32 s1, $0x2  }
0xb9: {  	s3 =	sand.u32 $0x4000, s31;
	s1 =	sadd.s32 s1, s30  }
0xba: {  	s0 =	sor.u32 s3, s0;
	s1 =	sshll.u32 s1, $0x11  }
0xbb: {  	s0 =	sor.u32 s1, s0  }
0xbc: {  	s0 =	sadd.s32 $0x8F2B, s0  }
0xbd: {  	[sflag:s0] =	ssyncadd.remote.s32 $0x1  }
0xbe: {  	_ =	sfence.sel $0xFFFF  }
0xbf: {  	[dreg:$0x0] =	wrdreg $0xFFFFFFFF;
	(pc) =	sbr.abs _section_cstart, $3  }
0xc0: {  	[dreg:$0x1] =	wrdreg $0xFFFFFFFF  }
0xc1: {  	_ =	task.clear_ibuf [dreg:s6], $0x2FFFF;
	_ =	strace $0x9FFFFFFF  }
0xc2: {  	(tm) =	ssettm $0x7FFFFFFF  }
0xc3: {  	_ =	shalt  }
tec
execute0_lowered:
.L_overlay_start_1:
0x0: {  	(tag) =	ssettag $0x1  }
0x1: {  	s8 =	rddreg [dreg:$0x0]  }
0x2: {  	s1 =	rddreg [dreg:$0x1]  }
0x3: {  	s0 =	rddreg [dreg:$0x2];
	s2 =	simm.s32 $0x0;
	s6 =	srdreg.scid  }
0x4: {  	s3 =	stileid.u32;
	s19 =	simm.s32 $0x1;
	s20 =	simm.s32 $0x100  }
0x5: {  	s21 =	simm.s32 $0x200;
	s22 =	simm.s32 $0xC8;
	[smem:$0x7FF] =	sst s2  }
0x6: {  	s4 =	sadd.s32 $0x29B800, s8;
	s5 =	sadd.s32 $0x20A00, s8;
	s10 =	sand.u32 $0x1, s6  }
0x7: {  	s6 =	sadd.s32 $0x16C00, s8;
	s11 =	smul.u32 $0x4E000, s3;
	s7 =	sadd.s32 $0xCE00, s8  }
0x8: {  	s15 =	sadd.s32 $0x2A800, s8;
	s12 =	smul.u32 $0x270, s3;
	s31 =	sshll.u32 s3, $0x1  }
0x9: {  	p0 =	sne.s32 s3, $0xF;
	_ =	strace $0x80000050;
	s9 =	ssub.s32 $0x2, s10  }
0xa: {  	s13 =	smul.u32 $0x2710, s10;
	s14 =	sor.u32 s10, s31;
	s29 =	sshrl.u32 s9, $0x1  }
0xb: {  	s16 =	smul.u32 $0x138800, s10;
	s30 =	sshrl.u32 s11, $0x2;
	s17 =	ssub.s32 s9, s29  }
0xc: {  	s8 =	sadd.s32 s30, s1;
	s13 =	sadd.s32 s12, s13;
	s12 =	sadd.s32 $0x138000, s1  }
0xd: {  	s16 =	sshrl.u32 s16, $0x3;
	s9 =	sadd.s32 $0x6400, s8;
	s10 =	sadd.s32 $0xC800, s8  }
0xe: {  	s11 =	sadd.s32 $0x12C00, s8;
	s18 =	sshll.u32 s13, $0x4;
	s13 =	smul.u32 $0x2710, s14  }
0xf: {  	s16 =	sadd.s32 s15, s16;
	s17 =	smax.u32 s17, $0x1;
	s14 =	sadd.s32 s15, s18  }
0x10: {  	v0 =	vimm.f32 $0.0e+00;
	s16 =	sadd.s32 $0x27000, s16;
	s18 =	simm.s32 $0x300;
	s15 =	sadd.s32 $0x1900, s14  }
.LBB2_1:
0x11: {  	s23 =	simm.s32 $0x0;
	s24 =	simm.s32 $0x200  }
.LBB2_2:
0x12: {  	p1 =	sne.s32 s24, $0x18E00;
	[tilespmem:s23+$0x370] =	vst v0  }
0x13: {  	[tilespmem:s23+$0x300] =	vst v0  }
0x14: {  	[tilespmem:s23+$0x310] =	vst v0  }
.Ltmp0:
0x15: {  	[tilespmem:s23+$0x320] =	vst v0;
	(pc) =	sbr.rel @p1 .LBB2_2-.Ltmp0, $4  }
0x16: {  	[tilespmem:s23+$0x330] =	vst v0  }
0x17: {  	[tilespmem:s23+$0x340] =	vst v0  }
0x18: {  	[tilespmem:s23+$0x350] =	vst v0  }
0x19: {  	[tilespmem:s23+$0x360] =	vst v0;
	s23 =	sshra.s32 s24, $0x2;
	s24 =	sadd.s32 $0x200, s24  }
0x1a: {  	[tilespmem:s23+$0x370] =	vst v0  }
0x1b: {  	[tilespmem:s23+$0x300] =	vst v0  }
0x1c: {  	[tilespmem:s23+$0x310] =	vst v0  }
0x1d: {  	[tilespmem:s23+$0x320] =	vst v0  }
0x1e: {  	[tilespmem:s23+$0x330] =	vst v0  }
0x1f: {  	[tilespmem:s23+$0x340] =	vst v0  }
0x20: {  	[tilespmem:s23+$0x350] =	vst v0  }
0x21: {  	[tilespmem:s23+$0x360] =	vst v0  }
0x22: {  	[spmem:s8] =	stream.linear.scatter [tilespmem:s18], [sflag:$0x1], $0x6400, $0x38;
	[tilespmem:$0x19F80] =	vst v63  }
0x23: {  	_ =	swait.ge [sflag:s19], $0x6400  }
0x24: {  	[sflag:s19] =	ssyncset.done $0x0  }
0x25: {  	[sflag:s19] =	ssyncadd.s32 $0xFFFF9C00  }
0x26: {  	[spmem:s9] =	stream.linear.scatter [tilespmem:s18], [sflag:$0x1], $0x6400, $0x38;
	[tilespmem:$0x19F80] =	vst v63  }
0x27: {  	_ =	swait.ge [sflag:s19], $0x6400  }
0x28: {  	[sflag:s19] =	ssyncset.done $0x0  }
0x29: {  	[sflag:s19] =	ssyncadd.s32 $0xFFFF9C00  }
0x2a: {  	[spmem:s10] =	stream.linear.scatter [tilespmem:s18], [sflag:$0x1], $0x6400, $0x38;
	[tilespmem:$0x19F80] =	vst v63  }
0x2b: {  	_ =	swait.ge [sflag:s19], $0x6400  }
0x2c: {  	[sflag:s19] =	ssyncset.done $0x0  }
0x2d: {  	[sflag:s19] =	ssyncadd.s32 $0xFFFF9C00  }
0x2e: {  	[spmem:s11] =	stream.linear.scatter [tilespmem:s18], [sflag:$0x1], $0xC00, $0x38;
	[tilespmem:$0x19F80] =	vst v63  }
0x2f: {  	_ =	swait.ge [sflag:s19], $0xC00  }
0x30: {  	[sflag:s19] =	ssyncset.done $0x0  }
0x31: {  	s23 =	simm.s32 @!p0 $0x300;
	[sflag:s19] =	ssyncadd.s32 $0xFFFFF400  }
0x32: {  	[spmem:s12] =	stream.linear.scatter @!p0 [tilespmem:s23], [sflag:$0x1], $0x800, $0x38;
	[tilespmem:$0x19F80] =	vst v63  }
0x33: {  	s23 =	simm.s32 @!p0 $0x1  }
0x34: {  	_ =	swait.ge @!p0 [sflag:s23], $0x800  }
0x35: {  	[sflag:s23] =	ssyncset.done @!p0 $0x0  }
0x36: {  	[sflag:s23] =	ssyncadd.s32 @!p0 $0xFFFFF800  }
0x37: {  	s24 =	simm.s32 $0x0;
	s23 =	simm.s32 $0x0;
	[bflag:$0x0] =	sbarrier.arrive $0xFFFF  }
.LBB2_4:
0x38: {  	s25 =	smul.u32 $0xC8, s24;
	_ =	sdelay $0x1  }
0x39: {  	s25 =	sadd.s32 s13, s25  }
0x3a: {  	s25 =	sshrl.u32 s25, $0x3  }
0x3b: {  	s26 =	sadd.s32 s5, s25  }
0x3c: {  	[tilespmem:s23], [sflag:$0x1] =	stream.linear.gather [hbm4b:s26+s23], $0xC8, $0x38;
	[tilespmem:$0x19F80] =	vst v63  }
0x3d: {  	_ =	swait.ge [sflag:s19], $0xC8  }
0x3e: {  	[sflag:s19] =	ssyncset.done $0x0  }
0x3f: {  	s31 =	sadd.s32 s6, s25;
	[sflag:s19] =	ssyncadd.s32 $0xFFFFFF38  }
0x40: {  	[tilespmem:s20], [sflag:$0x1] =	stream.linear.gather [hbm4b:s31+s23], $0xC8, $0x38;
	[tilespmem:$0x19F80] =	vst v63  }
0x41: {  	_ =	swait.ge [sflag:s19], $0xC8  }
0x42: {  	[sflag:s19] =	ssyncset.done $0x0  }
0x43: {  	s25 =	sadd.s32 s7, s25;
	[sflag:s19] =	ssyncadd.s32 $0xFFFFFF38  }
0x44: {  	[tilespmem:s21], [sflag:$0x1] =	stream.linear.gather [hbm4b:s25+s23], $0xC8, $0x38;
	[tilespmem:$0x19F80] =	vst v63  }
0x45: {  	_ =	swait.ge [sflag:s19], $0xC8  }
0x46: {  	[sflag:s19] =	ssyncset.done $0x0  }
0x47: {  	[sflag:s19] =	ssyncadd.s32 $0xFFFFFF38  }
0x48: {  	[tilespmem:s18], [sflag:$0x1] =	stream.indirect.gather [hbm4b:s4+s22], $0x80, s23, s22, $0xb8;
	[tilespmem:$0x19F80] =	vst v63  }
0x49: {  	_ =	swait.ge [sflag:s19], $0x6400  }
0x4a: {  	v1 =	vmov s23;
	[sflag:s19] =	ssyncset.done $0x0  }
0x4b: {  	s25 =	simm.s32 $0x340;
	[sflag:s19] =	ssyncadd.s32 $0xFFFF9C00  }
0x4c: {  	v5 =	vld [tilespmem:s25+$0x30]  }
0x4d: {  	v8 =	vld [tilespmem:s25+$0x10]  }
0x4e: {  	v6 =	vld [tilespmem:s25+$0xFFFFFFC0]  }
0x4f: {  	v2 =	vld.idx.msk [tilespmem:v1+s20+$0x0], $0xffff  }
0x50: {  	v10 =	vld [tilespmem:s25+$0xFFFFFFE0]  }
0x51: {  	v1 =	vld [tilespmem:s25+$0xFFFFFFF0]  }
0x52: {  	v3 =	vld [tilespmem:s25+$0x20]  }
0x53: {  	v4 =	vld [tilespmem:s25+$0xFFFFFFD0]  }
0x54: {  	v9 =	vmul.f32 v5, v2;
	v5 =	vld [tilespmem:s25+$0x0]  }
0x55: {  	v7 =	vmul.f32 v6, v2  }
0x56: {  	s28 =	simm.s32 $0x340;
	s26 =	simm.s32 $0x1;
	v6 =	vmul.f32 v10, v2;
	v8 =	vmul.f32 v8, v2  }
.LBB2_5:
0x57: {  	p1 =	sne.s32 s26, $0xC7  }
0x58: {  	v4 =	vmul.f32 v4, v2;
	v3 =	vmul.f32 v3, v2;
	[tilespmem:s25+$0x30] =	vst v9;
	s28 =	sadd.s32 $0x80, s28;
	s29 =	smov.u32 s26;
	s26 =	sadd.s32 $0x1, s26  }
0x59: {  	[tilespmem:s25+$0xFFFFFFC0] =	vst v7;
	v7 =	vmul.f32 v1, v2;
	v2 =	vmul.f32 v5, v2  }
0x5a: {  	[tilespmem:s25+$0x10] =	vst v8  }
0x5b: {  	v5 =	vmov s29;
	[tilespmem:s25+$0xFFFFFFE0] =	vst v6  }
0x5c: {  	v1 =	vld [tilespmem:s28+$0xFFFFFFF0];
	[tilespmem:s25+$0xFFFFFFF0] =	vst v7  }
0x5d: {  	v6 =	vld [tilespmem:s28+$0x30];
	[tilespmem:s25+$0x0] =	vst v2  }
0x5e: {  	v8 =	vld [tilespmem:s28+$0x10];
	[tilespmem:s25+$0x20] =	vst v3  }
0x5f: {  	v7 =	vld [tilespmem:s28+$0xFFFFFFC0];
	[tilespmem:s25+$0xFFFFFFD0] =	vst v4;
	s25 =	smov.u32 s28  }
0x60: {  	v2 =	vld.idx.msk [tilespmem:v5+s20+$0x0], $0xffff  }
0x61: {  	v10 =	vld [tilespmem:s28+$0xFFFFFFE0]  }
0x62: {  	v3 =	vld [tilespmem:s28+$0x20]  }
.Ltmp1:
0x63: {  	v4 =	vld [tilespmem:s28+$0xFFFFFFD0];
	(pc) =	sbr.rel @p1 .LBB2_5-.Ltmp1, $3  }
0x64: {  	v5 =	vld [tilespmem:s28+$0x0];
	_ =	sdelay $0x1  }
0x65: {  	v7 =	vmul.f32 v7, v2;
	v9 =	vmul.f32 v6, v2  }
0x66: {  	v8 =	vmul.f32 v8, v2;
	v6 =	vmul.f32 v10, v2  }
0x67: {  	[tilespmem:s25+$0x30] =	vst v9  }
0x68: {  	[tilespmem:s25+$0xFFFFFFC0] =	vst v7  }
0x69: {  	v1 =	vmul.f32 v1, v2;
	[tilespmem:s25+$0x10] =	vst v8  }
0x6a: {  	v3 =	vmul.f32 v3, v2;
	[tilespmem:s25+$0xFFFFFFE0] =	vst v6  }
0x6b: {  	v5 =	vmul.f32 v5, v2;
	[tilespmem:s25+$0xFFFFFFF0] =	vst v1  }
0x6c: {  	s24 =	sadd.s32 $0x1, s24;
	v1 =	vmul.f32 v4, v2;
	[tilespmem:s25+$0x20] =	vst v3  }
0x6d: {  	p1 =	sne.s32 s24, $0x32;
	[tilespmem:s25+$0x0] =	vst v5  }
.Ltmp2:
0x6e: {  	[tilespmem:s25+$0xFFFFFFD0] =	vst v1;
	(pc) =	sbr.rel @p1 .LBB2_4-.Ltmp2, $4  }
0x6f: {  	[spmem:s1] =	stream.indirect.scatter.add.f32 [tilespmem:s18], [sflag:$0x1], $0x80, s21, s22, $0xb8;
	[tilespmem:$0x19F80] =	vst v63  }
0x70: {  	_ =	swait.ge [sflag:s19], $0x6400  }
0x71: {  	[sflag:s19] =	ssyncset.done $0x0  }
0x72: {  	[sflag:s19] =	ssyncadd.s32 $0xFFFF9C00  }
0x73: {  	s23 =	sshll.u32 s3, $0x6  }
0x74: {  	[bflag:$0x0] =	sbarrier.arrive $0xFFFF;
	s24 =	sshrl.u32 s8, $0x3;
	s23 =	sor.u32 $0x1C01, s23  }
0x75: {  	[hbm:s14], [sflag:s23] =	dma.local [spmem:s24], $0x1900  }
0x76: {  	_ =	swait.ge [sflag:s19], $0x1900  }
0x77: {  	[sflag:s19] =	ssyncset.done $0x0  }
0x78: {  	s31 =	sshrl.u32 s10, $0x3;
	[sflag:s19] =	ssyncadd.s32 $0xFFFFE700  }
0x79: {  	[hbm:s15], [sflag:s23] =	dma.local [spmem:s31], $0xE00  }
0x7a: {  	_ =	swait.ge [sflag:s19], $0xE00  }
0x7b: {  	s2 =	sadd.s32 $0x1, s2;
	[sflag:s19] =	ssyncset.done $0x0  }
0x7c: {  	p1 =	sne.s32 s2, s17;
	s24 =	sshrl.u32 @!p0 s12, $0x3;
	[sflag:s19] =	ssyncadd.s32 $0xFFFFF200  }
0x7d: {  	[hbm:s16], [sflag:s23] =	dma.local @!p0 [spmem:s24], $0x100  }
.Ltmp3:
0x7e: {  	_ = 	snop;
	(pc) =	sbr.rel @p1 .LBB2_1-.Ltmp3, $4  }
0x7f: {  	s23 =	simm.s32 @!p0 $0x1  }
0x80: {  	_ =	swait.ge @!p0 [sflag:s23], $0x100  }
0x81: {  	[sflag:s23] =	ssyncset.done @!p0 $0x0  }
0x82: {  	[sflag:s23] =	ssyncadd.s32 @!p0 $0xFFFFFF00  }
0x83: {  	_ =	sfence.sel $0x180000  }
0x84: {  	[bflag:$0x0] =	sbarrier.arrive $0xFFFF  }
0x85: {  	p0 =	sne.s32 s3, $0x0;
	_ =	strace $0x90000050  }
0x86: {  	s0 =	sadd.s32 @!p0 $0x100000, s0;
	[bflag:$0x2] =	sbarrier.arrive $0xFFFF  }
0x87: {  	[sflag:s0] =	ssyncadd.tile.s32 @!p0 $0x1;
	_ =	shalt  }
.Lfunc_end2:
_tile_overlayer_lowered:
.L_overlay_start_2:
0x88: {  	(tag) =	ssettag $0x2  }
0x89: {  	s0 =	rddreg [dreg:$0x0];
	s2 =	stileid.u32  }
0x8a: {  	s1 =	rddreg [dreg:$0x1];
	p0 =	sne.s32 s2, $0x0  }
0x8b: {  	s3 =	rddreg [dreg:$0x2];
	[bflag:$0x3] =	sbarrier.arrive $0xFFFF;
	s2 =	simm.s32 @!p0 $0x1C01  }
0x8c: {  	[timem:s3], [sflag:s2] =	dma.local @!p0 [hbm:s0], s1  }
0x8d: {  	s0 =	simm.s32 @!p0 $0x1  }
0x8e: {  	_ =	swait.ge @!p0 [sflag:s0], s1  }
0x8f: {  	s1 =	ssub.s32 @!p0 $0x0, s1;
	[sflag:s0] =	ssyncset.done @!p0 $0x0  }
0x90: {  	[sflag:s0] =	ssyncadd.s32 @!p0 s1  }
0x91: {  	[bflag:$0x3] =	sbarrier.arrive $0xFFFF  }
0x92: {  	_ =	shalt  }

</sc_bundles>
